<compile_context>
chip_gen: v7x
topology: tpu7x:2x2x1
jax: 0.10.2.dev20260603
libtpu: 0.0.44.dev20260713+nightly
codegen_flags: <defaults>
</compile_context>

<pallas_src>
import functools

import jax
import jax.numpy as jnp
from jax import lax
from jax.experimental import pallas as pl
from jax.experimental.pallas import tpu as pltpu
from jax.experimental.pallas import tpu_sc as plsc

_N = 8192
_K = 16
_C = 256
_PH = 64
_T_LAST = 1.0
_EPS = 1e-5
_NK = _N * _K

_MASKVAL = 1e38

_RBP = 256


def _rn_bf16_bits(u):
    half = jnp.int32(0x7FFF) + jnp.bitwise_and(lax.shift_right_logical(u, 16), 1)
    return jnp.bitwise_and(u + half, jnp.int32(-65536))


def _proj_body(fl_ref, fi_ref, qwt_ref, qb_ref, kwt_ref, kb_ref, vwt_ref, vb_ref,
               ql_ref, kv_ref):
    fl = fl_ref[...].astype(jnp.bfloat16)
    fi = fi_ref[...].astype(jnp.bfloat16)
    ql_ref[...] = jnp.dot(fl, qwt_ref[...].astype(jnp.bfloat16),
                          preferred_element_type=jnp.float32) + qb_ref[...]
    k = jnp.dot(fi, kwt_ref[...].astype(jnp.bfloat16),
                preferred_element_type=jnp.float32) + kb_ref[...]
    v = jnp.dot(fi, vwt_ref[...].astype(jnp.bfloat16),
                preferred_element_type=jnp.float32) + vb_ref[...]
    ku = _rn_bf16_bits(lax.bitcast_convert_type(k, jnp.int32))
    vu = _rn_bf16_bits(lax.bitcast_convert_type(v, jnp.int32))
    packed = jnp.bitwise_or(ku, lax.shift_right_logical(vu, 16))
    kv_ref[...] = lax.bitcast_convert_type(packed, jnp.float32)


def _proj(fea_last, fea_i, q_wt, q_b, k_wt, k_b, v_wt, v_b):
    grid = (_N // _RBP,)
    return pl.pallas_call(
        _proj_body,
        grid=grid,
        in_specs=[
            pl.BlockSpec((_RBP, _C), lambda b: (b, 0)),
            pl.BlockSpec((_RBP, _C), lambda b: (b, 0)),
            pl.BlockSpec((_C, _C), lambda b: (0, 0)),
            pl.BlockSpec((1, _C), lambda b: (0, 0)),
            pl.BlockSpec((_C, _C), lambda b: (0, 0)),
            pl.BlockSpec((1, _C), lambda b: (0, 0)),
            pl.BlockSpec((_C, _C), lambda b: (0, 0)),
            pl.BlockSpec((1, _C), lambda b: (0, 0)),
        ],
        out_specs=[
            pl.BlockSpec((_RBP, _C), lambda b: (b, 0)),
            pl.BlockSpec((_RBP, _C), lambda b: (b, 0)),
        ],
        out_shape=[
            jax.ShapeDtypeStruct((_N, _C), jnp.float32),
            jax.ShapeDtypeStruct((_N, _C), jnp.float32),
        ],
    )(fea_last, fea_i, q_wt, q_b, k_wt, k_b, v_wt, v_b)


_RB = 256
_CT = 256
_NT = _N // _CT


def _knn_body(tlo_ref, thi_ref, yt_ref, by_ref, xr_ref, bx_ref, idx_ref, d_ref):
    pid = pl.program_id(0)
    tlo = tlo_ref[pid]
    thi = thi_ref[pid]
    yt = yt_ref[...]
    ybt = yt.astype(jnp.bfloat16)
    by = by_ref[...]
    big = jnp.int32(2 ** 30)
    inf = jnp.float32(jnp.inf)
    yy = yt[0:1, :] * yt[0:1, :] + yt[1:2, :] * yt[1:2, :] + yt[2:3, :] * yt[2:3, :]

    am = jnp.full((1, _RB), -1, jnp.int32)
    for k in range(_K):
        am_prev = am

        def step(t, carry, am_prev=am_prev, first=(k == 0), last=(k == _K - 1)):
            m, am = carry
            sl = pl.ds(t * _CT, _CT)
            rowi = lax.broadcasted_iota(jnp.int32, (_CT, _RB), 0) + t * _CT
            if first:
                xs = xr_ref[sl, :]
                xx = (xs[:, 0:1] * xs[:, 0:1] + xs[:, 1:2] * xs[:, 1:2]
                      + xs[:, 2:3] * xs[:, 2:3])
                dot = jnp.dot(xs.astype(jnp.bfloat16), ybt,
                              preferred_element_type=jnp.float32)
                tile = yy + xx - 2.0 * dot
                bx = bx_ref[sl, :]
                tile = jnp.where(bx != by, jnp.float32(_MASKVAL), tile)
            else:
                tile = jnp.where(rowi == am_prev, inf, d_ref[sl, :])
            if not last:
                d_ref[sl, :] = tile
            tmin = jnp.min(tile, axis=0, keepdims=True)
            tam = jnp.min(jnp.where(tile <= tmin, rowi, big), axis=0, keepdims=True)
            upd = tmin < m
            return (jnp.where(upd, tmin, m), jnp.where(upd, tam, am))

        m, am = lax.fori_loop(
            tlo, thi, step,
            (jnp.full((1, _RB), inf, jnp.float32), jnp.full((1, _RB), big, jnp.int32)))
        idx_ref[k:k + 1, :] = am


def _knn(yt8, byr, x8r, bxc, tlo, thi):
    grid_spec = pltpu.PrefetchScalarGridSpec(
        num_scalar_prefetch=2,
        grid=(_N // _RB,),
        in_specs=[
            pl.BlockSpec((8, _RB), lambda b, *_: (0, b)),
            pl.BlockSpec((1, _RB), lambda b, *_: (0, b)),
            pl.BlockSpec((_N, 8), lambda b, *_: (0, 0)),
            pl.BlockSpec((_N, 1), lambda b, *_: (0, 0)),
        ],
        out_specs=pl.BlockSpec((_K, _RB), lambda b, *_: (0, b)),
        scratch_shapes=[pltpu.VMEM((_N, _RB), jnp.float32)],
    )
    return pl.pallas_call(
        _knn_body,
        grid_spec=grid_spec,
        out_shape=jax.ShapeDtypeStruct((_K, _N), jnp.int32),
    )(tlo, thi, yt8, byr, x8r, bxc)


_NW = 32
_BPW = _NK // _NW
_G = 64


_TW = _C + 128


def _gather(table, idx_flat):
    mesh = plsc.VectorSubcoreMesh(core_axis_name="c", subcore_axis_name="s")

    @functools.partial(
        pl.kernel,
        mesh=mesh,
        out_type=jax.ShapeDtypeStruct((_NK, _TW), jnp.float32),
        scratch_types=[
            pltpu.VMEM((_G,), jnp.int32),
            pltpu.VMEM((_G,), jnp.int32),
            pltpu.VMEM((_G, _TW), jnp.float32),
            pltpu.VMEM((_G, _TW), jnp.float32),
            pltpu.SemaphoreType.DMA,
            pltpu.SemaphoreType.DMA,
        ],
    )
    def gk(t_hbm, idx_hbm, o_hbm, i0, i1, r0, r1, sem0, sem1):
        wid = lax.axis_index("s") * 2 + lax.axis_index("c")
        base = wid * _BPW
        n2 = _BPW // _G // 2

        def start(g, iv, rv, sem):
            pltpu.sync_copy(idx_hbm.at[pl.ds(base + g * _G, _G)], iv)
            pltpu.async_copy(t_hbm.at[iv], rv, sem)

        def drain(rv, sem):
            pltpu.make_async_copy(o_hbm.at[pl.ds(base, _G)], rv, sem).wait()

        start(0, i0, r0, sem0)
        start(1, i1, r1, sem1)

        def body(jj, c):
            g0 = jj * 2
            drain(r0, sem0)
            pltpu.sync_copy(r0, o_hbm.at[pl.ds(base + g0 * _G, _G)])

            @pl.when(jj < n2 - 1)
            def _():
                start(g0 + 2, i0, r0, sem0)

            drain(r1, sem1)
            pltpu.sync_copy(r1, o_hbm.at[pl.ds(base + (g0 + 1) * _G, _G)])

            @pl.when(jj < n2 - 1)
            def _():
                start(g0 + 3, i1, r1, sem1)

            return c

        lax.fori_loop(0, n2, body, 0)

    return gk(table, idx_flat)


_FB = 512
_NP = _FB // _K


def _expand_mat():
    r = lax.broadcasted_iota(jnp.int32, (_FB, _NP), 0) // _K
    c = lax.broadcasted_iota(jnp.int32, (_FB, _NP), 1)
    return (r == c).astype(jnp.float32)


def _leaky(x):
    return jnp.where(x >= 0, x, 0.01 * x)


_FBS = 2048
_NPS = _FBS // _K


def _expand_mat_s():
    r = lax.broadcasted_iota(jnp.int32, (_FBS, _NPS), 0) // _K
    c = lax.broadcasted_iota(jnp.int32, (_FBS, _NPS), 1)
    return (r == c).astype(jnp.float32)


def _pe1stat_body(xg_ref, xl8_ref, pw1t_ref, pb1_ref, st_ref):
    e = _expand_mat_s()
    delta = xg_ref[:, 0:8] - jnp.dot(e, xl8_ref[...], preferred_element_type=jnp.float32)
    pe1 = jnp.dot(delta, pw1t_ref[...], preferred_element_type=jnp.float32) + pb1_ref[...]
    st_ref[0:1, 0:1, 0:_PH] = jnp.sum(pe1, axis=0, keepdims=True).reshape(1, 1, _PH)
    st_ref[0:1, 0:1, _PH:2 * _PH] = jnp.sum(pe1 * pe1, axis=0, keepdims=True).reshape(1, 1, _PH)


def _pe1stat(g, xl8, pw1t8, pb1):
    grid = (_NK // _FBS,)
    return pl.pallas_call(
        _pe1stat_body,
        grid=grid,
        in_specs=[
            pl.BlockSpec((_FBS, 128), lambda b: (b, 2)),
            pl.BlockSpec((_NPS, 8), lambda b: (b, 0)),
            pl.BlockSpec((8, _PH), lambda b: (0, 0)),
            pl.BlockSpec((1, _PH), lambda b: (0, 0)),
        ],
        out_specs=pl.BlockSpec((1, 1, 2 * _PH), lambda b: (b, 0, 0)),
        out_shape=jax.ShapeDtypeStruct((_NK // _FBS, 1, 2 * _PH), jnp.float32),
    )(g, xl8, pw1t8, pb1)


def _passB_body(xg_ref, kvg_ref, ql_ref, xl8_ref, pw1t_ref, pb1_ref,
                a1_ref, c1_ref, pw2t_ref, pb2_ref,
                wpre_ref, vout_ref, st_ref):
    u = lax.bitcast_convert_type(kvg_ref[...], jnp.int32)
    kg = lax.bitcast_convert_type(jnp.bitwise_and(u, jnp.int32(-65536)), jnp.float32)
    vg = lax.bitcast_convert_type(lax.shift_left(u, 16), jnp.float32)
    e = _expand_mat()
    delta = xg_ref[:, 0:8] - jnp.dot(e, xl8_ref[...], preferred_element_type=jnp.float32)
    pe1 = jnp.dot(delta, pw1t_ref[...], preferred_element_type=jnp.float32) + pb1_ref[...]
    pe1 = _leaky(pe1 * a1_ref[...] + c1_ref[...])
    pe2 = jnp.dot(pe1.astype(jnp.bfloat16), pw2t_ref[...].astype(jnp.bfloat16),
                  preferred_element_type=jnp.float32) + pb2_ref[...]
    qlr = jnp.dot(e, ql_ref[...], preferred_element_type=jnp.float32)
    wpre = qlr - kg + pe2
    wpre_ref[...] = wpre.astype(jnp.bfloat16)
    vout_ref[...] = (vg + pe2).astype(jnp.bfloat16)
    st_ref[0:1, 0:1, 0:_C] = jnp.sum(wpre, axis=0, keepdims=True).reshape(1, 1, _C)
    st_ref[0:1, 0:1, _C:2 * _C] = jnp.sum(wpre * wpre, axis=0, keepdims=True).reshape(1, 1, _C)


def _passB(g, ql, xl8, pw1t8, pb1, a1, c1, pw2t, pb2):
    grid = (_NK // _FB,)
    return pl.pallas_call(
        _passB_body,
        grid=grid,
        in_specs=[
            pl.BlockSpec((_FB, 128), lambda b: (b, 2)),
            pl.BlockSpec((_FB, _C), lambda b: (b, 0)),
            pl.BlockSpec((_NP, _C), lambda b: (b, 0)),
            pl.BlockSpec((_NP, 8), lambda b: (b, 0)),
            pl.BlockSpec((8, _PH), lambda b: (0, 0)),
            pl.BlockSpec((1, _PH), lambda b: (0, 0)),
            pl.BlockSpec((1, _PH), lambda b: (0, 0)),
            pl.BlockSpec((1, _PH), lambda b: (0, 0)),
            pl.BlockSpec((_PH, _C), lambda b: (0, 0)),
            pl.BlockSpec((1, _C), lambda b: (0, 0)),
        ],
        out_specs=[
            pl.BlockSpec((_FB, _C), lambda b: (b, 0)),
            pl.BlockSpec((_FB, _C), lambda b: (b, 0)),
            pl.BlockSpec((1, 1, 2 * _C), lambda b: (b, 0, 0)),
        ],
        out_shape=[
            jax.ShapeDtypeStruct((_NK, _C), jnp.bfloat16),
            jax.ShapeDtypeStruct((_NK, _C), jnp.bfloat16),
            jax.ShapeDtypeStruct((_NK // _FB, 1, 2 * _C), jnp.float32),
        ],
    )(g, g, ql, xl8, pw1t8, pb1, a1, c1, pw2t, pb2)


def _passC_body(wpre_ref, ag_ref, cg_ref, wwt_ref, wb_ref, h_ref, st_ref):
    s = _leaky(wpre_ref[...].astype(jnp.float32) * ag_ref[...] + cg_ref[...])
    h = jnp.dot(s.astype(jnp.bfloat16), wwt_ref[...].astype(jnp.bfloat16),
                preferred_element_type=jnp.float32) + wb_ref[...]
    h_ref[...] = h.astype(jnp.bfloat16)
    st_ref[0:1, 0:1, 0:_C] = jnp.sum(h, axis=0, keepdims=True).reshape(1, 1, _C)
    st_ref[0:1, 0:1, _C:2 * _C] = jnp.sum(h * h, axis=0, keepdims=True).reshape(1, 1, _C)


def _passC(wpre, ag1, cg1, wwt, wb):
    grid = (_NK // _FB,)
    return pl.pallas_call(
        _passC_body,
        grid=grid,
        in_specs=[
            pl.BlockSpec((_FB, _C), lambda b: (b, 0)),
            pl.BlockSpec((1, _C), lambda b: (0, 0)),
            pl.BlockSpec((1, _C), lambda b: (0, 0)),
            pl.BlockSpec((_C, _C), lambda b: (0, 0)),
            pl.BlockSpec((1, _C), lambda b: (0, 0)),
        ],
        out_specs=[
            pl.BlockSpec((_FB, _C), lambda b: (b, 0)),
            pl.BlockSpec((1, 1, 2 * _C), lambda b: (b, 0, 0)),
        ],
        out_shape=[
            jax.ShapeDtypeStruct((_NK, _C), jnp.bfloat16),
            jax.ShapeDtypeStruct((_NK // _FB, 1, 2 * _C), jnp.float32),
        ],
    )(wpre, ag1, cg1, wwt, wb)


def _tree_red(x, op):
    w = _K
    while w > 1:
        h = w // 2
        x = op(x[:, 0:h], x[:, h:w])
        w = h
    return x


def _passD_body(h_ref, v_ref, ag_ref, cg_ref, out_ref):
    s = _leaky(h_ref[...].astype(jnp.float32) * ag_ref[...] + cg_ref[...])
    m = _tree_red(s, jnp.maximum)
    ex = jnp.exp(s - m)
    den = _tree_red(ex, jnp.add)
    w = ex / den
    out_ref[...] = _tree_red(w * v_ref[...].astype(jnp.float32), jnp.add)


_NPD = 64


def _passD(h3, v3, ag2, cg2):
    grid = (_N // _NPD,)
    return pl.pallas_call(
        _passD_body,
        grid=grid,
        in_specs=[
            pl.BlockSpec((_NPD, _K, _C), lambda b: (b, 0, 0)),
            pl.BlockSpec((_NPD, _K, _C), lambda b: (b, 0, 0)),
            pl.BlockSpec((1, 1, _C), lambda b: (0, 0, 0)),
            pl.BlockSpec((1, 1, _C), lambda b: (0, 0, 0)),
        ],
        out_specs=pl.BlockSpec((_NPD, 1, _C), lambda b: (b, 0, 0)),
        out_shape=jax.ShapeDtypeStruct((_N, 1, _C), jnp.float32),
    )(h3, v3, ag2, cg2)


def _bn_ab(stats3, width, gamma, beta):
    stats = stats3.reshape(-1, 2 * width)
    s1 = jnp.sum(stats[:, 0:width], axis=0)
    s2 = jnp.sum(stats[:, width:2 * width], axis=0)
    mean = s1 / _NK
    var = s2 / _NK - mean * mean
    a = gamma / jnp.sqrt(var + _EPS)
    b = beta - mean * a
    return a.reshape(1, width), b.reshape(1, width)


def kernel(fea_i, fea_last, xyz_i, xyz_last, batch, t_i,
           p_w1, p_b1, p_g1, p_be1, p_w2, p_b2,
           q_w, q_b, k_w, k_b, v_w, v_b,
           w_g1, w_be1, w_w, w_b, w_g2, w_be2):
    f32 = jnp.float32
    t_i = jnp.asarray(t_i, f32)

    ql, kv = _proj(fea_last, fea_i,
                   q_w.T, q_b.reshape(1, _C), k_w.T, k_b.reshape(1, _C),
                   v_w.T, v_b.reshape(1, _C))

    byr = batch.reshape(1, _N)
    bxc = batch.reshape(_N, 1)
    yt8 = jnp.concatenate([xyz_last.T, jnp.zeros((5, _N), f32)], axis=0)
    x8r = jnp.concatenate([xyz_i, jnp.zeros((_N, 5), f32)], axis=1)
    bounds = jnp.searchsorted(batch, jnp.arange(9, dtype=jnp.int32),
                              side="left").astype(jnp.int32)
    bf = batch[0::_RB]
    bl = batch[_RB - 1::_RB]
    tlo = (bounds[bf] // _CT).astype(jnp.int32)
    thi = ((bounds[bl + 1] + _CT - 1) // _CT).astype(jnp.int32)
    idx = _knn(yt8, byr, x8r, bxc, tlo, thi)
    idx_flat = idx.T.reshape(_NK)

    table = jnp.concatenate(
        [kv, xyz_i, jnp.full((_N, 1), t_i, f32), jnp.zeros((_N, 124), f32)], axis=1)
    g = _gather(table, idx_flat)

    xl8 = jnp.concatenate(
        [xyz_last, jnp.full((_N, 1), _T_LAST, f32), jnp.zeros((_N, 4), f32)], axis=1)
    pw1t8 = jnp.concatenate([p_w1.T, jnp.zeros((4, _PH), f32)], axis=0)
    pb1 = p_b1.reshape(1, _PH)

    st1 = _pe1stat(g, xl8, pw1t8, pb1)
    a1, c1 = _bn_ab(st1, _PH, p_g1, p_be1)

    wpre, vout, st2 = _passB(g, ql, xl8, pw1t8, pb1, a1, c1,
                             p_w2.T, p_b2.reshape(1, _C))
    ag1, cg1 = _bn_ab(st2, _C, w_g1, w_be1)

    h, st3 = _passC(wpre, ag1, cg1, w_w.T, w_b.reshape(1, _C))
    ag2, cg2 = _bn_ab(st3, _C, w_g2, w_be2)

    out3 = _passD(h.reshape(_N, _K, _C), vout.reshape(_N, _K, _C),
                  ag2.reshape(1, 1, _C), cg2.reshape(1, 1, _C))
    return out3.reshape(_N, _C)

# --- scband reference (transcript-rebuilt; emitter-appended) ---
"""Pipeline reference for scband-local-point-trans-5454608466700 (READ-ONLY COPY).

The authoritative reference and input builder live on the scoring server;
editing this copy changes nothing except your own understanding.
"""

import jax, jax.numpy as jnp
import numpy as np

N = 8192
K = 16
CH_IN = 256
CH_OUT = 256
NB = 8
T_LAST = 1.0

def _leaky(x):
    return jnp.where(x >= 0, x, 0.01 * x)

def _bn(x, gamma, beta, eps=1e-5):
    # x: [M, C, L], training-mode BatchNorm1d over (batch, length)
    mean = jnp.mean(x, axis=(0, 2), keepdims=True)
    var = jnp.var(x, axis=(0, 2), keepdims=True)
    xn = (x - mean) / jnp.sqrt(var + eps)
    return xn * gamma[None, :, None] + beta[None, :, None]

def _knn_idx(x, y, k, batch):
    # for each row of y, k nearest rows of x within same batch id
    d = jnp.sum(y * y, axis=1)[:, None] + jnp.sum(x * x, axis=1)[None, :] - 2.0 * (y @ x.T)
    mask = batch[:, None] != batch[None, :]
    d = jnp.where(mask, jnp.inf, d)
    _, idx = jax.lax.top_k(-d, k)
    return idx

def _forward(fea_i, fea_last, xyz_i, xyz_last, batch, t_i,
             p_w1, p_b1, p_g1, p_be1, p_w2, p_b2,
             q_w, q_b, k_w, k_b, v_w, v_b,
             w_g1, w_be1, w_w, w_b, w_g2, w_be2):
    n = xyz_last.shape[0]
    idx_i = _knn_idx(xyz_i, xyz_last, K, batch)
    idx_last = jnp.repeat(jnp.arange(n), K)
    idx_i_flat = idx_i.reshape(-1)
    fl = fea_last[idx_last].reshape(-1, K, CH_IN)
    fi = fea_i[idx_i_flat].reshape(-1, K, CH_IN)
    xl = xyz_last[idx_last]
    xi = xyz_i[idx_i_flat]
    xyzt_last = jnp.concatenate([xl, T_LAST * jnp.ones_like(xl[:, :1])], axis=-1).reshape(-1, K, 4)
    xyzt_i = jnp.concatenate([xi, t_i * jnp.ones_like(xi[:, :1])], axis=-1).reshape(-1, K, 4)
    pe = xyzt_i - xyzt_last
    pe = pe @ p_w1.T + p_b1
    pe = jnp.transpose(_bn(jnp.transpose(pe, (0, 2, 1)), p_g1, p_be1), (0, 2, 1))
    pe = _leaky(pe)
    pe = pe @ p_w2.T + p_b2
    w = (fl @ q_w.T + q_b) - (fi @ k_w.T + k_b) + pe
    w = jnp.transpose(_bn(jnp.transpose(w, (0, 2, 1)), w_g1, w_be1), (0, 2, 1))
    w = _leaky(w)
    w = w @ w_w.T + w_b
    w = jnp.transpose(_bn(jnp.transpose(w, (0, 2, 1)), w_g2, w_be2), (0, 2, 1))
    w = _leaky(w)
    w = jax.nn.softmax(w, axis=1)
    v = (fi @ v_w.T + v_b) + pe
    return jnp.sum(w * v, axis=1)

def setup_inputs(seed=0):
    key = jax.random.key(seed)
    ks = jax.random.split(key, 16)
    inp = {}
    inp["fea_i"] = jax.random.normal(ks[0], (N, CH_IN), dtype=jnp.float32)
    inp["fea_last"] = jax.random.normal(ks[1], (N, CH_IN), dtype=jnp.float32)
    inp["xyz_i"] = jax.random.normal(ks[2], (N, 3), dtype=jnp.float32)
    inp["xyz_last"] = jax.random.normal(ks[3], (N, 3), dtype=jnp.float32)
    inp["batch"] = jnp.sort(jax.random.randint(ks[4], (N,), 0, NB, dtype=jnp.int32))
    inp["t_i"] = 0.5
    inp["p_w1"] = jax.random.normal(ks[5], (64, 4), dtype=jnp.float32) * 0.05
    inp["p_b1"] = jnp.zeros((64,), dtype=jnp.float32)
    inp["p_g1"] = jnp.ones((64,), dtype=jnp.float32)
    inp["p_be1"] = jnp.zeros((64,), dtype=jnp.float32)
    inp["p_w2"] = jax.random.normal(ks[6], (CH_OUT, 64), dtype=jnp.float32) * 0.05
    inp["p_b2"] = jnp.zeros((CH_OUT,), dtype=jnp.float32)
    inp["q_w"] = jax.random.normal(ks[7], (CH_OUT, CH_IN), dtype=jnp.float32) * 0.05
    inp["q_b"] = jnp.zeros((CH_OUT,), dtype=jnp.float32)
    inp["k_w"] = jax.random.normal(ks[8], (CH_OUT, CH_IN), dtype=jnp.float32) * 0.05
    inp["k_b"] = jnp.zeros((CH_OUT,), dtype=jnp.float32)
    inp["v_w"] = jax.random.normal(ks[9], (CH_OUT, CH_IN), dtype=jnp.float32) * 0.05
    inp["v_b"] = jnp.zeros((CH_OUT,), dtype=jnp.float32)
    inp["w_g1"] = jnp.ones((CH_OUT,), dtype=jnp.float32)
    inp["w_be1"] = jnp.zeros((CH_OUT,), dtype=jnp.float32)
    inp["w_w"] = jax.random.normal(ks[10], (CH_OUT, CH_OUT), dtype=jnp.float32) * 0.05
    inp["w_b"] = jnp.zeros((CH_OUT,), dtype=jnp.float32)
    inp["w_g2"] = jnp.ones((CH_OUT,), dtype=jnp.float32)
    inp["w_be2"] = jnp.zeros((CH_OUT,), dtype=jnp.float32)
    return inp

def reference(fea_i, fea_last, xyz_i, xyz_last, batch, t_i,
              p_w1, p_b1, p_g1, p_be1, p_w2, p_b2,
              q_w, q_b, k_w, k_b, v_w, v_b,
              w_g1, w_be1, w_w, w_b, w_g2, w_be2):
    return _forward(fea_i, fea_last, xyz_i, xyz_last, batch, t_i,
                    p_w1, p_b1, p_g1, p_be1, p_w2, p_b2,
                    q_w, q_b, k_w, k_b, v_w, v_b,
                    w_g1, w_be1, w_w, w_b, w_g2, w_be2)

if __name__ == "__main__":
    import jax
    _d = setup_inputs()
    print(jax.jit(kernel)(*tuple(_d.values())))

</pallas_src>

<mosaic_0001>
#map = affine_map<(d0, d1) -> (0, 0)>
#map1 = affine_map<(d0, d1) -> (0)>
module attributes {stable_mosaic.version = 14 : i64} {
  func.func @gk(%arg0: i32, %arg1: i32, %arg2: memref<8192x384xf32, #tpu.memory_space<hbm>>, %arg3: memref<131072xi32, #tpu.memory_space<hbm>>, %arg4: memref<131072x384xf32, #tpu.memory_space<hbm>>, %arg5: memref<64xi32, #tpu.memory_space<vmem>>, %arg6: memref<64xi32, #tpu.memory_space<vmem>>, %arg7: memref<64x384xf32, #tpu.memory_space<vmem>>, %arg8: memref<64x384xf32, #tpu.memory_space<vmem>>, %arg9: memref<!tpu.dma_semaphore, #tpu.memory_space<semaphore_mem>>, %arg10: memref<!tpu.dma_semaphore, #tpu.memory_space<semaphore_mem>>) attributes {dimension_semantics = [#tpu.dimension_semantics<core_parallel>, #tpu.dimension_semantics<subcore_parallel>], iteration_bounds = array<i64: 2, 16>, scalar_prefetch = 0 : i64, scratch_operands = 6 : i64, tpu.core_type = #tpu.core_type<sc_vector_subcore>, window_params = [{transform_indices = #map}, {transform_indices = #map1}, {transform_indices = #map}]} {
    %mul3A = arith.constant 2 : i32
    %mul3A_0 = arith.muli %arg1, %mul3A : i32
    %add3A = arith.addi %mul3A_0, %arg0 : i32
    %mul3A_1 = arith.constant 4096 : i32
    %mul3A_2 = arith.muli %add3A, %mul3A_1 : i32
    %add3A_3 = arith.constant 0 : i32
    %add3A_4 = arith.addi %mul3A_2, %add3A_3 : i32
    "tpu.region"() ({
      %run_scoped3A = tpu.sem_alloc : memref<!tpu.dma_semaphore, #tpu.memory_space<semaphore_mem>>
      %dma_start3A_17 = tpu.memref_slice %arg3[%add3A_4] : memref<131072xi32, #tpu.memory_space<hbm>> -> memref<64xi32, #tpu.memory_space<hbm>>
      %dma_start3A_18 = tpu.memref_slice %arg3[%add3A_4] : memref<131072xi32, #tpu.memory_space<hbm>> -> memref<64xi32, #tpu.memory_space<hbm>>
      tpu.enqueue_dma source(%dma_start3A_18 : memref<64xi32, #tpu.memory_space<hbm>>) target(%arg5 : memref<64xi32, #tpu.memory_space<vmem>>) target_semaphore(%run_scoped3A : memref<!tpu.dma_semaphore, #tpu.memory_space<semaphore_mem>>)
      %dma_wait3A = tpu.memref_slice %arg3[%add3A_4] : memref<131072xi32, #tpu.memory_space<hbm>> -> memref<64xi32, #tpu.memory_space<hbm>>
      %dma_wait3A_19 = tpu.memref_slice %arg3[%add3A_4] : memref<131072xi32, #tpu.memory_space<hbm>> -> memref<64xi32, #tpu.memory_space<hbm>>
      tpu.wait_dma2 semaphore(%run_scoped3A : memref<!tpu.dma_semaphore, #tpu.memory_space<semaphore_mem>>) src(%dma_wait3A_19 : memref<64xi32, #tpu.memory_space<hbm>>) dst(%arg5 : memref<64xi32, #tpu.memory_space<vmem>>)
      tpu.yield
    }) : () -> ()
    %dma_start3A = arith.constant 0 : i32
    %dma_start3A_5 = arith.constant 0 : i32
    %dma_start3A_6 = tpu.memref_slice %arg2[%dma_start3A, %dma_start3A_5] : memref<8192x384xf32, #tpu.memory_space<hbm>> -> memref<8192x384xf32, #tpu.memory_space<hbm>>
    tpu.enqueue_indirect_dma source(%dma_start3A_6 : memref<8192x384xf32, #tpu.memory_space<hbm>>) target(%arg7 : memref<64x384xf32, #tpu.memory_space<vmem>>) offsets(%arg5 : memref<64xi32, #tpu.memory_space<vmem>>) semaphore(%arg9 : memref<!tpu.dma_semaphore, #tpu.memory_space<semaphore_mem>>)
    %add3A_7 = arith.constant 64 : i32
    %add3A_8 = arith.addi %mul3A_2, %add3A_7 : i32
    "tpu.region"() ({
      %run_scoped3A = tpu.sem_alloc : memref<!tpu.dma_semaphore, #tpu.memory_space<semaphore_mem>>
      %dma_start3A_17 = tpu.memref_slice %arg3[%add3A_8] : memref<131072xi32, #tpu.memory_space<hbm>> -> memref<64xi32, #tpu.memory_space<hbm>>
      %dma_start3A_18 = tpu.memref_slice %arg3[%add3A_8] : memref<131072xi32, #tpu.memory_space<hbm>> -> memref<64xi32, #tpu.memory_space<hbm>>
      tpu.enqueue_dma source(%dma_start3A_18 : memref<64xi32, #tpu.memory_space<hbm>>) target(%arg6 : memref<64xi32, #tpu.memory_space<vmem>>) target_semaphore(%run_scoped3A : memref<!tpu.dma_semaphore, #tpu.memory_space<semaphore_mem>>)
      %dma_wait3A = tpu.memref_slice %arg3[%add3A_8] : memref<131072xi32, #tpu.memory_space<hbm>> -> memref<64xi32, #tpu.memory_space<hbm>>
      %dma_wait3A_19 = tpu.memref_slice %arg3[%add3A_8] : memref<131072xi32, #tpu.memory_space<hbm>> -> memref<64xi32, #tpu.memory_space<hbm>>
      tpu.wait_dma2 semaphore(%run_scoped3A : memref<!tpu.dma_semaphore, #tpu.memory_space<semaphore_mem>>) src(%dma_wait3A_19 : memref<64xi32, #tpu.memory_space<hbm>>) dst(%arg6 : memref<64xi32, #tpu.memory_space<vmem>>)
      tpu.yield
    }) : () -> ()
    %dma_start3A_9 = arith.constant 0 : i32
    %dma_start3A_10 = arith.constant 0 : i32
    %dma_start3A_11 = tpu.memref_slice %arg2[%dma_start3A_9, %dma_start3A_10] : memref<8192x384xf32, #tpu.memory_space<hbm>> -> memref<8192x384xf32, #tpu.memory_space<hbm>>
    tpu.enqueue_indirect_dma source(%dma_start3A_11 : memref<8192x384xf32, #tpu.memory_space<hbm>>) target(%arg8 : memref<64x384xf32, #tpu.memory_space<vmem>>) offsets(%arg6 : memref<64xi32, #tpu.memory_space<vmem>>) semaphore(%arg10 : memref<!tpu.dma_semaphore, #tpu.memory_space<semaphore_mem>>)
    %scan3A = arith.constant 0 : i32
    %scan3A_12 = arith.constant 0 : i32
    %scan3A_13 = arith.constant 32 : i32
    %scan3A_14 = arith.addi %scan3A_12, %scan3A_13 : i32
    %scan3A_15 = arith.constant 1 : i32
    scf.for %scan3A_17 = %scan3A_12 to %scan3A_14 step %scan3A_15  : i32 {
      %mul3A_18 = arith.constant 2 : i32
      %mul3A_19 = arith.muli %scan3A_17, %mul3A_18 : i32
      %dma_wait3A = arith.constant 0 : i32
      %dma_wait3A_20 = tpu.memref_slice %arg4[%mul3A_2, %dma_wait3A] : memref<131072x384xf32, #tpu.memory_space<hbm>> -> memref<64x384xf32, #tpu.memory_space<hbm>>
      %dma_wait3A_21 = arith.constant 0 : i32
      %dma_wait3A_22 = tpu.memref_slice %arg4[%mul3A_2, %dma_wait3A_21] : memref<131072x384xf32, #tpu.memory_space<hbm>> -> memref<64x384xf32, #tpu.memory_space<hbm>>
      tpu.wait_dma2 semaphore(%arg9 : memref<!tpu.dma_semaphore, #tpu.memory_space<semaphore_mem>>) src(%dma_wait3A_22 : memref<64x384xf32, #tpu.memory_space<hbm>>) dst(%arg7 : memref<64x384xf32, #tpu.memory_space<vmem>>)
      %mul3A_23 = arith.constant 64 : i32
      %mul3A_24 = arith.muli %mul3A_19, %mul3A_23 : i32
      %add3A_25 = arith.addi %mul3A_2, %mul3A_24 : i32
      "tpu.region"() ({
        %run_scoped3A = tpu.sem_alloc : memref<!tpu.dma_semaphore, #tpu.memory_space<semaphore_mem>>
        %dma_start3A_42 = arith.constant 0 : i32
        %dma_start3A_43 = tpu.memref_slice %arg4[%add3A_25, %dma_start3A_42] : memref<131072x384xf32, #tpu.memory_space<hbm>> -> memref<64x384xf32, #tpu.memory_space<hbm>>
        %dma_start3A_44 = arith.constant 0 : i32
        %dma_start3A_45 = tpu.memref_slice %arg4[%add3A_25, %dma_start3A_44] : memref<131072x384xf32, #tpu.memory_space<hbm>> -> memref<64x384xf32, #tpu.memory_space<hbm>>
        tpu.enqueue_dma source(%arg7 : memref<64x384xf32, #tpu.memory_space<vmem>>) target(%dma_start3A_45 : memref<64x384xf32, #tpu.memory_space<hbm>>) target_semaphore(%run_scoped3A : memref<!tpu.dma_semaphore, #tpu.memory_space<semaphore_mem>>)
        %dma_wait3A_46 = arith.constant 0 : i32
        %dma_wait3A_47 = tpu.memref_slice %arg4[%add3A_25, %dma_wait3A_46] : memref<131072x384xf32, #tpu.memory_space<hbm>> -> memref<64x384xf32, #tpu.memory_space<hbm>>
        %dma_wait3A_48 = arith.constant 0 : i32
        %dma_wait3A_49 = tpu.memref_slice %arg4[%add3A_25, %dma_wait3A_48] : memref<131072x384xf32, #tpu.memory_space<hbm>> -> memref<64x384xf32, #tpu.memory_space<hbm>>
        tpu.wait_dma2 semaphore(%run_scoped3A : memref<!tpu.dma_semaphore, #tpu.memory_space<semaphore_mem>>) src(%arg7 : memref<64x384xf32, #tpu.memory_space<vmem>>) dst(%dma_wait3A_49 : memref<64x384xf32, #tpu.memory_space<hbm>>)
        tpu.yield
      }) : () -> ()
      %lt3A = arith.constant 31 : i32
      %lt3A_26 = arith.cmpi slt, %scan3A_17, %lt3A : i32
      %convert_element_type3A = arith.extui %lt3A_26 : i1 to i32
      %cond3A = arith.constant 0 : i32
      %cond3A_27 = arith.cmpi ne, %convert_element_type3A, %cond3A : i32
      scf.if %cond3A_27 {
        %add3A_42 = arith.constant 2 : i32
        %add3A_43 = arith.addi %mul3A_19, %add3A_42 : i32
        %mul3A_44 = arith.constant 64 : i32
        %mul3A_45 = arith.muli %add3A_43, %mul3A_44 : i32
        %add3A_46 = arith.addi %mul3A_2, %mul3A_45 : i32
        "tpu.region"() ({
          %run_scoped3A = tpu.sem_alloc : memref<!tpu.dma_semaphore, #tpu.memory_space<semaphore_mem>>
          %dma_start3A_50 = tpu.memref_slice %arg3[%add3A_46] : memref<131072xi32, #tpu.memory_space<hbm>> -> memref<64xi32, #tpu.memory_space<hbm>>
          %dma_start3A_51 = tpu.memref_slice %arg3[%add3A_46] : memref<131072xi32, #tpu.memory_space<hbm>> -> memref<64xi32, #tpu.memory_space<hbm>>
          tpu.enqueue_dma source(%dma_start3A_51 : memref<64xi32, #tpu.memory_space<hbm>>) target(%arg5 : memref<64xi32, #tpu.memory_space<vmem>>) target_semaphore(%run_scoped3A : memref<!tpu.dma_semaphore, #tpu.memory_space<semaphore_mem>>)
          %dma_wait3A_52 = tpu.memref_slice %arg3[%add3A_46] : memref<131072xi32, #tpu.memory_space<hbm>> -> memref<64xi32, #tpu.memory_space<hbm>>
          %dma_wait3A_53 = tpu.memref_slice %arg3[%add3A_46] : memref<131072xi32, #tpu.memory_space<hbm>> -> memref<64xi32, #tpu.memory_space<hbm>>
          tpu.wait_dma2 semaphore(%run_scoped3A : memref<!tpu.dma_semaphore, #tpu.memory_space<semaphore_mem>>) src(%dma_wait3A_53 : memref<64xi32, #tpu.memory_space<hbm>>) dst(%arg5 : memref<64xi32, #tpu.memory_space<vmem>>)
          tpu.yield
        }) : () -> ()
        %dma_start3A_47 = arith.constant 0 : i32
        %dma_start3A_48 = arith.constant 0 : i32
        %dma_start3A_49 = tpu.memref_slice %arg2[%dma_start3A_47, %dma_start3A_48] : memref<8192x384xf32, #tpu.memory_space<hbm>> -> memref<8192x384xf32, #tpu.memory_space<hbm>>
        tpu.enqueue_indirect_dma source(%dma_start3A_49 : memref<8192x384xf32, #tpu.memory_space<hbm>>) target(%arg7 : memref<64x384xf32, #tpu.memory_space<vmem>>) offsets(%arg5 : memref<64xi32, #tpu.memory_space<vmem>>) semaphore(%arg9 : memref<!tpu.dma_semaphore, #tpu.memory_space<semaphore_mem>>)
      } else {
      }
      %dma_wait3A_28 = arith.constant 0 : i32
      %dma_wait3A_29 = tpu.memref_slice %arg4[%mul3A_2, %dma_wait3A_28] : memref<131072x384xf32, #tpu.memory_space<hbm>> -> memref<64x384xf32, #tpu.memory_space<hbm>>
      %dma_wait3A_30 = arith.constant 0 : i32
      %dma_wait3A_31 = tpu.memref_slice %arg4[%mul3A_2, %dma_wait3A_30] : memref<131072x384xf32, #tpu.memory_space<hbm>> -> memref<64x384xf32, #tpu.memory_space<hbm>>
      tpu.wait_dma2 semaphore(%arg10 : memref<!tpu.dma_semaphore, #tpu.memory_space<semaphore_mem>>) src(%dma_wait3A_31 : memref<64x384xf32, #tpu.memory_space<hbm>>) dst(%arg8 : memref<64x384xf32, #tpu.memory_space<vmem>>)
      %add3A_32 = arith.constant 1 : i32
      %add3A_33 = arith.addi %mul3A_19, %add3A_32 : i32
      %mul3A_34 = arith.constant 64 : i32
      %mul3A_35 = arith.muli %add3A_33, %mul3A_34 : i32
      %add3A_36 = arith.addi %mul3A_2, %mul3A_35 : i32
      "tpu.region"() ({
        %run_scoped3A = tpu.sem_alloc : memref<!tpu.dma_semaphore, #tpu.memory_space<semaphore_mem>>
        %dma_start3A_42 = arith.constant 0 : i32
        %dma_start3A_43 = tpu.memref_slice %arg4[%add3A_36, %dma_start3A_42] : memref<131072x384xf32, #tpu.memory_space<hbm>> -> memref<64x384xf32, #tpu.memory_space<hbm>>
        %dma_start3A_44 = arith.constant 0 : i32
        %dma_start3A_45 = tpu.memref_slice %arg4[%add3A_36, %dma_start3A_44] : memref<131072x384xf32, #tpu.memory_space<hbm>> -> memref<64x384xf32, #tpu.memory_space<hbm>>
        tpu.enqueue_dma source(%arg8 : memref<64x384xf32, #tpu.memory_space<vmem>>) target(%dma_start3A_45 : memref<64x384xf32, #tpu.memory_space<hbm>>) target_semaphore(%run_scoped3A : memref<!tpu.dma_semaphore, #tpu.memory_space<semaphore_mem>>)
        %dma_wait3A_46 = arith.constant 0 : i32
        %dma_wait3A_47 = tpu.memref_slice %arg4[%add3A_36, %dma_wait3A_46] : memref<131072x384xf32, #tpu.memory_space<hbm>> -> memref<64x384xf32, #tpu.memory_space<hbm>>
        %dma_wait3A_48 = arith.constant 0 : i32
        %dma_wait3A_49 = tpu.memref_slice %arg4[%add3A_36, %dma_wait3A_48] : memref<131072x384xf32, #tpu.memory_space<hbm>> -> memref<64x384xf32, #tpu.memory_space<hbm>>
        tpu.wait_dma2 semaphore(%run_scoped3A : memref<!tpu.dma_semaphore, #tpu.memory_space<semaphore_mem>>) src(%arg8 : memref<64x384xf32, #tpu.memory_space<vmem>>) dst(%dma_wait3A_49 : memref<64x384xf32, #tpu.memory_space<hbm>>)
        tpu.yield
      }) : () -> ()
      %lt3A_37 = arith.constant 31 : i32
      %lt3A_38 = arith.cmpi slt, %scan3A_17, %lt3A_37 : i32
      %convert_element_type3A_39 = arith.extui %lt3A_38 : i1 to i32
      %cond3A_40 = arith.constant 0 : i32
      %cond3A_41 = arith.cmpi ne, %convert_element_type3A_39, %cond3A_40 : i32
      scf.if %cond3A_41 {
        %add3A_42 = arith.constant 3 : i32
        %add3A_43 = arith.addi %mul3A_19, %add3A_42 : i32
        %mul3A_44 = arith.constant 64 : i32
        %mul3A_45 = arith.muli %add3A_43, %mul3A_44 : i32
        %add3A_46 = arith.addi %mul3A_2, %mul3A_45 : i32
        "tpu.region"() ({
          %run_scoped3A = tpu.sem_alloc : memref<!tpu.dma_semaphore, #tpu.memory_space<semaphore_mem>>
          %dma_start3A_50 = tpu.memref_slice %arg3[%add3A_46] : memref<131072xi32, #tpu.memory_space<hbm>> -> memref<64xi32, #tpu.memory_space<hbm>>
          %dma_start3A_51 = tpu.memref_slice %arg3[%add3A_46] : memref<131072xi32, #tpu.memory_space<hbm>> -> memref<64xi32, #tpu.memory_space<hbm>>
          tpu.enqueue_dma source(%dma_start3A_51 : memref<64xi32, #tpu.memory_space<hbm>>) target(%arg6 : memref<64xi32, #tpu.memory_space<vmem>>) target_semaphore(%run_scoped3A : memref<!tpu.dma_semaphore, #tpu.memory_space<semaphore_mem>>)
          %dma_wait3A_52 = tpu.memref_slice %arg3[%add3A_46] : memref<131072xi32, #tpu.memory_space<hbm>> -> memref<64xi32, #tpu.memory_space<hbm>>
          %dma_wait3A_53 = tpu.memref_slice %arg3[%add3A_46] : memref<131072xi32, #tpu.memory_space<hbm>> -> memref<64xi32, #tpu.memory_space<hbm>>
          tpu.wait_dma2 semaphore(%run_scoped3A : memref<!tpu.dma_semaphore, #tpu.memory_space<semaphore_mem>>) src(%dma_wait3A_53 : memref<64xi32, #tpu.memory_space<hbm>>) dst(%arg6 : memref<64xi32, #tpu.memory_space<vmem>>)
          tpu.yield
        }) : () -> ()
        %dma_start3A_47 = arith.constant 0 : i32
        %dma_start3A_48 = arith.constant 0 : i32
        %dma_start3A_49 = tpu.memref_slice %arg2[%dma_start3A_47, %dma_start3A_48] : memref<8192x384xf32, #tpu.memory_space<hbm>> -> memref<8192x384xf32, #tpu.memory_space<hbm>>
        tpu.enqueue_indirect_dma source(%dma_start3A_49 : memref<8192x384xf32, #tpu.memory_space<hbm>>) target(%arg8 : memref<64x384xf32, #tpu.memory_space<vmem>>) offsets(%arg6 : memref<64xi32, #tpu.memory_space<vmem>>) semaphore(%arg10 : memref<!tpu.dma_semaphore, #tpu.memory_space<semaphore_mem>>)
      } else {
      }
    }
    %scan3A_16 = arith.constant 32 : i32
    return
  }
}

module attributes {stable_mosaic.version = 14 : i64} {
  func.func @_knn_body(%arg0: i32, %arg1: memref<32xi32, #tpu.memory_space<smem>>, %arg2: memref<32xi32, #tpu.memory_space<smem>>, %arg3: memref<8x256xf32, #tpu.memory_space<vmem>>, %arg4: memref<1x256xi32, #tpu.memory_space<vmem>>, %arg5: memref<8192x8xf32, #tpu.memory_space<vmem>>, %arg6: memref<8192x1xi32, #tpu.memory_space<vmem>>, %arg7: memref<16x256xi32, #tpu.memory_space<vmem>>, %arg8: memref<8192x256xf32, #tpu.memory_space<vmem>>) attributes {dimension_semantics = [#tpu.dimension_semantics<arbitrary>], iteration_bounds = array<i64: 32>, scalar_prefetch = 2 : i64, scratch_operands = 1 : i64, tpu.core_type = #tpu.core_type<tc>, window_params = [{transform_indices = @transform_0, window_bounds = array<i64: 8, 256>}, {transform_indices = @transform_1, window_bounds = array<i64: 1, 256>}, {pipeline_mode = #tpu.pipeline_mode<synchronous>, transform_indices = @transform_2, window_bounds = array<i64: 8192, 8>}, {pipeline_mode = #tpu.pipeline_mode<synchronous>, transform_indices = @transform_3, window_bounds = array<i64: 8192, 1>}, {transform_indices = @transform_4, window_bounds = array<i64: 16, 256>}]} {
    %get3A = arith.index_cast %arg0 : i32 to index
    %get3A_0 = memref.load %arg1[%get3A] : memref<32xi32, #tpu.memory_space<smem>>
    %get3A_1 = arith.index_cast %arg0 : i32 to index
    %get3A_2 = memref.load %arg2[%get3A_1] : memref<32xi32, #tpu.memory_space<smem>>
    %get3A_3 = arith.constant 0 : index
    %get3A_4 = arith.constant 0 : index
    %get3A_5 = vector.load %arg3[%get3A_3, %get3A_4] : memref<8x256xf32, #tpu.memory_space<vmem>>, vector<8x256xf32>
    %convert_element_type3A = arith.truncf %get3A_5 : vector<8x256xf32> to vector<8x256xbf16>
    %get3A_6 = arith.constant 0 : index
    %get3A_7 = arith.constant 0 : index
    %get3A_8 = vector.load %arg4[%get3A_6, %get3A_7] : memref<1x256xi32, #tpu.memory_space<vmem>>, vector<1x256xi32>
    %slice3A = vector.extract_strided_slice %get3A_5 {offsets = [0, 0], sizes = [1, 256], strides = [1, 1]} : vector<8x256xf32> to vector<1x256xf32>
    %slice3A_9 = vector.extract_strided_slice %get3A_5 {offsets = [0, 0], sizes = [1, 256], strides = [1, 1]} : vector<8x256xf32> to vector<1x256xf32>
    %mul3A = arith.mulf %slice3A, %slice3A_9 : vector<1x256xf32>
    %slice3A_10 = vector.extract_strided_slice %get3A_5 {offsets = [1, 0], sizes = [1, 256], strides = [1, 1]} : vector<8x256xf32> to vector<1x256xf32>
    %slice3A_11 = vector.extract_strided_slice %get3A_5 {offsets = [1, 0], sizes = [1, 256], strides = [1, 1]} : vector<8x256xf32> to vector<1x256xf32>
    %mul3A_12 = arith.mulf %slice3A_10, %slice3A_11 : vector<1x256xf32>
    %add3A = arith.addf %mul3A, %mul3A_12 : vector<1x256xf32>
    %slice3A_13 = vector.extract_strided_slice %get3A_5 {offsets = [2, 0], sizes = [1, 256], strides = [1, 1]} : vector<8x256xf32> to vector<1x256xf32>
    %slice3A_14 = vector.extract_strided_slice %get3A_5 {offsets = [2, 0], sizes = [1, 256], strides = [1, 1]} : vector<8x256xf32> to vector<1x256xf32>
    %mul3A_15 = arith.mulf %slice3A_13, %slice3A_14 : vector<1x256xf32>
    %add3A_16 = arith.addf %add3A, %mul3A_15 : vector<1x256xf32>
    %broadcast_in_dim3A = arith.constant 0x7F800000 : f32
    %broadcast_in_dim3A_17 = vector.broadcast %broadcast_in_dim3A : f32 to vector<1x256xf32>
    %broadcast_in_dim3A_18 = arith.constant 1073741824 : i32
    %broadcast_in_dim3A_19 = vector.broadcast %broadcast_in_dim3A_18 : i32 to vector<1x256xi32>
    %while3A = arith.constant 1073741824 : i32
    %while3A_20 = arith.subi %get3A_2, %get3A_0 : i32
    %while3A_21 = arith.addi %get3A_0, %while3A_20 : i32
    %while3A_22 = arith.constant 1 : i32
    %while3A_23 = arith.divsi %while3A_20, %while3A_22 : i32
    %while3A_24 = arith.muli %while3A_23, %while3A_22 : i32
    %while3A_25 = arith.addi %get3A_0, %while3A_24 : i32
    %while3A_26 = arith.constant 1 : i32
    %while3A_27:2 = scf.for %while3A_317 = %get3A_0 to %while3A_25 step %while3A_26 iter_args(%while3A_318 = %broadcast_in_dim3A_17, %while3A_319 = %broadcast_in_dim3A_19) -> (vector<1x256xf32>, vector<1x256xi32>)  : i32 {
      %mul3A_320 = arith.constant 256 : i32
      %mul3A_321 = arith.muli %while3A_317, %mul3A_320 : i32
      %iota3A = tpu.iota {dimensions = array<i32: 0>} : vector<256x256xi32>
      %mul3A_322 = arith.constant 256 : i32
      %mul3A_323 = arith.muli %while3A_317, %mul3A_322 : i32
      %add3A_324 = vector.broadcast %mul3A_323 : i32 to vector<256x256xi32>
      %add3A_325 = arith.addi %iota3A, %add3A_324 : vector<256x256xi32>
      %get3A_326 = arith.index_cast %mul3A_321 : i32 to index
      %get3A_327 = arith.constant 0 : index
      %get3A_328 = vector.load %arg5[%get3A_326, %get3A_327] : memref<8192x8xf32, #tpu.memory_space<vmem>>, vector<256x8xf32>
      %slice3A_329 = vector.extract_strided_slice %get3A_328 {offsets = [0, 0], sizes = [256, 1], strides = [1, 1]} : vector<256x8xf32> to vector<256x1xf32>
      %slice3A_330 = vector.extract_strided_slice %get3A_328 {offsets = [0, 0], sizes = [256, 1], strides = [1, 1]} : vector<256x8xf32> to vector<256x1xf32>
      %mul3A_331 = arith.mulf %slice3A_329, %slice3A_330 : vector<256x1xf32>
      %slice3A_332 = vector.extract_strided_slice %get3A_328 {offsets = [0, 1], sizes = [256, 1], strides = [1, 1]} : vector<256x8xf32> to vector<256x1xf32>
      %slice3A_333 = vector.extract_strided_slice %get3A_328 {offsets = [0, 1], sizes = [256, 1], strides = [1, 1]} : vector<256x8xf32> to vector<256x1xf32>
      %mul3A_334 = arith.mulf %slice3A_332, %slice3A_333 : vector<256x1xf32>
      %add3A_335 = arith.addf %mul3A_331, %mul3A_334 : vector<256x1xf32>
      %slice3A_336 = vector.extract_strided_slice %get3A_328 {offsets = [0, 2], sizes = [256, 1], strides = [1, 1]} : vector<256x8xf32> to vector<256x1xf32>
      %slice3A_337 = vector.extract_strided_slice %get3A_328 {offsets = [0, 2], sizes = [256, 1], strides = [1, 1]} : vector<256x8xf32> to vector<256x1xf32>
      %mul3A_338 = arith.mulf %slice3A_336, %slice3A_337 : vector<256x1xf32>
      %add3A_339 = arith.addf %add3A_335, %mul3A_338 : vector<256x1xf32>
      %convert_element_type3A_340 = arith.truncf %get3A_328 : vector<256x8xf32> to vector<256x8xbf16>
      %dot_general3A = arith.constant dense<0.000000e+00> : vector<256x256xf32>
      %dot_general3A_341 = tpu.matmul %convert_element_type3A_340, %convert_element_type3A, %dot_general3A {dimension_numbers = #tpu.dot_dimension_numbers<[1], [0], [0], [1], [0, 0, 1, 1], [], []>, transpose_lhs_hint = false} : vector<256x8xbf16>, vector<8x256xbf16>, vector<256x256xf32> -> vector<256x256xf32>
      %add3A_342 = vector.broadcast %add3A_16 : vector<1x256xf32> to vector<256x256xf32>
      %add3A_343 = vector.broadcast %add3A_339 : vector<256x1xf32> to vector<256x256xf32>
      %add3A_344 = arith.addf %add3A_342, %add3A_343 : vector<256x256xf32>
      %mul3A_345 = arith.constant 2.000000e+00 : f32
      %mul3A_346 = vector.broadcast %mul3A_345 : f32 to vector<256x256xf32>
      %mul3A_347 = arith.mulf %mul3A_346, %dot_general3A_341 : vector<256x256xf32>
      %sub3A = arith.subf %add3A_344, %mul3A_347 : vector<256x256xf32>
      %get3A_348 = arith.index_cast %mul3A_321 : i32 to index
      %get3A_349 = arith.constant 0 : index
      %get3A_350 = vector.load %arg6[%get3A_348, %get3A_349] : memref<8192x1xi32, #tpu.memory_space<vmem>>, vector<256x1xi32>
      %ne3A = vector.broadcast %get3A_350 : vector<256x1xi32> to vector<256x256xi32>
      %ne3A_351 = vector.broadcast %get3A_8 : vector<1x256xi32> to vector<256x256xi32>
      %ne3A_352 = arith.cmpi ne, %ne3A, %ne3A_351 : vector<256x256xi32>
      %jit3A = arith.constant 9.99999968E+37 : f32
      %broadcast_in_dim3A_353 = vector.broadcast %jit3A : f32 to vector<256x256xf32>
      %select_n3A = arith.select %ne3A_352, %broadcast_in_dim3A_353, %sub3A : vector<256x256xi1>, vector<256x256xf32>
      %swap3A_354 = arith.index_cast %mul3A_321 : i32 to index
      %swap3A_355 = arith.constant 0 : index
      %swap3A_356 = vector.load %arg8[%swap3A_354, %swap3A_355] : memref<8192x256xf32, #tpu.memory_space<vmem>>, vector<256x256xf32>
      tpu.vector_store %arg8[%swap3A_354, %swap3A_355], %select_n3A {strides = array<i32>} : memref<8192x256xf32, #tpu.memory_space<vmem>>, vector<256x256xf32>,
      %reduce_min3A = arith.constant dense<0x7F800000> : vector<256xf32>
      %reduce_min3A_357 = vector.multi_reduction <minimumf>, %select_n3A, %reduce_min3A [0] : vector<256x256xf32> to vector<256xf32>
      %broadcast_in_dim3A_358 = vector.shape_cast %reduce_min3A_357 : vector<256xf32> to vector<1x256xf32>
      %le3A = vector.broadcast %broadcast_in_dim3A_358 : vector<1x256xf32> to vector<256x256xf32>
      %le3A_359 = arith.cmpf ole, %select_n3A, %le3A : vector<256x256xf32>
      %broadcast_in_dim3A_360 = vector.broadcast %while3A : i32 to vector<256x256xi32>
      %select_n3A_361 = arith.select %le3A_359, %add3A_325, %broadcast_in_dim3A_360 : vector<256x256xi1>, vector<256x256xi32>
      %reduce_min3A_362 = arith.constant dense<2147483647> : vector<256xi32>
      %reduce_min3A_363 = vector.multi_reduction <minsi>, %select_n3A_361, %reduce_min3A_362 [0] : vector<256x256xi32> to vector<256xi32>
      %broadcast_in_dim3A_364 = vector.shape_cast %reduce_min3A_363 : vector<256xi32> to vector<1x256xi32>
      %lt3A = arith.cmpf olt, %broadcast_in_dim3A_358, %while3A_318 : vector<1x256xf32>
      %select_n3A_365 = arith.select %lt3A, %broadcast_in_dim3A_358, %while3A_318 : vector<1x256xi1>, vector<1x256xf32>
      %select_n3A_366 = arith.select %lt3A, %broadcast_in_dim3A_364, %while3A_319 : vector<1x256xi1>, vector<1x256xi32>
      scf.yield %select_n3A_365, %select_n3A_366 : vector<1x256xf32>, vector<1x256xi32>
    }
    %while3A_28 = arith.constant 1 : i32
    %while3A_29:2 = scf.for %while3A_317 = %while3A_25 to %while3A_21 step %while3A_28 iter_args(%while3A_318 = %while3A_27#0, %while3A_319 = %while3A_27#1) -> (vector<1x256xf32>, vector<1x256xi32>)  : i32 {
      %mul3A_320 = arith.constant 256 : i32
      %mul3A_321 = arith.muli %while3A_317, %mul3A_320 : i32
      %iota3A = tpu.iota {dimensions = array<i32: 0>} : vector<256x256xi32>
      %mul3A_322 = arith.constant 256 : i32
      %mul3A_323 = arith.muli %while3A_317, %mul3A_322 : i32
      %add3A_324 = vector.broadcast %mul3A_323 : i32 to vector<256x256xi32>
      %add3A_325 = arith.addi %iota3A, %add3A_324 : vector<256x256xi32>
      %get3A_326 = arith.index_cast %mul3A_321 : i32 to index
      %get3A_327 = arith.constant 0 : index
      %get3A_328 = vector.load %arg5[%get3A_326, %get3A_327] : memref<8192x8xf32, #tpu.memory_space<vmem>>, vector<256x8xf32>
      %slice3A_329 = vector.extract_strided_slice %get3A_328 {offsets = [0, 0], sizes = [256, 1], strides = [1, 1]} : vector<256x8xf32> to vector<256x1xf32>
      %slice3A_330 = vector.extract_strided_slice %get3A_328 {offsets = [0, 0], sizes = [256, 1], strides = [1, 1]} : vector<256x8xf32> to vector<256x1xf32>
      %mul3A_331 = arith.mulf %slice3A_329, %slice3A_330 : vector<256x1xf32>
      %slice3A_332 = vector.extract_strided_slice %get3A_328 {offsets = [0, 1], sizes = [256, 1], strides = [1, 1]} : vector<256x8xf32> to vector<256x1xf32>
      %slice3A_333 = vector.extract_strided_slice %get3A_328 {offsets = [0, 1], sizes = [256, 1], strides = [1, 1]} : vector<256x8xf32> to vector<256x1xf32>
      %mul3A_334 = arith.mulf %slice3A_332, %slice3A_333 : vector<256x1xf32>
      %add3A_335 = arith.addf %mul3A_331, %mul3A_334 : vector<256x1xf32>
      %slice3A_336 = vector.extract_strided_slice %get3A_328 {offsets = [0, 2], sizes = [256, 1], strides = [1, 1]} : vector<256x8xf32> to vector<256x1xf32>
      %slice3A_337 = vector.extract_strided_slice %get3A_328 {offsets = [0, 2], sizes = [256, 1], strides = [1, 1]} : vector<256x8xf32> to vector<256x1xf32>
      %mul3A_338 = arith.mulf %slice3A_336, %slice3A_337 : vector<256x1xf32>
      %add3A_339 = arith.addf %add3A_335, %mul3A_338 : vector<256x1xf32>
      %convert_element_type3A_340 = arith.truncf %get3A_328 : vector<256x8xf32> to vector<256x8xbf16>
      %dot_general3A = arith.constant dense<0.000000e+00> : vector<256x256xf32>
      %dot_general3A_341 = tpu.matmul %convert_element_type3A_340, %convert_element_type3A, %dot_general3A {dimension_numbers = #tpu.dot_dimension_numbers<[1], [0], [0], [1], [0, 0, 1, 1], [], []>, transpose_lhs_hint = false} : vector<256x8xbf16>, vector<8x256xbf16>, vector<256x256xf32> -> vector<256x256xf32>
      %add3A_342 = vector.broadcast %add3A_16 : vector<1x256xf32> to vector<256x256xf32>
      %add3A_343 = vector.broadcast %add3A_339 : vector<256x1xf32> to vector<256x256xf32>
      %add3A_344 = arith.addf %add3A_342, %add3A_343 : vector<256x256xf32>
      %mul3A_345 = arith.constant 2.000000e+00 : f32
      %mul3A_346 = vector.broadcast %mul3A_345 : f32 to vector<256x256xf32>
      %mul3A_347 = arith.mulf %mul3A_346, %dot_general3A_341 : vector<256x256xf32>
      %sub3A = arith.subf %add3A_344, %mul3A_347 : vector<256x256xf32>
      %get3A_348 = arith.index_cast %mul3A_321 : i32 to index
      %get3A_349 = arith.constant 0 : index
      %get3A_350 = vector.load %arg6[%get3A_348, %get3A_349] : memref<8192x1xi32, #tpu.memory_space<vmem>>, vector<256x1xi32>
      %ne3A = vector.broadcast %get3A_350 : vector<256x1xi32> to vector<256x256xi32>
      %ne3A_351 = vector.broadcast %get3A_8 : vector<1x256xi32> to vector<256x256xi32>
      %ne3A_352 = arith.cmpi ne, %ne3A, %ne3A_351 : vector<256x256xi32>
      %jit3A = arith.constant 9.99999968E+37 : f32
      %broadcast_in_dim3A_353 = vector.broadcast %jit3A : f32 to vector<256x256xf32>
      %select_n3A = arith.select %ne3A_352, %broadcast_in_dim3A_353, %sub3A : vector<256x256xi1>, vector<256x256xf32>
      %swap3A_354 = arith.index_cast %mul3A_321 : i32 to index
      %swap3A_355 = arith.constant 0 : index
      %swap3A_356 = vector.load %arg8[%swap3A_354, %swap3A_355] : memref<8192x256xf32, #tpu.memory_space<vmem>>, vector<256x256xf32>
      tpu.vector_store %arg8[%swap3A_354, %swap3A_355], %select_n3A {strides = array<i32>} : memref<8192x256xf32, #tpu.memory_space<vmem>>, vector<256x256xf32>,
      %reduce_min3A = arith.constant dense<0x7F800000> : vector<256xf32>
      %reduce_min3A_357 = vector.multi_reduction <minimumf>, %select_n3A, %reduce_min3A [0] : vector<256x256xf32> to vector<256xf32>
      %broadcast_in_dim3A_358 = vector.shape_cast %reduce_min3A_357 : vector<256xf32> to vector<1x256xf32>
      %le3A = vector.broadcast %broadcast_in_dim3A_358 : vector<1x256xf32> to vector<256x256xf32>
      %le3A_359 = arith.cmpf ole, %select_n3A, %le3A : vector<256x256xf32>
      %broadcast_in_dim3A_360 = vector.broadcast %while3A : i32 to vector<256x256xi32>
      %select_n3A_361 = arith.select %le3A_359, %add3A_325, %broadcast_in_dim3A_360 : vector<256x256xi1>, vector<256x256xi32>
      %reduce_min3A_362 = arith.constant dense<2147483647> : vector<256xi32>
      %reduce_min3A_363 = vector.multi_reduction <minsi>, %select_n3A_361, %reduce_min3A_362 [0] : vector<256x256xi32> to vector<256xi32>
      %broadcast_in_dim3A_364 = vector.shape_cast %reduce_min3A_363 : vector<256xi32> to vector<1x256xi32>
      %lt3A = arith.cmpf olt, %broadcast_in_dim3A_358, %while3A_318 : vector<1x256xf32>
      %select_n3A_365 = arith.select %lt3A, %broadcast_in_dim3A_358, %while3A_318 : vector<1x256xi1>, vector<1x256xf32>
      %select_n3A_366 = arith.select %lt3A, %broadcast_in_dim3A_364, %while3A_319 : vector<1x256xi1>, vector<1x256xi32>
      scf.yield %select_n3A_365, %select_n3A_366 : vector<1x256xf32>, vector<1x256xi32>
    }
    %swap3A = arith.constant 0 : index
    %swap3A_30 = arith.constant 0 : index
    %swap3A_31 = vector.load %arg7[%swap3A, %swap3A_30] : memref<16x256xi32, #tpu.memory_space<vmem>>, vector<1x256xi32>
    tpu.vector_store %arg7[%swap3A, %swap3A_30], %while3A_29#1 {strides = array<i32>} : memref<16x256xi32, #tpu.memory_space<vmem>>, vector<1x256xi32>,
    %broadcast_in_dim3A_32 = arith.constant 0x7F800000 : f32
    %broadcast_in_dim3A_33 = vector.broadcast %broadcast_in_dim3A_32 : f32 to vector<1x256xf32>
    %broadcast_in_dim3A_34 = arith.constant 1073741824 : i32
    %broadcast_in_dim3A_35 = vector.broadcast %broadcast_in_dim3A_34 : i32 to vector<1x256xi32>
    %while3A_36 = arith.constant 0x7F800000 : f32
    %while3A_37 = arith.constant 1073741824 : i32
    %while3A_38 = arith.subi %get3A_2, %get3A_0 : i32
    %while3A_39 = arith.addi %get3A_0, %while3A_38 : i32
    %while3A_40 = arith.constant 1 : i32
    %while3A_41 = arith.divsi %while3A_38, %while3A_40 : i32
    %while3A_42 = arith.muli %while3A_41, %while3A_40 : i32
    %while3A_43 = arith.addi %get3A_0, %while3A_42 : i32
    %while3A_44 = arith.constant 1 : i32
    %while3A_45:2 = scf.for %while3A_317 = %get3A_0 to %while3A_43 step %while3A_44 iter_args(%while3A_318 = %broadcast_in_dim3A_33, %while3A_319 = %broadcast_in_dim3A_35) -> (vector<1x256xf32>, vector<1x256xi32>)  : i32 {
      %mul3A_320 = arith.constant 256 : i32
      %mul3A_321 = arith.muli %while3A_317, %mul3A_320 : i32
      %iota3A = tpu.iota {dimensions = array<i32: 0>} : vector<256x256xi32>
      %mul3A_322 = arith.constant 256 : i32
      %mul3A_323 = arith.muli %while3A_317, %mul3A_322 : i32
      %add3A_324 = vector.broadcast %mul3A_323 : i32 to vector<256x256xi32>
      %add3A_325 = arith.addi %iota3A, %add3A_324 : vector<256x256xi32>
      %eq3A = vector.broadcast %while3A_29#1 : vector<1x256xi32> to vector<256x256xi32>
      %eq3A_326 = arith.cmpi eq, %add3A_325, %eq3A : vector<256x256xi32>
      %get3A_327 = arith.index_cast %mul3A_321 : i32 to index
      %get3A_328 = arith.constant 0 : index
      %get3A_329 = vector.load %arg8[%get3A_327, %get3A_328] : memref<8192x256xf32, #tpu.memory_space<vmem>>, vector<256x256xf32>
      %broadcast_in_dim3A_330 = vector.broadcast %while3A_36 : f32 to vector<256x256xf32>
      %select_n3A = arith.select %eq3A_326, %broadcast_in_dim3A_330, %get3A_329 : vector<256x256xi1>, vector<256x256xf32>
      %swap3A_331 = arith.index_cast %mul3A_321 : i32 to index
      %swap3A_332 = arith.constant 0 : index
      %swap3A_333 = vector.load %arg8[%swap3A_331, %swap3A_332] : memref<8192x256xf32, #tpu.memory_space<vmem>>, vector<256x256xf32>
      tpu.vector_store %arg8[%swap3A_331, %swap3A_332], %select_n3A {strides = array<i32>} : memref<8192x256xf32, #tpu.memory_space<vmem>>, vector<256x256xf32>,
      %reduce_min3A = arith.constant dense<0x7F800000> : vector<256xf32>
      %reduce_min3A_334 = vector.multi_reduction <minimumf>, %select_n3A, %reduce_min3A [0] : vector<256x256xf32> to vector<256xf32>
      %broadcast_in_dim3A_335 = vector.shape_cast %reduce_min3A_334 : vector<256xf32> to vector<1x256xf32>
      %le3A = vector.broadcast %broadcast_in_dim3A_335 : vector<1x256xf32> to vector<256x256xf32>
      %le3A_336 = arith.cmpf ole, %select_n3A, %le3A : vector<256x256xf32>
      %broadcast_in_dim3A_337 = vector.broadcast %while3A_37 : i32 to vector<256x256xi32>
      %select_n3A_338 = arith.select %le3A_336, %add3A_325, %broadcast_in_dim3A_337 : vector<256x256xi1>, vector<256x256xi32>
      %reduce_min3A_339 = arith.constant dense<2147483647> : vector<256xi32>
      %reduce_min3A_340 = vector.multi_reduction <minsi>, %select_n3A_338, %reduce_min3A_339 [0] : vector<256x256xi32> to vector<256xi32>
      %broadcast_in_dim3A_341 = vector.shape_cast %reduce_min3A_340 : vector<256xi32> to vector<1x256xi32>
      %lt3A = arith.cmpf olt, %broadcast_in_dim3A_335, %while3A_318 : vector<1x256xf32>
      %select_n3A_342 = arith.select %lt3A, %broadcast_in_dim3A_335, %while3A_318 : vector<1x256xi1>, vector<1x256xf32>
      %select_n3A_343 = arith.select %lt3A, %broadcast_in_dim3A_341, %while3A_319 : vector<1x256xi1>, vector<1x256xi32>
      scf.yield %select_n3A_342, %select_n3A_343 : vector<1x256xf32>, vector<1x256xi32>
    }
    %while3A_46 = arith.constant 1 : i32
    %while3A_47:2 = scf.for %while3A_317 = %while3A_43 to %while3A_39 step %while3A_46 iter_args(%while3A_318 = %while3A_45#0, %while3A_319 = %while3A_45#1) -> (vector<1x256xf32>, vector<1x256xi32>)  : i32 {
      %mul3A_320 = arith.constant 256 : i32
      %mul3A_321 = arith.muli %while3A_317, %mul3A_320 : i32
      %iota3A = tpu.iota {dimensions = array<i32: 0>} : vector<256x256xi32>
      %mul3A_322 = arith.constant 256 : i32
      %mul3A_323 = arith.muli %while3A_317, %mul3A_322 : i32
      %add3A_324 = vector.broadcast %mul3A_323 : i32 to vector<256x256xi32>
      %add3A_325 = arith.addi %iota3A, %add3A_324 : vector<256x256xi32>
      %eq3A = vector.broadcast %while3A_29#1 : vector<1x256xi32> to vector<256x256xi32>
      %eq3A_326 = arith.cmpi eq, %add3A_325, %eq3A : vector<256x256xi32>
      %get3A_327 = arith.index_cast %mul3A_321 : i32 to index
      %get3A_328 = arith.constant 0 : index
      %get3A_329 = vector.load %arg8[%get3A_327, %get3A_328] : memref<8192x256xf32, #tpu.memory_space<vmem>>, vector<256x256xf32>
      %broadcast_in_dim3A_330 = vector.broadcast %while3A_36 : f32 to vector<256x256xf32>
      %select_n3A = arith.select %eq3A_326, %broadcast_in_dim3A_330, %get3A_329 : vector<256x256xi1>, vector<256x256xf32>
      %swap3A_331 = arith.index_cast %mul3A_321 : i32 to index
      %swap3A_332 = arith.constant 0 : index
      %swap3A_333 = vector.load %arg8[%swap3A_331, %swap3A_332] : memref<8192x256xf32, #tpu.memory_space<vmem>>, vector<256x256xf32>
      tpu.vector_store %arg8[%swap3A_331, %swap3A_332], %select_n3A {strides = array<i32>} : memref<8192x256xf32, #tpu.memory_space<vmem>>, vector<256x256xf32>,
      %reduce_min3A = arith.constant dense<0x7F800000> : vector<256xf32>
      %reduce_min3A_334 = vector.multi_reduction <minimumf>, %select_n3A, %reduce_min3A [0] : vector<256x256xf32> to vector<256xf32>
      %broadcast_in_dim3A_335 = vector.shape_cast %reduce_min3A_334 : vector<256xf32> to vector<1x256xf32>
      %le3A = vector.broadcast %broadcast_in_dim3A_335 : vector<1x256xf32> to vector<256x256xf32>
      %le3A_336 = arith.cmpf ole, %select_n3A, %le3A : vector<256x256xf32>
      %broadcast_in_dim3A_337 = vector.broadcast %while3A_37 : i32 to vector<256x256xi32>
      %select_n3A_338 = arith.select %le3A_336, %add3A_325, %broadcast_in_dim3A_337 : vector<256x256xi1>, vector<256x256xi32>
      %reduce_min3A_339 = arith.constant dense<2147483647> : vector<256xi32>
      %reduce_min3A_340 = vector.multi_reduction <minsi>, %select_n3A_338, %reduce_min3A_339 [0] : vector<256x256xi32> to vector<256xi32>
      %broadcast_in_dim3A_341 = vector.shape_cast %reduce_min3A_340 : vector<256xi32> to vector<1x256xi32>
      %lt3A = arith.cmpf olt, %broadcast_in_dim3A_335, %while3A_318 : vector<1x256xf32>
      %select_n3A_342 = arith.select %lt3A, %broadcast_in_dim3A_335, %while3A_318 : vector<1x256xi1>, vector<1x256xf32>
      %select_n3A_343 = arith.select %lt3A, %broadcast_in_dim3A_341, %while3A_319 : vector<1x256xi1>, vector<1x256xi32>
      scf.yield %select_n3A_342, %select_n3A_343 : vector<1x256xf32>, vector<1x256xi32>
    }
    %swap3A_48 = arith.constant 1 : index
    %swap3A_49 = arith.constant 0 : index
    %swap3A_50 = vector.load %arg7[%swap3A_48, %swap3A_49] : memref<16x256xi32, #tpu.memory_space<vmem>>, vector<1x256xi32>
    tpu.vector_store %arg7[%swap3A_48, %swap3A_49], %while3A_47#1 {strides = array<i32>} : memref<16x256xi32, #tpu.memory_space<vmem>>, vector<1x256xi32>,
    %broadcast_in_dim3A_51 = arith.constant 0x7F800000 : f32
    %broadcast_in_dim3A_52 = vector.broadcast %broadcast_in_dim3A_51 : f32 to vector<1x256xf32>
    %broadcast_in_dim3A_53 = arith.constant 1073741824 : i32
    %broadcast_in_dim3A_54 = vector.broadcast %broadcast_in_dim3A_53 : i32 to vector<1x256xi32>
    %while3A_55 = arith.constant 0x7F800000 : f32
    %while3A_56 = arith.constant 1073741824 : i32
    %while3A_57 = arith.subi %get3A_2, %get3A_0 : i32
    %while3A_58 = arith.addi %get3A_0, %while3A_57 : i32
    %while3A_59 = arith.constant 1 : i32
    %while3A_60 = arith.divsi %while3A_57, %while3A_59 : i32
    %while3A_61 = arith.muli %while3A_60, %while3A_59 : i32
    %while3A_62 = arith.addi %get3A_0, %while3A_61 : i32
    %while3A_63 = arith.constant 1 : i32
    %while3A_64:2 = scf.for %while3A_317 = %get3A_0 to %while3A_62 step %while3A_63 iter_args(%while3A_318 = %broadcast_in_dim3A_52, %while3A_319 = %broadcast_in_dim3A_54) -> (vector<1x256xf32>, vector<1x256xi32>)  : i32 {
      %mul3A_320 = arith.constant 256 : i32
      %mul3A_321 = arith.muli %while3A_317, %mul3A_320 : i32
      %iota3A = tpu.iota {dimensions = array<i32: 0>} : vector<256x256xi32>
      %mul3A_322 = arith.constant 256 : i32
      %mul3A_323 = arith.muli %while3A_317, %mul3A_322 : i32
      %add3A_324 = vector.broadcast %mul3A_323 : i32 to vector<256x256xi32>
      %add3A_325 = arith.addi %iota3A, %add3A_324 : vector<256x256xi32>
      %eq3A = vector.broadcast %while3A_47#1 : vector<1x256xi32> to vector<256x256xi32>
      %eq3A_326 = arith.cmpi eq, %add3A_325, %eq3A : vector<256x256xi32>
      %get3A_327 = arith.index_cast %mul3A_321 : i32 to index
      %get3A_328 = arith.constant 0 : index
      %get3A_329 = vector.load %arg8[%get3A_327, %get3A_328] : memref<8192x256xf32, #tpu.memory_space<vmem>>, vector<256x256xf32>
      %broadcast_in_dim3A_330 = vector.broadcast %while3A_55 : f32 to vector<256x256xf32>
      %select_n3A = arith.select %eq3A_326, %broadcast_in_dim3A_330, %get3A_329 : vector<256x256xi1>, vector<256x256xf32>
      %swap3A_331 = arith.index_cast %mul3A_321 : i32 to index
      %swap3A_332 = arith.constant 0 : index
      %swap3A_333 = vector.load %arg8[%swap3A_331, %swap3A_332] : memref<8192x256xf32, #tpu.memory_space<vmem>>, vector<256x256xf32>
      tpu.vector_store %arg8[%swap3A_331, %swap3A_332], %select_n3A {strides = array<i32>} : memref<8192x256xf32, #tpu.memory_space<vmem>>, vector<256x256xf32>,
      %reduce_min3A = arith.constant dense<0x7F800000> : vector<256xf32>
      %reduce_min3A_334 = vector.multi_reduction <minimumf>, %select_n3A, %reduce_min3A [0] : vector<256x256xf32> to vector<256xf32>
      %broadcast_in_dim3A_335 = vector.shape_cast %reduce_min3A_334 : vector<256xf32> to vector<1x256xf32>
      %le3A = vector.broadcast %broadcast_in_dim3A_335 : vector<1x256xf32> to vector<256x256xf32>
      %le3A_336 = arith.cmpf ole, %select_n3A, %le3A : vector<256x256xf32>
      %broadcast_in_dim3A_337 = vector.broadcast %while3A_56 : i32 to vector<256x256xi32>
      %select_n3A_338 = arith.select %le3A_336, %add3A_325, %broadcast_in_dim3A_337 : vector<256x256xi1>, vector<256x256xi32>
      %reduce_min3A_339 = arith.constant dense<2147483647> : vector<256xi32>
      %reduce_min3A_340 = vector.multi_reduction <minsi>, %select_n3A_338, %reduce_min3A_339 [0] : vector<256x256xi32> to vector<256xi32>
      %broadcast_in_dim3A_341 = vector.shape_cast %reduce_min3A_340 : vector<256xi32> to vector<1x256xi32>
      %lt3A = arith.cmpf olt, %broadcast_in_dim3A_335, %while3A_318 : vector<1x256xf32>
      %select_n3A_342 = arith.select %lt3A, %broadcast_in_dim3A_335, %while3A_318 : vector<1x256xi1>, vector<1x256xf32>
      %select_n3A_343 = arith.select %lt3A, %broadcast_in_dim3A_341, %while3A_319 : vector<1x256xi1>, vector<1x256xi32>
      scf.yield %select_n3A_342, %select_n3A_343 : vector<1x256xf32>, vector<1x256xi32>
    }
    %while3A_65 = arith.constant 1 : i32
    %while3A_66:2 = scf.for %while3A_317 = %while3A_62 to %while3A_58 step %while3A_65 iter_args(%while3A_318 = %while3A_64#0, %while3A_319 = %while3A_64#1) -> (vector<1x256xf32>, vector<1x256xi32>)  : i32 {
      %mul3A_320 = arith.constant 256 : i32
      %mul3A_321 = arith.muli %while3A_317, %mul3A_320 : i32
      %iota3A = tpu.iota {dimensions = array<i32: 0>} : vector<256x256xi32>
      %mul3A_322 = arith.constant 256 : i32
      %mul3A_323 = arith.muli %while3A_317, %mul3A_322 : i32
      %add3A_324 = vector.broadcast %mul3A_323 : i32 to vector<256x256xi32>
      %add3A_325 = arith.addi %iota3A, %add3A_324 : vector<256x256xi32>
      %eq3A = vector.broadcast %while3A_47#1 : vector<1x256xi32> to vector<256x256xi32>
      %eq3A_326 = arith.cmpi eq, %add3A_325, %eq3A : vector<256x256xi32>
      %get3A_327 = arith.index_cast %mul3A_321 : i32 to index
      %get3A_328 = arith.constant 0 : index
      %get3A_329 = vector.load %arg8[%get3A_327, %get3A_328] : memref<8192x256xf32, #tpu.memory_space<vmem>>, vector<256x256xf32>
      %broadcast_in_dim3A_330 = vector.broadcast %while3A_55 : f32 to vector<256x256xf32>
      %select_n3A = arith.select %eq3A_326, %broadcast_in_dim3A_330, %get3A_329 : vector<256x256xi1>, vector<256x256xf32>
      %swap3A_331 = arith.index_cast %mul3A_321 : i32 to index
      %swap3A_332 = arith.constant 0 : index
      %swap3A_333 = vector.load %arg8[%swap3A_331, %swap3A_332] : memref<8192x256xf32, #tpu.memory_space<vmem>>, vector<256x256xf32>
      tpu.vector_store %arg8[%swap3A_331, %swap3A_332], %select_n3A {strides = array<i32>} : memref<8192x256xf32, #tpu.memory_space<vmem>>, vector<256x256xf32>,
      %reduce_min3A = arith.constant dense<0x7F800000> : vector<256xf32>
      %reduce_min3A_334 = vector.multi_reduction <minimumf>, %select_n3A, %reduce_min3A [0] : vector<256x256xf32> to vector<256xf32>
      %broadcast_in_dim3A_335 = vector.shape_cast %reduce_min3A_334 : vector<256xf32> to vector<1x256xf32>
      %le3A = vector.broadcast %broadcast_in_dim3A_335 : vector<1x256xf32> to vector<256x256xf32>
      %le3A_336 = arith.cmpf ole, %select_n3A, %le3A : vector<256x256xf32>
      %broadcast_in_dim3A_337 = vector.broadcast %while3A_56 : i32 to vector<256x256xi32>
      %select_n3A_338 = arith.select %le3A_336, %add3A_325, %broadcast_in_dim3A_337 : vector<256x256xi1>, vector<256x256xi32>
      %reduce_min3A_339 = arith.constant dense<2147483647> : vector<256xi32>
      %reduce_min3A_340 = vector.multi_reduction <minsi>, %select_n3A_338, %reduce_min3A_339 [0] : vector<256x256xi32> to vector<256xi32>
      %broadcast_in_dim3A_341 = vector.shape_cast %reduce_min3A_340 : vector<256xi32> to vector<1x256xi32>
      %lt3A = arith.cmpf olt, %broadcast_in_dim3A_335, %while3A_318 : vector<1x256xf32>
      %select_n3A_342 = arith.select %lt3A, %broadcast_in_dim3A_335, %while3A_318 : vector<1x256xi1>, vector<1x256xf32>
      %select_n3A_343 = arith.select %lt3A, %broadcast_in_dim3A_341, %while3A_319 : vector<1x256xi1>, vector<1x256xi32>
      scf.yield %select_n3A_342, %select_n3A_343 : vector<1x256xf32>, vector<1x256xi32>
    }
    %swap3A_67 = arith.constant 2 : index
    %swap3A_68 = arith.constant 0 : index
    %swap3A_69 = vector.load %arg7[%swap3A_67, %swap3A_68] : memref<16x256xi32, #tpu.memory_space<vmem>>, vector<1x256xi32>
    tpu.vector_store %arg7[%swap3A_67, %swap3A_68], %while3A_66#1 {strides = array<i32>} : memref<16x256xi32, #tpu.memory_space<vmem>>, vector<1x256xi32>,
    %broadcast_in_dim3A_70 = arith.constant 0x7F800000 : f32
    %broadcast_in_dim3A_71 = vector.broadcast %broadcast_in_dim3A_70 : f32 to vector<1x256xf32>
    %broadcast_in_dim3A_72 = arith.constant 1073741824 : i32
    %broadcast_in_dim3A_73 = vector.broadcast %broadcast_in_dim3A_72 : i32 to vector<1x256xi32>
    %while3A_74 = arith.constant 0x7F800000 : f32
    %while3A_75 = arith.constant 1073741824 : i32
    %while3A_76 = arith.subi %get3A_2, %get3A_0 : i32
    %while3A_77 = arith.addi %get3A_0, %while3A_76 : i32
    %while3A_78 = arith.constant 1 : i32
    %while3A_79 = arith.divsi %while3A_76, %while3A_78 : i32
    %while3A_80 = arith.muli %while3A_79, %while3A_78 : i32
    %while3A_81 = arith.addi %get3A_0, %while3A_80 : i32
    %while3A_82 = arith.constant 1 : i32
    %while3A_83:2 = scf.for %while3A_317 = %get3A_0 to %while3A_81 step %while3A_82 iter_args(%while3A_318 = %broadcast_in_dim3A_71, %while3A_319 = %broadcast_in_dim3A_73) -> (vector<1x256xf32>, vector<1x256xi32>)  : i32 {
      %mul3A_320 = arith.constant 256 : i32
      %mul3A_321 = arith.muli %while3A_317, %mul3A_320 : i32
      %iota3A = tpu.iota {dimensions = array<i32: 0>} : vector<256x256xi32>
      %mul3A_322 = arith.constant 256 : i32
      %mul3A_323 = arith.muli %while3A_317, %mul3A_322 : i32
      %add3A_324 = vector.broadcast %mul3A_323 : i32 to vector<256x256xi32>
      %add3A_325 = arith.addi %iota3A, %add3A_324 : vector<256x256xi32>
      %eq3A = vector.broadcast %while3A_66#1 : vector<1x256xi32> to vector<256x256xi32>
      %eq3A_326 = arith.cmpi eq, %add3A_325, %eq3A : vector<256x256xi32>
      %get3A_327 = arith.index_cast %mul3A_321 : i32 to index
      %get3A_328 = arith.constant 0 : index
      %get3A_329 = vector.load %arg8[%get3A_327, %get3A_328] : memref<8192x256xf32, #tpu.memory_space<vmem>>, vector<256x256xf32>
      %broadcast_in_dim3A_330 = vector.broadcast %while3A_74 : f32 to vector<256x256xf32>
      %select_n3A = arith.select %eq3A_326, %broadcast_in_dim3A_330, %get3A_329 : vector<256x256xi1>, vector<256x256xf32>
      %swap3A_331 = arith.index_cast %mul3A_321 : i32 to index
      %swap3A_332 = arith.constant 0 : index
      %swap3A_333 = vector.load %arg8[%swap3A_331, %swap3A_332] : memref<8192x256xf32, #tpu.memory_space<vmem>>, vector<256x256xf32>
      tpu.vector_store %arg8[%swap3A_331, %swap3A_332], %select_n3A {strides = array<i32>} : memref<8192x256xf32, #tpu.memory_space<vmem>>, vector<256x256xf32>,
      %reduce_min3A = arith.constant dense<0x7F800000> : vector<256xf32>
      %reduce_min3A_334 = vector.multi_reduction <minimumf>, %select_n3A, %reduce_min3A [0] : vector<256x256xf32> to vector<256xf32>
      %broadcast_in_dim3A_335 = vector.shape_cast %reduce_min3A_334 : vector<256xf32> to vector<1x256xf32>
      %le3A = vector.broadcast %broadcast_in_dim3A_335 : vector<1x256xf32> to vector<256x256xf32>
      %le3A_336 = arith.cmpf ole, %select_n3A, %le3A : vector<256x256xf32>
      %broadcast_in_dim3A_337 = vector.broadcast %while3A_75 : i32 to vector<256x256xi32>
      %select_n3A_338 = arith.select %le3A_336, %add3A_325, %broadcast_in_dim3A_337 : vector<256x256xi1>, vector<256x256xi32>
      %reduce_min3A_339 = arith.constant dense<2147483647> : vector<256xi32>
      %reduce_min3A_340 = vector.multi_reduction <minsi>, %select_n3A_338, %reduce_min3A_339 [0] : vector<256x256xi32> to vector<256xi32>
      %broadcast_in_dim3A_341 = vector.shape_cast %reduce_min3A_340 : vector<256xi32> to vector<1x256xi32>
      %lt3A = arith.cmpf olt, %broadcast_in_dim3A_335, %while3A_318 : vector<1x256xf32>
      %select_n3A_342 = arith.select %lt3A, %broadcast_in_dim3A_335, %while3A_318 : vector<1x256xi1>, vector<1x256xf32>
      %select_n3A_343 = arith.select %lt3A, %broadcast_in_dim3A_341, %while3A_319 : vector<1x256xi1>, vector<1x256xi32>
      scf.yield %select_n3A_342, %select_n3A_343 : vector<1x256xf32>, vector<1x256xi32>
    }
    %while3A_84 = arith.constant 1 : i32
    %while3A_85:2 = scf.for %while3A_317 = %while3A_81 to %while3A_77 step %while3A_84 iter_args(%while3A_318 = %while3A_83#0, %while3A_319 = %while3A_83#1) -> (vector<1x256xf32>, vector<1x256xi32>)  : i32 {
      %mul3A_320 = arith.constant 256 : i32
      %mul3A_321 = arith.muli %while3A_317, %mul3A_320 : i32
      %iota3A = tpu.iota {dimensions = array<i32: 0>} : vector<256x256xi32>
      %mul3A_322 = arith.constant 256 : i32
      %mul3A_323 = arith.muli %while3A_317, %mul3A_322 : i32
      %add3A_324 = vector.broadcast %mul3A_323 : i32 to vector<256x256xi32>
      %add3A_325 = arith.addi %iota3A, %add3A_324 : vector<256x256xi32>
      %eq3A = vector.broadcast %while3A_66#1 : vector<1x256xi32> to vector<256x256xi32>
      %eq3A_326 = arith.cmpi eq, %add3A_325, %eq3A : vector<256x256xi32>
      %get3A_327 = arith.index_cast %mul3A_321 : i32 to index
      %get3A_328 = arith.constant 0 : index
      %get3A_329 = vector.load %arg8[%get3A_327, %get3A_328] : memref<8192x256xf32, #tpu.memory_space<vmem>>, vector<256x256xf32>
      %broadcast_in_dim3A_330 = vector.broadcast %while3A_74 : f32 to vector<256x256xf32>
      %select_n3A = arith.select %eq3A_326, %broadcast_in_dim3A_330, %get3A_329 : vector<256x256xi1>, vector<256x256xf32>
      %swap3A_331 = arith.index_cast %mul3A_321 : i32 to index
      %swap3A_332 = arith.constant 0 : index
      %swap3A_333 = vector.load %arg8[%swap3A_331, %swap3A_332] : memref<8192x256xf32, #tpu.memory_space<vmem>>, vector<256x256xf32>
      tpu.vector_store %arg8[%swap3A_331, %swap3A_332], %select_n3A {strides = array<i32>} : memref<8192x256xf32, #tpu.memory_space<vmem>>, vector<256x256xf32>,
      %reduce_min3A = arith.constant dense<0x7F800000> : vector<256xf32>
      %reduce_min3A_334 = vector.multi_reduction <minimumf>, %select_n3A, %reduce_min3A [0] : vector<256x256xf32> to vector<256xf32>
      %broadcast_in_dim3A_335 = vector.shape_cast %reduce_min3A_334 : vector<256xf32> to vector<1x256xf32>
      %le3A = vector.broadcast %broadcast_in_dim3A_335 : vector<1x256xf32> to vector<256x256xf32>
      %le3A_336 = arith.cmpf ole, %select_n3A, %le3A : vector<256x256xf32>
      %broadcast_in_dim3A_337 = vector.broadcast %while3A_75 : i32 to vector<256x256xi32>
      %select_n3A_338 = arith.select %le3A_336, %add3A_325, %broadcast_in_dim3A_337 : vector<256x256xi1>, vector<256x256xi32>
      %reduce_min3A_339 = arith.constant dense<2147483647> : vector<256xi32>
      %reduce_min3A_340 = vector.multi_reduction <minsi>, %select_n3A_338, %reduce_min3A_339 [0] : vector<256x256xi32> to vector<256xi32>
      %broadcast_in_dim3A_341 = vector.shape_cast %reduce_min3A_340 : vector<256xi32> to vector<1x256xi32>
      %lt3A = arith.cmpf olt, %broadcast_in_dim3A_335, %while3A_318 : vector<1x256xf32>
      %select_n3A_342 = arith.select %lt3A, %broadcast_in_dim3A_335, %while3A_318 : vector<1x256xi1>, vector<1x256xf32>
      %select_n3A_343 = arith.select %lt3A, %broadcast_in_dim3A_341, %while3A_319 : vector<1x256xi1>, vector<1x256xi32>
      scf.yield %select_n3A_342, %select_n3A_343 : vector<1x256xf32>, vector<1x256xi32>
    }
    %swap3A_86 = arith.constant 3 : index
    %swap3A_87 = arith.constant 0 : index
    %swap3A_88 = vector.load %arg7[%swap3A_86, %swap3A_87] : memref<16x256xi32, #tpu.memory_space<vmem>>, vector<1x256xi32>
    tpu.vector_store %arg7[%swap3A_86, %swap3A_87], %while3A_85#1 {strides = array<i32>} : memref<16x256xi32, #tpu.memory_space<vmem>>, vector<1x256xi32>,
    %broadcast_in_dim3A_89 = arith.constant 0x7F800000 : f32
    %broadcast_in_dim3A_90 = vector.broadcast %broadcast_in_dim3A_89 : f32 to vector<1x256xf32>
    %broadcast_in_dim3A_91 = arith.constant 1073741824 : i32
    %broadcast_in_dim3A_92 = vector.broadcast %broadcast_in_dim3A_91 : i32 to vector<1x256xi32>
    %while3A_93 = arith.constant 0x7F800000 : f32
    %while3A_94 = arith.constant 1073741824 : i32
    %while3A_95 = arith.subi %get3A_2, %get3A_0 : i32
    %while3A_96 = arith.addi %get3A_0, %while3A_95 : i32
    %while3A_97 = arith.constant 1 : i32
    %while3A_98 = arith.divsi %while3A_95, %while3A_97 : i32
    %while3A_99 = arith.muli %while3A_98, %while3A_97 : i32
    %while3A_100 = arith.addi %get3A_0, %while3A_99 : i32
    %while3A_101 = arith.constant 1 : i32
    %while3A_102:2 = scf.for %while3A_317 = %get3A_0 to %while3A_100 step %while3A_101 iter_args(%while3A_318 = %broadcast_in_dim3A_90, %while3A_319 = %broadcast_in_dim3A_92) -> (vector<1x256xf32>, vector<1x256xi32>)  : i32 {
      %mul3A_320 = arith.constant 256 : i32
      %mul3A_321 = arith.muli %while3A_317, %mul3A_320 : i32
      %iota3A = tpu.iota {dimensions = array<i32: 0>} : vector<256x256xi32>
      %mul3A_322 = arith.constant 256 : i32
      %mul3A_323 = arith.muli %while3A_317, %mul3A_322 : i32
      %add3A_324 = vector.broadcast %mul3A_323 : i32 to vector<256x256xi32>
      %add3A_325 = arith.addi %iota3A, %add3A_324 : vector<256x256xi32>
      %eq3A = vector.broadcast %while3A_85#1 : vector<1x256xi32> to vector<256x256xi32>
      %eq3A_326 = arith.cmpi eq, %add3A_325, %eq3A : vector<256x256xi32>
      %get3A_327 = arith.index_cast %mul3A_321 : i32 to index
      %get3A_328 = arith.constant 0 : index
      %get3A_329 = vector.load %arg8[%get3A_327, %get3A_328] : memref<8192x256xf32, #tpu.memory_space<vmem>>, vector<256x256xf32>
      %broadcast_in_dim3A_330 = vector.broadcast %while3A_93 : f32 to vector<256x256xf32>
      %select_n3A = arith.select %eq3A_326, %broadcast_in_dim3A_330, %get3A_329 : vector<256x256xi1>, vector<256x256xf32>
      %swap3A_331 = arith.index_cast %mul3A_321 : i32 to index
      %swap3A_332 = arith.constant 0 : index
      %swap3A_333 = vector.load %arg8[%swap3A_331, %swap3A_332] : memref<8192x256xf32, #tpu.memory_space<vmem>>, vector<256x256xf32>
      tpu.vector_store %arg8[%swap3A_331, %swap3A_332], %select_n3A {strides = array<i32>} : memref<8192x256xf32, #tpu.memory_space<vmem>>, vector<256x256xf32>,
      %reduce_min3A = arith.constant dense<0x7F800000> : vector<256xf32>
      %reduce_min3A_334 = vector.multi_reduction <minimumf>, %select_n3A, %reduce_min3A [0] : vector<256x256xf32> to vector<256xf32>
      %broadcast_in_dim3A_335 = vector.shape_cast %reduce_min3A_334 : vector<256xf32> to vector<1x256xf32>
      %le3A = vector.broadcast %broadcast_in_dim3A_335 : vector<1x256xf32> to vector<256x256xf32>
      %le3A_336 = arith.cmpf ole, %select_n3A, %le3A : vector<256x256xf32>
      %broadcast_in_dim3A_337 = vector.broadcast %while3A_94 : i32 to vector<256x256xi32>
      %select_n3A_338 = arith.select %le3A_336, %add3A_325, %broadcast_in_dim3A_337 : vector<256x256xi1>, vector<256x256xi32>
      %reduce_min3A_339 = arith.constant dense<2147483647> : vector<256xi32>
      %reduce_min3A_340 = vector.multi_reduction <minsi>, %select_n3A_338, %reduce_min3A_339 [0] : vector<256x256xi32> to vector<256xi32>
      %broadcast_in_dim3A_341 = vector.shape_cast %reduce_min3A_340 : vector<256xi32> to vector<1x256xi32>
      %lt3A = arith.cmpf olt, %broadcast_in_dim3A_335, %while3A_318 : vector<1x256xf32>
      %select_n3A_342 = arith.select %lt3A, %broadcast_in_dim3A_335, %while3A_318 : vector<1x256xi1>, vector<1x256xf32>
      %select_n3A_343 = arith.select %lt3A, %broadcast_in_dim3A_341, %while3A_319 : vector<1x256xi1>, vector<1x256xi32>
      scf.yield %select_n3A_342, %select_n3A_343 : vector<1x256xf32>, vector<1x256xi32>
    }
    %while3A_103 = arith.constant 1 : i32
    %while3A_104:2 = scf.for %while3A_317 = %while3A_100 to %while3A_96 step %while3A_103 iter_args(%while3A_318 = %while3A_102#0, %while3A_319 = %while3A_102#1) -> (vector<1x256xf32>, vector<1x256xi32>)  : i32 {
      %mul3A_320 = arith.constant 256 : i32
      %mul3A_321 = arith.muli %while3A_317, %mul3A_320 : i32
      %iota3A = tpu.iota {dimensions = array<i32: 0>} : vector<256x256xi32>
      %mul3A_322 = arith.constant 256 : i32
      %mul3A_323 = arith.muli %while3A_317, %mul3A_322 : i32
      %add3A_324 = vector.broadcast %mul3A_323 : i32 to vector<256x256xi32>
      %add3A_325 = arith.addi %iota3A, %add3A_324 : vector<256x256xi32>
      %eq3A = vector.broadcast %while3A_85#1 : vector<1x256xi32> to vector<256x256xi32>
      %eq3A_326 = arith.cmpi eq, %add3A_325, %eq3A : vector<256x256xi32>
      %get3A_327 = arith.index_cast %mul3A_321 : i32 to index
      %get3A_328 = arith.constant 0 : index
      %get3A_329 = vector.load %arg8[%get3A_327, %get3A_328] : memref<8192x256xf32, #tpu.memory_space<vmem>>, vector<256x256xf32>
      %broadcast_in_dim3A_330 = vector.broadcast %while3A_93 : f32 to vector<256x256xf32>
      %select_n3A = arith.select %eq3A_326, %broadcast_in_dim3A_330, %get3A_329 : vector<256x256xi1>, vector<256x256xf32>
      %swap3A_331 = arith.index_cast %mul3A_321 : i32 to index
      %swap3A_332 = arith.constant 0 : index
      %swap3A_333 = vector.load %arg8[%swap3A_331, %swap3A_332] : memref<8192x256xf32, #tpu.memory_space<vmem>>, vector<256x256xf32>
      tpu.vector_store %arg8[%swap3A_331, %swap3A_332], %select_n3A {strides = array<i32>} : memref<8192x256xf32, #tpu.memory_space<vmem>>, vector<256x256xf32>,
      %reduce_min3A = arith.constant dense<0x7F800000> : vector<256xf32>
      %reduce_min3A_334 = vector.multi_reduction <minimumf>, %select_n3A, %reduce_min3A [0] : vector<256x256xf32> to vector<256xf32>
      %broadcast_in_dim3A_335 = vector.shape_cast %reduce_min3A_334 : vector<256xf32> to vector<1x256xf32>
      %le3A = vector.broadcast %broadcast_in_dim3A_335 : vector<1x256xf32> to vector<256x256xf32>
      %le3A_336 = arith.cmpf ole, %select_n3A, %le3A : vector<256x256xf32>
      %broadcast_in_dim3A_337 = vector.broadcast %while3A_94 : i32 to vector<256x256xi32>
      %select_n3A_338 = arith.select %le3A_336, %add3A_325, %broadcast_in_dim3A_337 : vector<256x256xi1>, vector<256x256xi32>
      %reduce_min3A_339 = arith.constant dense<2147483647> : vector<256xi32>
      %reduce_min3A_340 = vector.multi_reduction <minsi>, %select_n3A_338, %reduce_min3A_339 [0] : vector<256x256xi32> to vector<256xi32>
      %broadcast_in_dim3A_341 = vector.shape_cast %reduce_min3A_340 : vector<256xi32> to vector<1x256xi32>
      %lt3A = arith.cmpf olt, %broadcast_in_dim3A_335, %while3A_318 : vector<1x256xf32>
      %select_n3A_342 = arith.select %lt3A, %broadcast_in_dim3A_335, %while3A_318 : vector<1x256xi1>, vector<1x256xf32>
      %select_n3A_343 = arith.select %lt3A, %broadcast_in_dim3A_341, %while3A_319 : vector<1x256xi1>, vector<1x256xi32>
      scf.yield %select_n3A_342, %select_n3A_343 : vector<1x256xf32>, vector<1x256xi32>
    }
    %swap3A_105 = arith.constant 4 : index
    %swap3A_106 = arith.constant 0 : index
    %swap3A_107 = vector.load %arg7[%swap3A_105, %swap3A_106] : memref<16x256xi32, #tpu.memory_space<vmem>>, vector<1x256xi32>
    tpu.vector_store %arg7[%swap3A_105, %swap3A_106], %while3A_104#1 {strides = array<i32>} : memref<16x256xi32, #tpu.memory_space<vmem>>, vector<1x256xi32>,
    %broadcast_in_dim3A_108 = arith.constant 0x7F800000 : f32
    %broadcast_in_dim3A_109 = vector.broadcast %broadcast_in_dim3A_108 : f32 to vector<1x256xf32>
    %broadcast_in_dim3A_110 = arith.constant 1073741824 : i32
    %broadcast_in_dim3A_111 = vector.broadcast %broadcast_in_dim3A_110 : i32 to vector<1x256xi32>
    %while3A_112 = arith.constant 0x7F800000 : f32
    %while3A_113 = arith.constant 1073741824 : i32
    %while3A_114 = arith.subi %get3A_2, %get3A_0 : i32
    %while3A_115 = arith.addi %get3A_0, %while3A_114 : i32
    %while3A_116 = arith.constant 1 : i32
    %while3A_117 = arith.divsi %while3A_114, %while3A_116 : i32
    %while3A_118 = arith.muli %while3A_117, %while3A_116 : i32
    %while3A_119 = arith.addi %get3A_0, %while3A_118 : i32
    %while3A_120 = arith.constant 1 : i32
    %while3A_121:2 = scf.for %while3A_317 = %get3A_0 to %while3A_119 step %while3A_120 iter_args(%while3A_318 = %broadcast_in_dim3A_109, %while3A_319 = %broadcast_in_dim3A_111) -> (vector<1x256xf32>, vector<1x256xi32>)  : i32 {
      %mul3A_320 = arith.constant 256 : i32
      %mul3A_321 = arith.muli %while3A_317, %mul3A_320 : i32
      %iota3A = tpu.iota {dimensions = array<i32: 0>} : vector<256x256xi32>
      %mul3A_322 = arith.constant 256 : i32
      %mul3A_323 = arith.muli %while3A_317, %mul3A_322 : i32
      %add3A_324 = vector.broadcast %mul3A_323 : i32 to vector<256x256xi32>
      %add3A_325 = arith.addi %iota3A, %add3A_324 : vector<256x256xi32>
      %eq3A = vector.broadcast %while3A_104#1 : vector<1x256xi32> to vector<256x256xi32>
      %eq3A_326 = arith.cmpi eq, %add3A_325, %eq3A : vector<256x256xi32>
      %get3A_327 = arith.index_cast %mul3A_321 : i32 to index
      %get3A_328 = arith.constant 0 : index
      %get3A_329 = vector.load %arg8[%get3A_327, %get3A_328] : memref<8192x256xf32, #tpu.memory_space<vmem>>, vector<256x256xf32>
      %broadcast_in_dim3A_330 = vector.broadcast %while3A_112 : f32 to vector<256x256xf32>
      %select_n3A = arith.select %eq3A_326, %broadcast_in_dim3A_330, %get3A_329 : vector<256x256xi1>, vector<256x256xf32>
      %swap3A_331 = arith.index_cast %mul3A_321 : i32 to index
      %swap3A_332 = arith.constant 0 : index
      %swap3A_333 = vector.load %arg8[%swap3A_331, %swap3A_332] : memref<8192x256xf32, #tpu.memory_space<vmem>>, vector<256x256xf32>
      tpu.vector_store %arg8[%swap3A_331, %swap3A_332], %select_n3A {strides = array<i32>} : memref<8192x256xf32, #tpu.memory_space<vmem>>, vector<256x256xf32>,
      %reduce_min3A = arith.constant dense<0x7F800000> : vector<256xf32>
      %reduce_min3A_334 = vector.multi_reduction <minimumf>, %select_n3A, %reduce_min3A [0] : vector<256x256xf32> to vector<256xf32>
      %broadcast_in_dim3A_335 = vector.shape_cast %reduce_min3A_334 : vector<256xf32> to vector<1x256xf32>
      %le3A = vector.broadcast %broadcast_in_dim3A_335 : vector<1x256xf32> to vector<256x256xf32>
      %le3A_336 = arith.cmpf ole, %select_n3A, %le3A : vector<256x256xf32>
      %broadcast_in_dim3A_337 = vector.broadcast %while3A_113 : i32 to vector<256x256xi32>
      %select_n3A_338 = arith.select %le3A_336, %add3A_325, %broadcast_in_dim3A_337 : vector<256x256xi1>, vector<256x256xi32>
      %reduce_min3A_339 = arith.constant dense<2147483647> : vector<256xi32>
      %reduce_min3A_340 = vector.multi_reduction <minsi>, %select_n3A_338, %reduce_min3A_339 [0] : vector<256x256xi32> to vector<256xi32>
      %broadcast_in_dim3A_341 = vector.shape_cast %reduce_min3A_340 : vector<256xi32> to vector<1x256xi32>
      %lt3A = arith.cmpf olt, %broadcast_in_dim3A_335, %while3A_318 : vector<1x256xf32>
      %select_n3A_342 = arith.select %lt3A, %broadcast_in_dim3A_335, %while3A_318 : vector<1x256xi1>, vector<1x256xf32>
      %select_n3A_343 = arith.select %lt3A, %broadcast_in_dim3A_341, %while3A_319 : vector<1x256xi1>, vector<1x256xi32>
      scf.yield %select_n3A_342, %select_n3A_343 : vector<1x256xf32>, vector<1x256xi32>
    }
    %while3A_122 = arith.constant 1 : i32
    %while3A_123:2 = scf.for %while3A_317 = %while3A_119 to %while3A_115 step %while3A_122 iter_args(%while3A_318 = %while3A_121#0, %while3A_319 = %while3A_121#1) -> (vector<1x256xf32>, vector<1x256xi32>)  : i32 {
      %mul3A_320 = arith.constant 256 : i32
      %mul3A_321 = arith.muli %while3A_317, %mul3A_320 : i32
      %iota3A = tpu.iota {dimensions = array<i32: 0>} : vector<256x256xi32>
      %mul3A_322 = arith.constant 256 : i32
      %mul3A_323 = arith.muli %while3A_317, %mul3A_322 : i32
      %add3A_324 = vector.broadcast %mul3A_323 : i32 to vector<256x256xi32>
      %add3A_325 = arith.addi %iota3A, %add3A_324 : vector<256x256xi32>
      %eq3A = vector.broadcast %while3A_104#1 : vector<1x256xi32> to vector<256x256xi32>
      %eq3A_326 = arith.cmpi eq, %add3A_325, %eq3A : vector<256x256xi32>
      %get3A_327 = arith.index_cast %mul3A_321 : i32 to index
      %get3A_328 = arith.constant 0 : index
      %get3A_329 = vector.load %arg8[%get3A_327, %get3A_328] : memref<8192x256xf32, #tpu.memory_space<vmem>>, vector<256x256xf32>
      %broadcast_in_dim3A_330 = vector.broadcast %while3A_112 : f32 to vector<256x256xf32>
      %select_n3A = arith.select %eq3A_326, %broadcast_in_dim3A_330, %get3A_329 : vector<256x256xi1>, vector<256x256xf32>
      %swap3A_331 = arith.index_cast %mul3A_321 : i32 to index
      %swap3A_332 = arith.constant 0 : index
      %swap3A_333 = vector.load %arg8[%swap3A_331, %swap3A_332] : memref<8192x256xf32, #tpu.memory_space<vmem>>, vector<256x256xf32>
      tpu.vector_store %arg8[%swap3A_331, %swap3A_332], %select_n3A {strides = array<i32>} : memref<8192x256xf32, #tpu.memory_space<vmem>>, vector<256x256xf32>,
      %reduce_min3A = arith.constant dense<0x7F800000> : vector<256xf32>
      %reduce_min3A_334 = vector.multi_reduction <minimumf>, %select_n3A, %reduce_min3A [0] : vector<256x256xf32> to vector<256xf32>
      %broadcast_in_dim3A_335 = vector.shape_cast %reduce_min3A_334 : vector<256xf32> to vector<1x256xf32>
      %le3A = vector.broadcast %broadcast_in_dim3A_335 : vector<1x256xf32> to vector<256x256xf32>
      %le3A_336 = arith.cmpf ole, %select_n3A, %le3A : vector<256x256xf32>
      %broadcast_in_dim3A_337 = vector.broadcast %while3A_113 : i32 to vector<256x256xi32>
      %select_n3A_338 = arith.select %le3A_336, %add3A_325, %broadcast_in_dim3A_337 : vector<256x256xi1>, vector<256x256xi32>
      %reduce_min3A_339 = arith.constant dense<2147483647> : vector<256xi32>
      %reduce_min3A_340 = vector.multi_reduction <minsi>, %select_n3A_338, %reduce_min3A_339 [0] : vector<256x256xi32> to vector<256xi32>
      %broadcast_in_dim3A_341 = vector.shape_cast %reduce_min3A_340 : vector<256xi32> to vector<1x256xi32>
      %lt3A = arith.cmpf olt, %broadcast_in_dim3A_335, %while3A_318 : vector<1x256xf32>
      %select_n3A_342 = arith.select %lt3A, %broadcast_in_dim3A_335, %while3A_318 : vector<1x256xi1>, vector<1x256xf32>
      %select_n3A_343 = arith.select %lt3A, %broadcast_in_dim3A_341, %while3A_319 : vector<1x256xi1>, vector<1x256xi32>
      scf.yield %select_n3A_342, %select_n3A_343 : vector<1x256xf32>, vector<1x256xi32>
    }
    %swap3A_124 = arith.constant 5 : index
    %swap3A_125 = arith.constant 0 : index
    %swap3A_126 = vector.load %arg7[%swap3A_124, %swap3A_125] : memref<16x256xi32, #tpu.memory_space<vmem>>, vector<1x256xi32>
    tpu.vector_store %arg7[%swap3A_124, %swap3A_125], %while3A_123#1 {strides = array<i32>} : memref<16x256xi32, #tpu.memory_space<vmem>>, vector<1x256xi32>,
    %broadcast_in_dim3A_127 = arith.constant 0x7F800000 : f32
    %broadcast_in_dim3A_128 = vector.broadcast %broadcast_in_dim3A_127 : f32 to vector<1x256xf32>
    %broadcast_in_dim3A_129 = arith.constant 1073741824 : i32
    %broadcast_in_dim3A_130 = vector.broadcast %broadcast_in_dim3A_129 : i32 to vector<1x256xi32>
    %while3A_131 = arith.constant 0x7F800000 : f32
    %while3A_132 = arith.constant 1073741824 : i32
    %while3A_133 = arith.subi %get3A_2, %get3A_0 : i32
    %while3A_134 = arith.addi %get3A_0, %while3A_133 : i32
    %while3A_135 = arith.constant 1 : i32
    %while3A_136 = arith.divsi %while3A_133, %while3A_135 : i32
    %while3A_137 = arith.muli %while3A_136, %while3A_135 : i32
    %while3A_138 = arith.addi %get3A_0, %while3A_137 : i32
    %while3A_139 = arith.constant 1 : i32
    %while3A_140:2 = scf.for %while3A_317 = %get3A_0 to %while3A_138 step %while3A_139 iter_args(%while3A_318 = %broadcast_in_dim3A_128, %while3A_319 = %broadcast_in_dim3A_130) -> (vector<1x256xf32>, vector<1x256xi32>)  : i32 {
      %mul3A_320 = arith.constant 256 : i32
      %mul3A_321 = arith.muli %while3A_317, %mul3A_320 : i32
      %iota3A = tpu.iota {dimensions = array<i32: 0>} : vector<256x256xi32>
      %mul3A_322 = arith.constant 256 : i32
      %mul3A_323 = arith.muli %while3A_317, %mul3A_322 : i32
      %add3A_324 = vector.broadcast %mul3A_323 : i32 to vector<256x256xi32>
      %add3A_325 = arith.addi %iota3A, %add3A_324 : vector<256x256xi32>
      %eq3A = vector.broadcast %while3A_123#1 : vector<1x256xi32> to vector<256x256xi32>
      %eq3A_326 = arith.cmpi eq, %add3A_325, %eq3A : vector<256x256xi32>
      %get3A_327 = arith.index_cast %mul3A_321 : i32 to index
      %get3A_328 = arith.constant 0 : index
      %get3A_329 = vector.load %arg8[%get3A_327, %get3A_328] : memref<8192x256xf32, #tpu.memory_space<vmem>>, vector<256x256xf32>
      %broadcast_in_dim3A_330 = vector.broadcast %while3A_131 : f32 to vector<256x256xf32>
      %select_n3A = arith.select %eq3A_326, %broadcast_in_dim3A_330, %get3A_329 : vector<256x256xi1>, vector<256x256xf32>
      %swap3A_331 = arith.index_cast %mul3A_321 : i32 to index
      %swap3A_332 = arith.constant 0 : index
      %swap3A_333 = vector.load %arg8[%swap3A_331, %swap3A_332] : memref<8192x256xf32, #tpu.memory_space<vmem>>, vector<256x256xf32>
      tpu.vector_store %arg8[%swap3A_331, %swap3A_332], %select_n3A {strides = array<i32>} : memref<8192x256xf32, #tpu.memory_space<vmem>>, vector<256x256xf32>,
      %reduce_min3A = arith.constant dense<0x7F800000> : vector<256xf32>
      %reduce_min3A_334 = vector.multi_reduction <minimumf>, %select_n3A, %reduce_min3A [0] : vector<256x256xf32> to vector<256xf32>
      %broadcast_in_dim3A_335 = vector.shape_cast %reduce_min3A_334 : vector<256xf32> to vector<1x256xf32>
      %le3A = vector.broadcast %broadcast_in_dim3A_335 : vector<1x256xf32> to vector<256x256xf32>
      %le3A_336 = arith.cmpf ole, %select_n3A, %le3A : vector<256x256xf32>
      %broadcast_in_dim3A_337 = vector.broadcast %while3A_132 : i32 to vector<256x256xi32>
      %select_n3A_338 = arith.select %le3A_336, %add3A_325, %broadcast_in_dim3A_337 : vector<256x256xi1>, vector<256x256xi32>
      %reduce_min3A_339 = arith.constant dense<2147483647> : vector<256xi32>
      %reduce_min3A_340 = vector.multi_reduction <minsi>, %select_n3A_338, %reduce_min3A_339 [0] : vector<256x256xi32> to vector<256xi32>
      %broadcast_in_dim3A_341 = vector.shape_cast %reduce_min3A_340 : vector<256xi32> to vector<1x256xi32>
      %lt3A = arith.cmpf olt, %broadcast_in_dim3A_335, %while3A_318 : vector<1x256xf32>
      %select_n3A_342 = arith.select %lt3A, %broadcast_in_dim3A_335, %while3A_318 : vector<1x256xi1>, vector<1x256xf32>
      %select_n3A_343 = arith.select %lt3A, %broadcast_in_dim3A_341, %while3A_319 : vector<1x256xi1>, vector<1x256xi32>
      scf.yield %select_n3A_342, %select_n3A_343 : vector<1x256xf32>, vector<1x256xi32>
    }
    %while3A_141 = arith.constant 1 : i32
    %while3A_142:2 = scf.for %while3A_317 = %while3A_138 to %while3A_134 step %while3A_141 iter_args(%while3A_318 = %while3A_140#0, %while3A_319 = %while3A_140#1) -> (vector<1x256xf32>, vector<1x256xi32>)  : i32 {
      %mul3A_320 = arith.constant 256 : i32
      %mul3A_321 = arith.muli %while3A_317, %mul3A_320 : i32
      %iota3A = tpu.iota {dimensions = array<i32: 0>} : vector<256x256xi32>
      %mul3A_322 = arith.constant 256 : i32
      %mul3A_323 = arith.muli %while3A_317, %mul3A_322 : i32
      %add3A_324 = vector.broadcast %mul3A_323 : i32 to vector<256x256xi32>
      %add3A_325 = arith.addi %iota3A, %add3A_324 : vector<256x256xi32>
      %eq3A = vector.broadcast %while3A_123#1 : vector<1x256xi32> to vector<256x256xi32>
      %eq3A_326 = arith.cmpi eq, %add3A_325, %eq3A : vector<256x256xi32>
      %get3A_327 = arith.index_cast %mul3A_321 : i32 to index
      %get3A_328 = arith.constant 0 : index
      %get3A_329 = vector.load %arg8[%get3A_327, %get3A_328] : memref<8192x256xf32, #tpu.memory_space<vmem>>, vector<256x256xf32>
      %broadcast_in_dim3A_330 = vector.broadcast %while3A_131 : f32 to vector<256x256xf32>
      %select_n3A = arith.select %eq3A_326, %broadcast_in_dim3A_330, %get3A_329 : vector<256x256xi1>, vector<256x256xf32>
      %swap3A_331 = arith.index_cast %mul3A_321 : i32 to index
      %swap3A_332 = arith.constant 0 : index
      %swap3A_333 = vector.load %arg8[%swap3A_331, %swap3A_332] : memref<8192x256xf32, #tpu.memory_space<vmem>>, vector<256x256xf32>
      tpu.vector_store %arg8[%swap3A_331, %swap3A_332], %select_n3A {strides = array<i32>} : memref<8192x256xf32, #tpu.memory_space<vmem>>, vector<256x256xf32>,
      %reduce_min3A = arith.constant dense<0x7F800000> : vector<256xf32>
      %reduce_min3A_334 = vector.multi_reduction <minimumf>, %select_n3A, %reduce_min3A [0] : vector<256x256xf32> to vector<256xf32>
      %broadcast_in_dim3A_335 = vector.shape_cast %reduce_min3A_334 : vector<256xf32> to vector<1x256xf32>
      %le3A = vector.broadcast %broadcast_in_dim3A_335 : vector<1x256xf32> to vector<256x256xf32>
      %le3A_336 = arith.cmpf ole, %select_n3A, %le3A : vector<256x256xf32>
      %broadcast_in_dim3A_337 = vector.broadcast %while3A_132 : i32 to vector<256x256xi32>
      %select_n3A_338 = arith.select %le3A_336, %add3A_325, %broadcast_in_dim3A_337 : vector<256x256xi1>, vector<256x256xi32>
      %reduce_min3A_339 = arith.constant dense<2147483647> : vector<256xi32>
      %reduce_min3A_340 = vector.multi_reduction <minsi>, %select_n3A_338, %reduce_min3A_339 [0] : vector<256x256xi32> to vector<256xi32>
      %broadcast_in_dim3A_341 = vector.shape_cast %reduce_min3A_340 : vector<256xi32> to vector<1x256xi32>
      %lt3A = arith.cmpf olt, %broadcast_in_dim3A_335, %while3A_318 : vector<1x256xf32>
      %select_n3A_342 = arith.select %lt3A, %broadcast_in_dim3A_335, %while3A_318 : vector<1x256xi1>, vector<1x256xf32>
      %select_n3A_343 = arith.select %lt3A, %broadcast_in_dim3A_341, %while3A_319 : vector<1x256xi1>, vector<1x256xi32>
      scf.yield %select_n3A_342, %select_n3A_343 : vector<1x256xf32>, vector<1x256xi32>
    }
    %swap3A_143 = arith.constant 6 : index
    %swap3A_144 = arith.constant 0 : index
    %swap3A_145 = vector.load %arg7[%swap3A_143, %swap3A_144] : memref<16x256xi32, #tpu.memory_space<vmem>>, vector<1x256xi32>
    tpu.vector_store %arg7[%swap3A_143, %swap3A_144], %while3A_142#1 {strides = array<i32>} : memref<16x256xi32, #tpu.memory_space<vmem>>, vector<1x256xi32>,
    %broadcast_in_dim3A_146 = arith.constant 0x7F800000 : f32
    %broadcast_in_dim3A_147 = vector.broadcast %broadcast_in_dim3A_146 : f32 to vector<1x256xf32>
    %broadcast_in_dim3A_148 = arith.constant 1073741824 : i32
    %broadcast_in_dim3A_149 = vector.broadcast %broadcast_in_dim3A_148 : i32 to vector<1x256xi32>
    %while3A_150 = arith.constant 0x7F800000 : f32
    %while3A_151 = arith.constant 1073741824 : i32
    %while3A_152 = arith.subi %get3A_2, %get3A_0 : i32
    %while3A_153 = arith.addi %get3A_0, %while3A_152 : i32
    %while3A_154 = arith.constant 1 : i32
    %while3A_155 = arith.divsi %while3A_152, %while3A_154 : i32
    %while3A_156 = arith.muli %while3A_155, %while3A_154 : i32
    %while3A_157 = arith.addi %get3A_0, %while3A_156 : i32
    %while3A_158 = arith.constant 1 : i32
    %while3A_159:2 = scf.for %while3A_317 = %get3A_0 to %while3A_157 step %while3A_158 iter_args(%while3A_318 = %broadcast_in_dim3A_147, %while3A_319 = %broadcast_in_dim3A_149) -> (vector<1x256xf32>, vector<1x256xi32>)  : i32 {
      %mul3A_320 = arith.constant 256 : i32
      %mul3A_321 = arith.muli %while3A_317, %mul3A_320 : i32
      %iota3A = tpu.iota {dimensions = array<i32: 0>} : vector<256x256xi32>
      %mul3A_322 = arith.constant 256 : i32
      %mul3A_323 = arith.muli %while3A_317, %mul3A_322 : i32
      %add3A_324 = vector.broadcast %mul3A_323 : i32 to vector<256x256xi32>
      %add3A_325 = arith.addi %iota3A, %add3A_324 : vector<256x256xi32>
      %eq3A = vector.broadcast %while3A_142#1 : vector<1x256xi32> to vector<256x256xi32>
      %eq3A_326 = arith.cmpi eq, %add3A_325, %eq3A : vector<256x256xi32>
      %get3A_327 = arith.index_cast %mul3A_321 : i32 to index
      %get3A_328 = arith.constant 0 : index
      %get3A_329 = vector.load %arg8[%get3A_327, %get3A_328] : memref<8192x256xf32, #tpu.memory_space<vmem>>, vector<256x256xf32>
      %broadcast_in_dim3A_330 = vector.broadcast %while3A_150 : f32 to vector<256x256xf32>
      %select_n3A = arith.select %eq3A_326, %broadcast_in_dim3A_330, %get3A_329 : vector<256x256xi1>, vector<256x256xf32>
      %swap3A_331 = arith.index_cast %mul3A_321 : i32 to index
      %swap3A_332 = arith.constant 0 : index
      %swap3A_333 = vector.load %arg8[%swap3A_331, %swap3A_332] : memref<8192x256xf32, #tpu.memory_space<vmem>>, vector<256x256xf32>
      tpu.vector_store %arg8[%swap3A_331, %swap3A_332], %select_n3A {strides = array<i32>} : memref<8192x256xf32, #tpu.memory_space<vmem>>, vector<256x256xf32>,
      %reduce_min3A = arith.constant dense<0x7F800000> : vector<256xf32>
      %reduce_min3A_334 = vector.multi_reduction <minimumf>, %select_n3A, %reduce_min3A [0] : vector<256x256xf32> to vector<256xf32>
      %broadcast_in_dim3A_335 = vector.shape_cast %reduce_min3A_334 : vector<256xf32> to vector<1x256xf32>
      %le3A = vector.broadcast %broadcast_in_dim3A_335 : vector<1x256xf32> to vector<256x256xf32>
      %le3A_336 = arith.cmpf ole, %select_n3A, %le3A : vector<256x256xf32>
      %broadcast_in_dim3A_337 = vector.broadcast %while3A_151 : i32 to vector<256x256xi32>
      %select_n3A_338 = arith.select %le3A_336, %add3A_325, %broadcast_in_dim3A_337 : vector<256x256xi1>, vector<256x256xi32>
      %reduce_min3A_339 = arith.constant dense<2147483647> : vector<256xi32>
      %reduce_min3A_340 = vector.multi_reduction <minsi>, %select_n3A_338, %reduce_min3A_339 [0] : vector<256x256xi32> to vector<256xi32>
      %broadcast_in_dim3A_341 = vector.shape_cast %reduce_min3A_340 : vector<256xi32> to vector<1x256xi32>
      %lt3A = arith.cmpf olt, %broadcast_in_dim3A_335, %while3A_318 : vector<1x256xf32>
      %select_n3A_342 = arith.select %lt3A, %broadcast_in_dim3A_335, %while3A_318 : vector<1x256xi1>, vector<1x256xf32>
      %select_n3A_343 = arith.select %lt3A, %broadcast_in_dim3A_341, %while3A_319 : vector<1x256xi1>, vector<1x256xi32>
      scf.yield %select_n3A_342, %select_n3A_343 : vector<1x256xf32>, vector<1x256xi32>
    }
    %while3A_160 = arith.constant 1 : i32
    %while3A_161:2 = scf.for %while3A_317 = %while3A_157 to %while3A_153 step %while3A_160 iter_args(%while3A_318 = %while3A_159#0, %while3A_319 = %while3A_159#1) -> (vector<1x256xf32>, vector<1x256xi32>)  : i32 {
      %mul3A_320 = arith.constant 256 : i32
      %mul3A_321 = arith.muli %while3A_317, %mul3A_320 : i32
      %iota3A = tpu.iota {dimensions = array<i32: 0>} : vector<256x256xi32>
      %mul3A_322 = arith.constant 256 : i32
      %mul3A_323 = arith.muli %while3A_317, %mul3A_322 : i32
      %add3A_324 = vector.broadcast %mul3A_323 : i32 to vector<256x256xi32>
      %add3A_325 = arith.addi %iota3A, %add3A_324 : vector<256x256xi32>
      %eq3A = vector.broadcast %while3A_142#1 : vector<1x256xi32> to vector<256x256xi32>
      %eq3A_326 = arith.cmpi eq, %add3A_325, %eq3A : vector<256x256xi32>
      %get3A_327 = arith.index_cast %mul3A_321 : i32 to index
      %get3A_328 = arith.constant 0 : index
      %get3A_329 = vector.load %arg8[%get3A_327, %get3A_328] : memref<8192x256xf32, #tpu.memory_space<vmem>>, vector<256x256xf32>
      %broadcast_in_dim3A_330 = vector.broadcast %while3A_150 : f32 to vector<256x256xf32>
      %select_n3A = arith.select %eq3A_326, %broadcast_in_dim3A_330, %get3A_329 : vector<256x256xi1>, vector<256x256xf32>
      %swap3A_331 = arith.index_cast %mul3A_321 : i32 to index
      %swap3A_332 = arith.constant 0 : index
      %swap3A_333 = vector.load %arg8[%swap3A_331, %swap3A_332] : memref<8192x256xf32, #tpu.memory_space<vmem>>, vector<256x256xf32>
      tpu.vector_store %arg8[%swap3A_331, %swap3A_332], %select_n3A {strides = array<i32>} : memref<8192x256xf32, #tpu.memory_space<vmem>>, vector<256x256xf32>,
      %reduce_min3A = arith.constant dense<0x7F800000> : vector<256xf32>
      %reduce_min3A_334 = vector.multi_reduction <minimumf>, %select_n3A, %reduce_min3A [0] : vector<256x256xf32> to vector<256xf32>
      %broadcast_in_dim3A_335 = vector.shape_cast %reduce_min3A_334 : vector<256xf32> to vector<1x256xf32>
      %le3A = vector.broadcast %broadcast_in_dim3A_335 : vector<1x256xf32> to vector<256x256xf32>
      %le3A_336 = arith.cmpf ole, %select_n3A, %le3A : vector<256x256xf32>
      %broadcast_in_dim3A_337 = vector.broadcast %while3A_151 : i32 to vector<256x256xi32>
      %select_n3A_338 = arith.select %le3A_336, %add3A_325, %broadcast_in_dim3A_337 : vector<256x256xi1>, vector<256x256xi32>
      %reduce_min3A_339 = arith.constant dense<2147483647> : vector<256xi32>
      %reduce_min3A_340 = vector.multi_reduction <minsi>, %select_n3A_338, %reduce_min3A_339 [0] : vector<256x256xi32> to vector<256xi32>
      %broadcast_in_dim3A_341 = vector.shape_cast %reduce_min3A_340 : vector<256xi32> to vector<1x256xi32>
      %lt3A = arith.cmpf olt, %broadcast_in_dim3A_335, %while3A_318 : vector<1x256xf32>
      %select_n3A_342 = arith.select %lt3A, %broadcast_in_dim3A_335, %while3A_318 : vector<1x256xi1>, vector<1x256xf32>
      %select_n3A_343 = arith.select %lt3A, %broadcast_in_dim3A_341, %while3A_319 : vector<1x256xi1>, vector<1x256xi32>
      scf.yield %select_n3A_342, %select_n3A_343 : vector<1x256xf32>, vector<1x256xi32>
    }
    %swap3A_162 = arith.constant 7 : index
    %swap3A_163 = arith.constant 0 : index
    %swap3A_164 = vector.load %arg7[%swap3A_162, %swap3A_163] : memref<16x256xi32, #tpu.memory_space<vmem>>, vector<1x256xi32>
    tpu.vector_store %arg7[%swap3A_162, %swap3A_163], %while3A_161#1 {strides = array<i32>} : memref<16x256xi32, #tpu.memory_space<vmem>>, vector<1x256xi32>,
    %broadcast_in_dim3A_165 = arith.constant 0x7F800000 : f32
    %broadcast_in_dim3A_166 = vector.broadcast %broadcast_in_dim3A_165 : f32 to vector<1x256xf32>
    %broadcast_in_dim3A_167 = arith.constant 1073741824 : i32
    %broadcast_in_dim3A_168 = vector.broadcast %broadcast_in_dim3A_167 : i32 to vector<1x256xi32>
    %while3A_169 = arith.constant 0x7F800000 : f32
    %while3A_170 = arith.constant 1073741824 : i32
    %while3A_171 = arith.subi %get3A_2, %get3A_0 : i32
    %while3A_172 = arith.addi %get3A_0, %while3A_171 : i32
    %while3A_173 = arith.constant 1 : i32
    %while3A_174 = arith.divsi %while3A_171, %while3A_173 : i32
    %while3A_175 = arith.muli %while3A_174, %while3A_173 : i32
    %while3A_176 = arith.addi %get3A_0, %while3A_175 : i32
    %while3A_177 = arith.constant 1 : i32
    %while3A_178:2 = scf.for %while3A_317 = %get3A_0 to %while3A_176 step %while3A_177 iter_args(%while3A_318 = %broadcast_in_dim3A_166, %while3A_319 = %broadcast_in_dim3A_168) -> (vector<1x256xf32>, vector<1x256xi32>)  : i32 {
      %mul3A_320 = arith.constant 256 : i32
      %mul3A_321 = arith.muli %while3A_317, %mul3A_320 : i32
      %iota3A = tpu.iota {dimensions = array<i32: 0>} : vector<256x256xi32>
      %mul3A_322 = arith.constant 256 : i32
      %mul3A_323 = arith.muli %while3A_317, %mul3A_322 : i32
      %add3A_324 = vector.broadcast %mul3A_323 : i32 to vector<256x256xi32>
      %add3A_325 = arith.addi %iota3A, %add3A_324 : vector<256x256xi32>
      %eq3A = vector.broadcast %while3A_161#1 : vector<1x256xi32> to vector<256x256xi32>
      %eq3A_326 = arith.cmpi eq, %add3A_325, %eq3A : vector<256x256xi32>
      %get3A_327 = arith.index_cast %mul3A_321 : i32 to index
      %get3A_328 = arith.constant 0 : index
      %get3A_329 = vector.load %arg8[%get3A_327, %get3A_328] : memref<8192x256xf32, #tpu.memory_space<vmem>>, vector<256x256xf32>
      %broadcast_in_dim3A_330 = vector.broadcast %while3A_169 : f32 to vector<256x256xf32>
      %select_n3A = arith.select %eq3A_326, %broadcast_in_dim3A_330, %get3A_329 : vector<256x256xi1>, vector<256x256xf32>
      %swap3A_331 = arith.index_cast %mul3A_321 : i32 to index
      %swap3A_332 = arith.constant 0 : index
      %swap3A_333 = vector.load %arg8[%swap3A_331, %swap3A_332] : memref<8192x256xf32, #tpu.memory_space<vmem>>, vector<256x256xf32>
      tpu.vector_store %arg8[%swap3A_331, %swap3A_332], %select_n3A {strides = array<i32>} : memref<8192x256xf32, #tpu.memory_space<vmem>>, vector<256x256xf32>,
      %reduce_min3A = arith.constant dense<0x7F800000> : vector<256xf32>
      %reduce_min3A_334 = vector.multi_reduction <minimumf>, %select_n3A, %reduce_min3A [0] : vector<256x256xf32> to vector<256xf32>
      %broadcast_in_dim3A_335 = vector.shape_cast %reduce_min3A_334 : vector<256xf32> to vector<1x256xf32>
      %le3A = vector.broadcast %broadcast_in_dim3A_335 : vector<1x256xf32> to vector<256x256xf32>
      %le3A_336 = arith.cmpf ole, %select_n3A, %le3A : vector<256x256xf32>
      %broadcast_in_dim3A_337 = vector.broadcast %while3A_170 : i32 to vector<256x256xi32>
      %select_n3A_338 = arith.select %le3A_336, %add3A_325, %broadcast_in_dim3A_337 : vector<256x256xi1>, vector<256x256xi32>
      %reduce_min3A_339 = arith.constant dense<2147483647> : vector<256xi32>
      %reduce_min3A_340 = vector.multi_reduction <minsi>, %select_n3A_338, %reduce_min3A_339 [0] : vector<256x256xi32> to vector<256xi32>
      %broadcast_in_dim3A_341 = vector.shape_cast %reduce_min3A_340 : vector<256xi32> to vector<1x256xi32>
      %lt3A = arith.cmpf olt, %broadcast_in_dim3A_335, %while3A_318 : vector<1x256xf32>
      %select_n3A_342 = arith.select %lt3A, %broadcast_in_dim3A_335, %while3A_318 : vector<1x256xi1>, vector<1x256xf32>
      %select_n3A_343 = arith.select %lt3A, %broadcast_in_dim3A_341, %while3A_319 : vector<1x256xi1>, vector<1x256xi32>
      scf.yield %select_n3A_342, %select_n3A_343 : vector<1x256xf32>, vector<1x256xi32>
    }
    %while3A_179 = arith.constant 1 : i32
    %while3A_180:2 = scf.for %while3A_317 = %while3A_176 to %while3A_172 step %while3A_179 iter_args(%while3A_318 = %while3A_178#0, %while3A_319 = %while3A_178#1) -> (vector<1x256xf32>, vector<1x256xi32>)  : i32 {
      %mul3A_320 = arith.constant 256 : i32
      %mul3A_321 = arith.muli %while3A_317, %mul3A_320 : i32
      %iota3A = tpu.iota {dimensions = array<i32: 0>} : vector<256x256xi32>
      %mul3A_322 = arith.constant 256 : i32
      %mul3A_323 = arith.muli %while3A_317, %mul3A_322 : i32
      %add3A_324 = vector.broadcast %mul3A_323 : i32 to vector<256x256xi32>
      %add3A_325 = arith.addi %iota3A, %add3A_324 : vector<256x256xi32>
      %eq3A = vector.broadcast %while3A_161#1 : vector<1x256xi32> to vector<256x256xi32>
      %eq3A_326 = arith.cmpi eq, %add3A_325, %eq3A : vector<256x256xi32>
      %get3A_327 = arith.index_cast %mul3A_321 : i32 to index
      %get3A_328 = arith.constant 0 : index
      %get3A_329 = vector.load %arg8[%get3A_327, %get3A_328] : memref<8192x256xf32, #tpu.memory_space<vmem>>, vector<256x256xf32>
      %broadcast_in_dim3A_330 = vector.broadcast %while3A_169 : f32 to vector<256x256xf32>
      %select_n3A = arith.select %eq3A_326, %broadcast_in_dim3A_330, %get3A_329 : vector<256x256xi1>, vector<256x256xf32>
      %swap3A_331 = arith.index_cast %mul3A_321 : i32 to index
      %swap3A_332 = arith.constant 0 : index
      %swap3A_333 = vector.load %arg8[%swap3A_331, %swap3A_332] : memref<8192x256xf32, #tpu.memory_space<vmem>>, vector<256x256xf32>
      tpu.vector_store %arg8[%swap3A_331, %swap3A_332], %select_n3A {strides = array<i32>} : memref<8192x256xf32, #tpu.memory_space<vmem>>, vector<256x256xf32>,
      %reduce_min3A = arith.constant dense<0x7F800000> : vector<256xf32>
      %reduce_min3A_334 = vector.multi_reduction <minimumf>, %select_n3A, %reduce_min3A [0] : vector<256x256xf32> to vector<256xf32>
      %broadcast_in_dim3A_335 = vector.shape_cast %reduce_min3A_334 : vector<256xf32> to vector<1x256xf32>
      %le3A = vector.broadcast %broadcast_in_dim3A_335 : vector<1x256xf32> to vector<256x256xf32>
      %le3A_336 = arith.cmpf ole, %select_n3A, %le3A : vector<256x256xf32>
      %broadcast_in_dim3A_337 = vector.broadcast %while3A_170 : i32 to vector<256x256xi32>
      %select_n3A_338 = arith.select %le3A_336, %add3A_325, %broadcast_in_dim3A_337 : vector<256x256xi1>, vector<256x256xi32>
      %reduce_min3A_339 = arith.constant dense<2147483647> : vector<256xi32>
      %reduce_min3A_340 = vector.multi_reduction <minsi>, %select_n3A_338, %reduce_min3A_339 [0] : vector<256x256xi32> to vector<256xi32>
      %broadcast_in_dim3A_341 = vector.shape_cast %reduce_min3A_340 : vector<256xi32> to vector<1x256xi32>
      %lt3A = arith.cmpf olt, %broadcast_in_dim3A_335, %while3A_318 : vector<1x256xf32>
      %select_n3A_342 = arith.select %lt3A, %broadcast_in_dim3A_335, %while3A_318 : vector<1x256xi1>, vector<1x256xf32>
      %select_n3A_343 = arith.select %lt3A, %broadcast_in_dim3A_341, %while3A_319 : vector<1x256xi1>, vector<1x256xi32>
      scf.yield %select_n3A_342, %select_n3A_343 : vector<1x256xf32>, vector<1x256xi32>
    }
    %swap3A_181 = arith.constant 8 : index
    %swap3A_182 = arith.constant 0 : index
    %swap3A_183 = vector.load %arg7[%swap3A_181, %swap3A_182] : memref<16x256xi32, #tpu.memory_space<vmem>>, vector<1x256xi32>
    tpu.vector_store %arg7[%swap3A_181, %swap3A_182], %while3A_180#1 {strides = array<i32>} : memref<16x256xi32, #tpu.memory_space<vmem>>, vector<1x256xi32>,
    %broadcast_in_dim3A_184 = arith.constant 0x7F800000 : f32
    %broadcast_in_dim3A_185 = vector.broadcast %broadcast_in_dim3A_184 : f32 to vector<1x256xf32>
    %broadcast_in_dim3A_186 = arith.constant 1073741824 : i32
    %broadcast_in_dim3A_187 = vector.broadcast %broadcast_in_dim3A_186 : i32 to vector<1x256xi32>
    %while3A_188 = arith.constant 0x7F800000 : f32
    %while3A_189 = arith.constant 1073741824 : i32
    %while3A_190 = arith.subi %get3A_2, %get3A_0 : i32
    %while3A_191 = arith.addi %get3A_0, %while3A_190 : i32
    %while3A_192 = arith.constant 1 : i32
    %while3A_193 = arith.divsi %while3A_190, %while3A_192 : i32
    %while3A_194 = arith.muli %while3A_193, %while3A_192 : i32
    %while3A_195 = arith.addi %get3A_0, %while3A_194 : i32
    %while3A_196 = arith.constant 1 : i32
    %while3A_197:2 = scf.for %while3A_317 = %get3A_0 to %while3A_195 step %while3A_196 iter_args(%while3A_318 = %broadcast_in_dim3A_185, %while3A_319 = %broadcast_in_dim3A_187) -> (vector<1x256xf32>, vector<1x256xi32>)  : i32 {
      %mul3A_320 = arith.constant 256 : i32
      %mul3A_321 = arith.muli %while3A_317, %mul3A_320 : i32
      %iota3A = tpu.iota {dimensions = array<i32: 0>} : vector<256x256xi32>
      %mul3A_322 = arith.constant 256 : i32
      %mul3A_323 = arith.muli %while3A_317, %mul3A_322 : i32
      %add3A_324 = vector.broadcast %mul3A_323 : i32 to vector<256x256xi32>
      %add3A_325 = arith.addi %iota3A, %add3A_324 : vector<256x256xi32>
      %eq3A = vector.broadcast %while3A_180#1 : vector<1x256xi32> to vector<256x256xi32>
      %eq3A_326 = arith.cmpi eq, %add3A_325, %eq3A : vector<256x256xi32>
      %get3A_327 = arith.index_cast %mul3A_321 : i32 to index
      %get3A_328 = arith.constant 0 : index
      %get3A_329 = vector.load %arg8[%get3A_327, %get3A_328] : memref<8192x256xf32, #tpu.memory_space<vmem>>, vector<256x256xf32>
      %broadcast_in_dim3A_330 = vector.broadcast %while3A_188 : f32 to vector<256x256xf32>
      %select_n3A = arith.select %eq3A_326, %broadcast_in_dim3A_330, %get3A_329 : vector<256x256xi1>, vector<256x256xf32>
      %swap3A_331 = arith.index_cast %mul3A_321 : i32 to index
      %swap3A_332 = arith.constant 0 : index
      %swap3A_333 = vector.load %arg8[%swap3A_331, %swap3A_332] : memref<8192x256xf32, #tpu.memory_space<vmem>>, vector<256x256xf32>
      tpu.vector_store %arg8[%swap3A_331, %swap3A_332], %select_n3A {strides = array<i32>} : memref<8192x256xf32, #tpu.memory_space<vmem>>, vector<256x256xf32>,
      %reduce_min3A = arith.constant dense<0x7F800000> : vector<256xf32>
      %reduce_min3A_334 = vector.multi_reduction <minimumf>, %select_n3A, %reduce_min3A [0] : vector<256x256xf32> to vector<256xf32>
      %broadcast_in_dim3A_335 = vector.shape_cast %reduce_min3A_334 : vector<256xf32> to vector<1x256xf32>
      %le3A = vector.broadcast %broadcast_in_dim3A_335 : vector<1x256xf32> to vector<256x256xf32>
      %le3A_336 = arith.cmpf ole, %select_n3A, %le3A : vector<256x256xf32>
      %broadcast_in_dim3A_337 = vector.broadcast %while3A_189 : i32 to vector<256x256xi32>
      %select_n3A_338 = arith.select %le3A_336, %add3A_325, %broadcast_in_dim3A_337 : vector<256x256xi1>, vector<256x256xi32>
      %reduce_min3A_339 = arith.constant dense<2147483647> : vector<256xi32>
      %reduce_min3A_340 = vector.multi_reduction <minsi>, %select_n3A_338, %reduce_min3A_339 [0] : vector<256x256xi32> to vector<256xi32>
      %broadcast_in_dim3A_341 = vector.shape_cast %reduce_min3A_340 : vector<256xi32> to vector<1x256xi32>
      %lt3A = arith.cmpf olt, %broadcast_in_dim3A_335, %while3A_318 : vector<1x256xf32>
      %select_n3A_342 = arith.select %lt3A, %broadcast_in_dim3A_335, %while3A_318 : vector<1x256xi1>, vector<1x256xf32>
      %select_n3A_343 = arith.select %lt3A, %broadcast_in_dim3A_341, %while3A_319 : vector<1x256xi1>, vector<1x256xi32>
      scf.yield %select_n3A_342, %select_n3A_343 : vector<1x256xf32>, vector<1x256xi32>
    }
    %while3A_198 = arith.constant 1 : i32
    %while3A_199:2 = scf.for %while3A_317 = %while3A_195 to %while3A_191 step %while3A_198 iter_args(%while3A_318 = %while3A_197#0, %while3A_319 = %while3A_197#1) -> (vector<1x256xf32>, vector<1x256xi32>)  : i32 {
      %mul3A_320 = arith.constant 256 : i32
      %mul3A_321 = arith.muli %while3A_317, %mul3A_320 : i32
      %iota3A = tpu.iota {dimensions = array<i32: 0>} : vector<256x256xi32>
      %mul3A_322 = arith.constant 256 : i32
      %mul3A_323 = arith.muli %while3A_317, %mul3A_322 : i32
      %add3A_324 = vector.broadcast %mul3A_323 : i32 to vector<256x256xi32>
      %add3A_325 = arith.addi %iota3A, %add3A_324 : vector<256x256xi32>
      %eq3A = vector.broadcast %while3A_180#1 : vector<1x256xi32> to vector<256x256xi32>
      %eq3A_326 = arith.cmpi eq, %add3A_325, %eq3A : vector<256x256xi32>
      %get3A_327 = arith.index_cast %mul3A_321 : i32 to index
      %get3A_328 = arith.constant 0 : index
      %get3A_329 = vector.load %arg8[%get3A_327, %get3A_328] : memref<8192x256xf32, #tpu.memory_space<vmem>>, vector<256x256xf32>
      %broadcast_in_dim3A_330 = vector.broadcast %while3A_188 : f32 to vector<256x256xf32>
      %select_n3A = arith.select %eq3A_326, %broadcast_in_dim3A_330, %get3A_329 : vector<256x256xi1>, vector<256x256xf32>
      %swap3A_331 = arith.index_cast %mul3A_321 : i32 to index
      %swap3A_332 = arith.constant 0 : index
      %swap3A_333 = vector.load %arg8[%swap3A_331, %swap3A_332] : memref<8192x256xf32, #tpu.memory_space<vmem>>, vector<256x256xf32>
      tpu.vector_store %arg8[%swap3A_331, %swap3A_332], %select_n3A {strides = array<i32>} : memref<8192x256xf32, #tpu.memory_space<vmem>>, vector<256x256xf32>,
      %reduce_min3A = arith.constant dense<0x7F800000> : vector<256xf32>
      %reduce_min3A_334 = vector.multi_reduction <minimumf>, %select_n3A, %reduce_min3A [0] : vector<256x256xf32> to vector<256xf32>
      %broadcast_in_dim3A_335 = vector.shape_cast %reduce_min3A_334 : vector<256xf32> to vector<1x256xf32>
      %le3A = vector.broadcast %broadcast_in_dim3A_335 : vector<1x256xf32> to vector<256x256xf32>
      %le3A_336 = arith.cmpf ole, %select_n3A, %le3A : vector<256x256xf32>
      %broadcast_in_dim3A_337 = vector.broadcast %while3A_189 : i32 to vector<256x256xi32>
      %select_n3A_338 = arith.select %le3A_336, %add3A_325, %broadcast_in_dim3A_337 : vector<256x256xi1>, vector<256x256xi32>
      %reduce_min3A_339 = arith.constant dense<2147483647> : vector<256xi32>
      %reduce_min3A_340 = vector.multi_reduction <minsi>, %select_n3A_338, %reduce_min3A_339 [0] : vector<256x256xi32> to vector<256xi32>
      %broadcast_in_dim3A_341 = vector.shape_cast %reduce_min3A_340 : vector<256xi32> to vector<1x256xi32>
      %lt3A = arith.cmpf olt, %broadcast_in_dim3A_335, %while3A_318 : vector<1x256xf32>
      %select_n3A_342 = arith.select %lt3A, %broadcast_in_dim3A_335, %while3A_318 : vector<1x256xi1>, vector<1x256xf32>
      %select_n3A_343 = arith.select %lt3A, %broadcast_in_dim3A_341, %while3A_319 : vector<1x256xi1>, vector<1x256xi32>
      scf.yield %select_n3A_342, %select_n3A_343 : vector<1x256xf32>, vector<1x256xi32>
    }
    %swap3A_200 = arith.constant 9 : index
    %swap3A_201 = arith.constant 0 : index
    %swap3A_202 = vector.load %arg7[%swap3A_200, %swap3A_201] : memref<16x256xi32, #tpu.memory_space<vmem>>, vector<1x256xi32>
    tpu.vector_store %arg7[%swap3A_200, %swap3A_201], %while3A_199#1 {strides = array<i32>} : memref<16x256xi32, #tpu.memory_space<vmem>>, vector<1x256xi32>,
    %broadcast_in_dim3A_203 = arith.constant 0x7F800000 : f32
    %broadcast_in_dim3A_204 = vector.broadcast %broadcast_in_dim3A_203 : f32 to vector<1x256xf32>
    %broadcast_in_dim3A_205 = arith.constant 1073741824 : i32
    %broadcast_in_dim3A_206 = vector.broadcast %broadcast_in_dim3A_205 : i32 to vector<1x256xi32>
    %while3A_207 = arith.constant 0x7F800000 : f32
    %while3A_208 = arith.constant 1073741824 : i32
    %while3A_209 = arith.subi %get3A_2, %get3A_0 : i32
    %while3A_210 = arith.addi %get3A_0, %while3A_209 : i32
    %while3A_211 = arith.constant 1 : i32
    %while3A_212 = arith.divsi %while3A_209, %while3A_211 : i32
    %while3A_213 = arith.muli %while3A_212, %while3A_211 : i32
    %while3A_214 = arith.addi %get3A_0, %while3A_213 : i32
    %while3A_215 = arith.constant 1 : i32
    %while3A_216:2 = scf.for %while3A_317 = %get3A_0 to %while3A_214 step %while3A_215 iter_args(%while3A_318 = %broadcast_in_dim3A_204, %while3A_319 = %broadcast_in_dim3A_206) -> (vector<1x256xf32>, vector<1x256xi32>)  : i32 {
      %mul3A_320 = arith.constant 256 : i32
      %mul3A_321 = arith.muli %while3A_317, %mul3A_320 : i32
      %iota3A = tpu.iota {dimensions = array<i32: 0>} : vector<256x256xi32>
      %mul3A_322 = arith.constant 256 : i32
      %mul3A_323 = arith.muli %while3A_317, %mul3A_322 : i32
      %add3A_324 = vector.broadcast %mul3A_323 : i32 to vector<256x256xi32>
      %add3A_325 = arith.addi %iota3A, %add3A_324 : vector<256x256xi32>
      %eq3A = vector.broadcast %while3A_199#1 : vector<1x256xi32> to vector<256x256xi32>
      %eq3A_326 = arith.cmpi eq, %add3A_325, %eq3A : vector<256x256xi32>
      %get3A_327 = arith.index_cast %mul3A_321 : i32 to index
      %get3A_328 = arith.constant 0 : index
      %get3A_329 = vector.load %arg8[%get3A_327, %get3A_328] : memref<8192x256xf32, #tpu.memory_space<vmem>>, vector<256x256xf32>
      %broadcast_in_dim3A_330 = vector.broadcast %while3A_207 : f32 to vector<256x256xf32>
      %select_n3A = arith.select %eq3A_326, %broadcast_in_dim3A_330, %get3A_329 : vector<256x256xi1>, vector<256x256xf32>
      %swap3A_331 = arith.index_cast %mul3A_321 : i32 to index
      %swap3A_332 = arith.constant 0 : index
      %swap3A_333 = vector.load %arg8[%swap3A_331, %swap3A_332] : memref<8192x256xf32, #tpu.memory_space<vmem>>, vector<256x256xf32>
      tpu.vector_store %arg8[%swap3A_331, %swap3A_332], %select_n3A {strides = array<i32>} : memref<8192x256xf32, #tpu.memory_space<vmem>>, vector<256x256xf32>,
      %reduce_min3A = arith.constant dense<0x7F800000> : vector<256xf32>
      %reduce_min3A_334 = vector.multi_reduction <minimumf>, %select_n3A, %reduce_min3A [0] : vector<256x256xf32> to vector<256xf32>
      %broadcast_in_dim3A_335 = vector.shape_cast %reduce_min3A_334 : vector<256xf32> to vector<1x256xf32>
      %le3A = vector.broadcast %broadcast_in_dim3A_335 : vector<1x256xf32> to vector<256x256xf32>
      %le3A_336 = arith.cmpf ole, %select_n3A, %le3A : vector<256x256xf32>
      %broadcast_in_dim3A_337 = vector.broadcast %while3A_208 : i32 to vector<256x256xi32>
      %select_n3A_338 = arith.select %le3A_336, %add3A_325, %broadcast_in_dim3A_337 : vector<256x256xi1>, vector<256x256xi32>
      %reduce_min3A_339 = arith.constant dense<2147483647> : vector<256xi32>
      %reduce_min3A_340 = vector.multi_reduction <minsi>, %select_n3A_338, %reduce_min3A_339 [0] : vector<256x256xi32> to vector<256xi32>
      %broadcast_in_dim3A_341 = vector.shape_cast %reduce_min3A_340 : vector<256xi32> to vector<1x256xi32>
      %lt3A = arith.cmpf olt, %broadcast_in_dim3A_335, %while3A_318 : vector<1x256xf32>
      %select_n3A_342 = arith.select %lt3A, %broadcast_in_dim3A_335, %while3A_318 : vector<1x256xi1>, vector<1x256xf32>
      %select_n3A_343 = arith.select %lt3A, %broadcast_in_dim3A_341, %while3A_319 : vector<1x256xi1>, vector<1x256xi32>
      scf.yield %select_n3A_342, %select_n3A_343 : vector<1x256xf32>, vector<1x256xi32>
    }
    %while3A_217 = arith.constant 1 : i32
    %while3A_218:2 = scf.for %while3A_317 = %while3A_214 to %while3A_210 step %while3A_217 iter_args(%while3A_318 = %while3A_216#0, %while3A_319 = %while3A_216#1) -> (vector<1x256xf32>, vector<1x256xi32>)  : i32 {
      %mul3A_320 = arith.constant 256 : i32
      %mul3A_321 = arith.muli %while3A_317, %mul3A_320 : i32
      %iota3A = tpu.iota {dimensions = array<i32: 0>} : vector<256x256xi32>
      %mul3A_322 = arith.constant 256 : i32
      %mul3A_323 = arith.muli %while3A_317, %mul3A_322 : i32
      %add3A_324 = vector.broadcast %mul3A_323 : i32 to vector<256x256xi32>
      %add3A_325 = arith.addi %iota3A, %add3A_324 : vector<256x256xi32>
      %eq3A = vector.broadcast %while3A_199#1 : vector<1x256xi32> to vector<256x256xi32>
      %eq3A_326 = arith.cmpi eq, %add3A_325, %eq3A : vector<256x256xi32>
      %get3A_327 = arith.index_cast %mul3A_321 : i32 to index
      %get3A_328 = arith.constant 0 : index
      %get3A_329 = vector.load %arg8[%get3A_327, %get3A_328] : memref<8192x256xf32, #tpu.memory_space<vmem>>, vector<256x256xf32>
      %broadcast_in_dim3A_330 = vector.broadcast %while3A_207 : f32 to vector<256x256xf32>
      %select_n3A = arith.select %eq3A_326, %broadcast_in_dim3A_330, %get3A_329 : vector<256x256xi1>, vector<256x256xf32>
      %swap3A_331 = arith.index_cast %mul3A_321 : i32 to index
      %swap3A_332 = arith.constant 0 : index
      %swap3A_333 = vector.load %arg8[%swap3A_331, %swap3A_332] : memref<8192x256xf32, #tpu.memory_space<vmem>>, vector<256x256xf32>
      tpu.vector_store %arg8[%swap3A_331, %swap3A_332], %select_n3A {strides = array<i32>} : memref<8192x256xf32, #tpu.memory_space<vmem>>, vector<256x256xf32>,
      %reduce_min3A = arith.constant dense<0x7F800000> : vector<256xf32>
      %reduce_min3A_334 = vector.multi_reduction <minimumf>, %select_n3A, %reduce_min3A [0] : vector<256x256xf32> to vector<256xf32>
      %broadcast_in_dim3A_335 = vector.shape_cast %reduce_min3A_334 : vector<256xf32> to vector<1x256xf32>
      %le3A = vector.broadcast %broadcast_in_dim3A_335 : vector<1x256xf32> to vector<256x256xf32>
      %le3A_336 = arith.cmpf ole, %select_n3A, %le3A : vector<256x256xf32>
      %broadcast_in_dim3A_337 = vector.broadcast %while3A_208 : i32 to vector<256x256xi32>
      %select_n3A_338 = arith.select %le3A_336, %add3A_325, %broadcast_in_dim3A_337 : vector<256x256xi1>, vector<256x256xi32>
      %reduce_min3A_339 = arith.constant dense<2147483647> : vector<256xi32>
      %reduce_min3A_340 = vector.multi_reduction <minsi>, %select_n3A_338, %reduce_min3A_339 [0] : vector<256x256xi32> to vector<256xi32>
      %broadcast_in_dim3A_341 = vector.shape_cast %reduce_min3A_340 : vector<256xi32> to vector<1x256xi32>
      %lt3A = arith.cmpf olt, %broadcast_in_dim3A_335, %while3A_318 : vector<1x256xf32>
      %select_n3A_342 = arith.select %lt3A, %broadcast_in_dim3A_335, %while3A_318 : vector<1x256xi1>, vector<1x256xf32>
      %select_n3A_343 = arith.select %lt3A, %broadcast_in_dim3A_341, %while3A_319 : vector<1x256xi1>, vector<1x256xi32>
      scf.yield %select_n3A_342, %select_n3A_343 : vector<1x256xf32>, vector<1x256xi32>
    }
    %swap3A_219 = arith.constant 10 : index
    %swap3A_220 = arith.constant 0 : index
    %swap3A_221 = vector.load %arg7[%swap3A_219, %swap3A_220] : memref<16x256xi32, #tpu.memory_space<vmem>>, vector<1x256xi32>
    tpu.vector_store %arg7[%swap3A_219, %swap3A_220], %while3A_218#1 {strides = array<i32>} : memref<16x256xi32, #tpu.memory_space<vmem>>, vector<1x256xi32>,
    %broadcast_in_dim3A_222 = arith.constant 0x7F800000 : f32
    %broadcast_in_dim3A_223 = vector.broadcast %broadcast_in_dim3A_222 : f32 to vector<1x256xf32>
    %broadcast_in_dim3A_224 = arith.constant 1073741824 : i32
    %broadcast_in_dim3A_225 = vector.broadcast %broadcast_in_dim3A_224 : i32 to vector<1x256xi32>
    %while3A_226 = arith.constant 0x7F800000 : f32
    %while3A_227 = arith.constant 1073741824 : i32
    %while3A_228 = arith.subi %get3A_2, %get3A_0 : i32
    %while3A_229 = arith.addi %get3A_0, %while3A_228 : i32
    %while3A_230 = arith.constant 1 : i32
    %while3A_231 = arith.divsi %while3A_228, %while3A_230 : i32
    %while3A_232 = arith.muli %while3A_231, %while3A_230 : i32
    %while3A_233 = arith.addi %get3A_0, %while3A_232 : i32
    %while3A_234 = arith.constant 1 : i32
    %while3A_235:2 = scf.for %while3A_317 = %get3A_0 to %while3A_233 step %while3A_234 iter_args(%while3A_318 = %broadcast_in_dim3A_223, %while3A_319 = %broadcast_in_dim3A_225) -> (vector<1x256xf32>, vector<1x256xi32>)  : i32 {
      %mul3A_320 = arith.constant 256 : i32
      %mul3A_321 = arith.muli %while3A_317, %mul3A_320 : i32
      %iota3A = tpu.iota {dimensions = array<i32: 0>} : vector<256x256xi32>
      %mul3A_322 = arith.constant 256 : i32
      %mul3A_323 = arith.muli %while3A_317, %mul3A_322 : i32
      %add3A_324 = vector.broadcast %mul3A_323 : i32 to vector<256x256xi32>
      %add3A_325 = arith.addi %iota3A, %add3A_324 : vector<256x256xi32>
      %eq3A = vector.broadcast %while3A_218#1 : vector<1x256xi32> to vector<256x256xi32>
      %eq3A_326 = arith.cmpi eq, %add3A_325, %eq3A : vector<256x256xi32>
      %get3A_327 = arith.index_cast %mul3A_321 : i32 to index
      %get3A_328 = arith.constant 0 : index
      %get3A_329 = vector.load %arg8[%get3A_327, %get3A_328] : memref<8192x256xf32, #tpu.memory_space<vmem>>, vector<256x256xf32>
      %broadcast_in_dim3A_330 = vector.broadcast %while3A_226 : f32 to vector<256x256xf32>
      %select_n3A = arith.select %eq3A_326, %broadcast_in_dim3A_330, %get3A_329 : vector<256x256xi1>, vector<256x256xf32>
      %swap3A_331 = arith.index_cast %mul3A_321 : i32 to index
      %swap3A_332 = arith.constant 0 : index
      %swap3A_333 = vector.load %arg8[%swap3A_331, %swap3A_332] : memref<8192x256xf32, #tpu.memory_space<vmem>>, vector<256x256xf32>
      tpu.vector_store %arg8[%swap3A_331, %swap3A_332], %select_n3A {strides = array<i32>} : memref<8192x256xf32, #tpu.memory_space<vmem>>, vector<256x256xf32>,
      %reduce_min3A = arith.constant dense<0x7F800000> : vector<256xf32>
      %reduce_min3A_334 = vector.multi_reduction <minimumf>, %select_n3A, %reduce_min3A [0] : vector<256x256xf32> to vector<256xf32>
      %broadcast_in_dim3A_335 = vector.shape_cast %reduce_min3A_334 : vector<256xf32> to vector<1x256xf32>
      %le3A = vector.broadcast %broadcast_in_dim3A_335 : vector<1x256xf32> to vector<256x256xf32>
      %le3A_336 = arith.cmpf ole, %select_n3A, %le3A : vector<256x256xf32>
      %broadcast_in_dim3A_337 = vector.broadcast %while3A_227 : i32 to vector<256x256xi32>
      %select_n3A_338 = arith.select %le3A_336, %add3A_325, %broadcast_in_dim3A_337 : vector<256x256xi1>, vector<256x256xi32>
      %reduce_min3A_339 = arith.constant dense<2147483647> : vector<256xi32>
      %reduce_min3A_340 = vector.multi_reduction <minsi>, %select_n3A_338, %reduce_min3A_339 [0] : vector<256x256xi32> to vector<256xi32>
      %broadcast_in_dim3A_341 = vector.shape_cast %reduce_min3A_340 : vector<256xi32> to vector<1x256xi32>
      %lt3A = arith.cmpf olt, %broadcast_in_dim3A_335, %while3A_318 : vector<1x256xf32>
      %select_n3A_342 = arith.select %lt3A, %broadcast_in_dim3A_335, %while3A_318 : vector<1x256xi1>, vector<1x256xf32>
      %select_n3A_343 = arith.select %lt3A, %broadcast_in_dim3A_341, %while3A_319 : vector<1x256xi1>, vector<1x256xi32>
      scf.yield %select_n3A_342, %select_n3A_343 : vector<1x256xf32>, vector<1x256xi32>
    }
    %while3A_236 = arith.constant 1 : i32
    %while3A_237:2 = scf.for %while3A_317 = %while3A_233 to %while3A_229 step %while3A_236 iter_args(%while3A_318 = %while3A_235#0, %while3A_319 = %while3A_235#1) -> (vector<1x256xf32>, vector<1x256xi32>)  : i32 {
      %mul3A_320 = arith.constant 256 : i32
      %mul3A_321 = arith.muli %while3A_317, %mul3A_320 : i32
      %iota3A = tpu.iota {dimensions = array<i32: 0>} : vector<256x256xi32>
      %mul3A_322 = arith.constant 256 : i32
      %mul3A_323 = arith.muli %while3A_317, %mul3A_322 : i32
      %add3A_324 = vector.broadcast %mul3A_323 : i32 to vector<256x256xi32>
      %add3A_325 = arith.addi %iota3A, %add3A_324 : vector<256x256xi32>
      %eq3A = vector.broadcast %while3A_218#1 : vector<1x256xi32> to vector<256x256xi32>
      %eq3A_326 = arith.cmpi eq, %add3A_325, %eq3A : vector<256x256xi32>
      %get3A_327 = arith.index_cast %mul3A_321 : i32 to index
      %get3A_328 = arith.constant 0 : index
      %get3A_329 = vector.load %arg8[%get3A_327, %get3A_328] : memref<8192x256xf32, #tpu.memory_space<vmem>>, vector<256x256xf32>
      %broadcast_in_dim3A_330 = vector.broadcast %while3A_226 : f32 to vector<256x256xf32>
      %select_n3A = arith.select %eq3A_326, %broadcast_in_dim3A_330, %get3A_329 : vector<256x256xi1>, vector<256x256xf32>
      %swap3A_331 = arith.index_cast %mul3A_321 : i32 to index
      %swap3A_332 = arith.constant 0 : index
      %swap3A_333 = vector.load %arg8[%swap3A_331, %swap3A_332] : memref<8192x256xf32, #tpu.memory_space<vmem>>, vector<256x256xf32>
      tpu.vector_store %arg8[%swap3A_331, %swap3A_332], %select_n3A {strides = array<i32>} : memref<8192x256xf32, #tpu.memory_space<vmem>>, vector<256x256xf32>,
      %reduce_min3A = arith.constant dense<0x7F800000> : vector<256xf32>
      %reduce_min3A_334 = vector.multi_reduction <minimumf>, %select_n3A, %reduce_min3A [0] : vector<256x256xf32> to vector<256xf32>
      %broadcast_in_dim3A_335 = vector.shape_cast %reduce_min3A_334 : vector<256xf32> to vector<1x256xf32>
      %le3A = vector.broadcast %broadcast_in_dim3A_335 : vector<1x256xf32> to vector<256x256xf32>
      %le3A_336 = arith.cmpf ole, %select_n3A, %le3A : vector<256x256xf32>
      %broadcast_in_dim3A_337 = vector.broadcast %while3A_227 : i32 to vector<256x256xi32>
      %select_n3A_338 = arith.select %le3A_336, %add3A_325, %broadcast_in_dim3A_337 : vector<256x256xi1>, vector<256x256xi32>
      %reduce_min3A_339 = arith.constant dense<2147483647> : vector<256xi32>
      %reduce_min3A_340 = vector.multi_reduction <minsi>, %select_n3A_338, %reduce_min3A_339 [0] : vector<256x256xi32> to vector<256xi32>
      %broadcast_in_dim3A_341 = vector.shape_cast %reduce_min3A_340 : vector<256xi32> to vector<1x256xi32>
      %lt3A = arith.cmpf olt, %broadcast_in_dim3A_335, %while3A_318 : vector<1x256xf32>
      %select_n3A_342 = arith.select %lt3A, %broadcast_in_dim3A_335, %while3A_318 : vector<1x256xi1>, vector<1x256xf32>
      %select_n3A_343 = arith.select %lt3A, %broadcast_in_dim3A_341, %while3A_319 : vector<1x256xi1>, vector<1x256xi32>
      scf.yield %select_n3A_342, %select_n3A_343 : vector<1x256xf32>, vector<1x256xi32>
    }
    %swap3A_238 = arith.constant 11 : index
    %swap3A_239 = arith.constant 0 : index
    %swap3A_240 = vector.load %arg7[%swap3A_238, %swap3A_239] : memref<16x256xi32, #tpu.memory_space<vmem>>, vector<1x256xi32>
    tpu.vector_store %arg7[%swap3A_238, %swap3A_239], %while3A_237#1 {strides = array<i32>} : memref<16x256xi32, #tpu.memory_space<vmem>>, vector<1x256xi32>,
    %broadcast_in_dim3A_241 = arith.constant 0x7F800000 : f32
    %broadcast_in_dim3A_242 = vector.broadcast %broadcast_in_dim3A_241 : f32 to vector<1x256xf32>
    %broadcast_in_dim3A_243 = arith.constant 1073741824 : i32
    %broadcast_in_dim3A_244 = vector.broadcast %broadcast_in_dim3A_243 : i32 to vector<1x256xi32>
    %while3A_245 = arith.constant 0x7F800000 : f32
    %while3A_246 = arith.constant 1073741824 : i32
    %while3A_247 = arith.subi %get3A_2, %get3A_0 : i32
    %while3A_248 = arith.addi %get3A_0, %while3A_247 : i32
    %while3A_249 = arith.constant 1 : i32
    %while3A_250 = arith.divsi %while3A_247, %while3A_249 : i32
    %while3A_251 = arith.muli %while3A_250, %while3A_249 : i32
    %while3A_252 = arith.addi %get3A_0, %while3A_251 : i32
    %while3A_253 = arith.constant 1 : i32
    %while3A_254:2 = scf.for %while3A_317 = %get3A_0 to %while3A_252 step %while3A_253 iter_args(%while3A_318 = %broadcast_in_dim3A_242, %while3A_319 = %broadcast_in_dim3A_244) -> (vector<1x256xf32>, vector<1x256xi32>)  : i32 {
      %mul3A_320 = arith.constant 256 : i32
      %mul3A_321 = arith.muli %while3A_317, %mul3A_320 : i32
      %iota3A = tpu.iota {dimensions = array<i32: 0>} : vector<256x256xi32>
      %mul3A_322 = arith.constant 256 : i32
      %mul3A_323 = arith.muli %while3A_317, %mul3A_322 : i32
      %add3A_324 = vector.broadcast %mul3A_323 : i32 to vector<256x256xi32>
      %add3A_325 = arith.addi %iota3A, %add3A_324 : vector<256x256xi32>
      %eq3A = vector.broadcast %while3A_237#1 : vector<1x256xi32> to vector<256x256xi32>
      %eq3A_326 = arith.cmpi eq, %add3A_325, %eq3A : vector<256x256xi32>
      %get3A_327 = arith.index_cast %mul3A_321 : i32 to index
      %get3A_328 = arith.constant 0 : index
      %get3A_329 = vector.load %arg8[%get3A_327, %get3A_328] : memref<8192x256xf32, #tpu.memory_space<vmem>>, vector<256x256xf32>
      %broadcast_in_dim3A_330 = vector.broadcast %while3A_245 : f32 to vector<256x256xf32>
      %select_n3A = arith.select %eq3A_326, %broadcast_in_dim3A_330, %get3A_329 : vector<256x256xi1>, vector<256x256xf32>
      %swap3A_331 = arith.index_cast %mul3A_321 : i32 to index
      %swap3A_332 = arith.constant 0 : index
      %swap3A_333 = vector.load %arg8[%swap3A_331, %swap3A_332] : memref<8192x256xf32, #tpu.memory_space<vmem>>, vector<256x256xf32>
      tpu.vector_store %arg8[%swap3A_331, %swap3A_332], %select_n3A {strides = array<i32>} : memref<8192x256xf32, #tpu.memory_space<vmem>>, vector<256x256xf32>,
      %reduce_min3A = arith.constant dense<0x7F800000> : vector<256xf32>
      %reduce_min3A_334 = vector.multi_reduction <minimumf>, %select_n3A, %reduce_min3A [0] : vector<256x256xf32> to vector<256xf32>
      %broadcast_in_dim3A_335 = vector.shape_cast %reduce_min3A_334 : vector<256xf32> to vector<1x256xf32>
      %le3A = vector.broadcast %broadcast_in_dim3A_335 : vector<1x256xf32> to vector<256x256xf32>
      %le3A_336 = arith.cmpf ole, %select_n3A, %le3A : vector<256x256xf32>
      %broadcast_in_dim3A_337 = vector.broadcast %while3A_246 : i32 to vector<256x256xi32>
      %select_n3A_338 = arith.select %le3A_336, %add3A_325, %broadcast_in_dim3A_337 : vector<256x256xi1>, vector<256x256xi32>
      %reduce_min3A_339 = arith.constant dense<2147483647> : vector<256xi32>
      %reduce_min3A_340 = vector.multi_reduction <minsi>, %select_n3A_338, %reduce_min3A_339 [0] : vector<256x256xi32> to vector<256xi32>
      %broadcast_in_dim3A_341 = vector.shape_cast %reduce_min3A_340 : vector<256xi32> to vector<1x256xi32>
      %lt3A = arith.cmpf olt, %broadcast_in_dim3A_335, %while3A_318 : vector<1x256xf32>
      %select_n3A_342 = arith.select %lt3A, %broadcast_in_dim3A_335, %while3A_318 : vector<1x256xi1>, vector<1x256xf32>
      %select_n3A_343 = arith.select %lt3A, %broadcast_in_dim3A_341, %while3A_319 : vector<1x256xi1>, vector<1x256xi32>
      scf.yield %select_n3A_342, %select_n3A_343 : vector<1x256xf32>, vector<1x256xi32>
    }
    %while3A_255 = arith.constant 1 : i32
    %while3A_256:2 = scf.for %while3A_317 = %while3A_252 to %while3A_248 step %while3A_255 iter_args(%while3A_318 = %while3A_254#0, %while3A_319 = %while3A_254#1) -> (vector<1x256xf32>, vector<1x256xi32>)  : i32 {
      %mul3A_320 = arith.constant 256 : i32
      %mul3A_321 = arith.muli %while3A_317, %mul3A_320 : i32
      %iota3A = tpu.iota {dimensions = array<i32: 0>} : vector<256x256xi32>
      %mul3A_322 = arith.constant 256 : i32
      %mul3A_323 = arith.muli %while3A_317, %mul3A_322 : i32
      %add3A_324 = vector.broadcast %mul3A_323 : i32 to vector<256x256xi32>
      %add3A_325 = arith.addi %iota3A, %add3A_324 : vector<256x256xi32>
      %eq3A = vector.broadcast %while3A_237#1 : vector<1x256xi32> to vector<256x256xi32>
      %eq3A_326 = arith.cmpi eq, %add3A_325, %eq3A : vector<256x256xi32>
      %get3A_327 = arith.index_cast %mul3A_321 : i32 to index
      %get3A_328 = arith.constant 0 : index
      %get3A_329 = vector.load %arg8[%get3A_327, %get3A_328] : memref<8192x256xf32, #tpu.memory_space<vmem>>, vector<256x256xf32>
      %broadcast_in_dim3A_330 = vector.broadcast %while3A_245 : f32 to vector<256x256xf32>
      %select_n3A = arith.select %eq3A_326, %broadcast_in_dim3A_330, %get3A_329 : vector<256x256xi1>, vector<256x256xf32>
      %swap3A_331 = arith.index_cast %mul3A_321 : i32 to index
      %swap3A_332 = arith.constant 0 : index
      %swap3A_333 = vector.load %arg8[%swap3A_331, %swap3A_332] : memref<8192x256xf32, #tpu.memory_space<vmem>>, vector<256x256xf32>
      tpu.vector_store %arg8[%swap3A_331, %swap3A_332], %select_n3A {strides = array<i32>} : memref<8192x256xf32, #tpu.memory_space<vmem>>, vector<256x256xf32>,
      %reduce_min3A = arith.constant dense<0x7F800000> : vector<256xf32>
      %reduce_min3A_334 = vector.multi_reduction <minimumf>, %select_n3A, %reduce_min3A [0] : vector<256x256xf32> to vector<256xf32>
      %broadcast_in_dim3A_335 = vector.shape_cast %reduce_min3A_334 : vector<256xf32> to vector<1x256xf32>
      %le3A = vector.broadcast %broadcast_in_dim3A_335 : vector<1x256xf32> to vector<256x256xf32>
      %le3A_336 = arith.cmpf ole, %select_n3A, %le3A : vector<256x256xf32>
      %broadcast_in_dim3A_337 = vector.broadcast %while3A_246 : i32 to vector<256x256xi32>
      %select_n3A_338 = arith.select %le3A_336, %add3A_325, %broadcast_in_dim3A_337 : vector<256x256xi1>, vector<256x256xi32>
      %reduce_min3A_339 = arith.constant dense<2147483647> : vector<256xi32>
      %reduce_min3A_340 = vector.multi_reduction <minsi>, %select_n3A_338, %reduce_min3A_339 [0] : vector<256x256xi32> to vector<256xi32>
      %broadcast_in_dim3A_341 = vector.shape_cast %reduce_min3A_340 : vector<256xi32> to vector<1x256xi32>
      %lt3A = arith.cmpf olt, %broadcast_in_dim3A_335, %while3A_318 : vector<1x256xf32>
      %select_n3A_342 = arith.select %lt3A, %broadcast_in_dim3A_335, %while3A_318 : vector<1x256xi1>, vector<1x256xf32>
      %select_n3A_343 = arith.select %lt3A, %broadcast_in_dim3A_341, %while3A_319 : vector<1x256xi1>, vector<1x256xi32>
      scf.yield %select_n3A_342, %select_n3A_343 : vector<1x256xf32>, vector<1x256xi32>
    }
    %swap3A_257 = arith.constant 12 : index
    %swap3A_258 = arith.constant 0 : index
    %swap3A_259 = vector.load %arg7[%swap3A_257, %swap3A_258] : memref<16x256xi32, #tpu.memory_space<vmem>>, vector<1x256xi32>
    tpu.vector_store %arg7[%swap3A_257, %swap3A_258], %while3A_256#1 {strides = array<i32>} : memref<16x256xi32, #tpu.memory_space<vmem>>, vector<1x256xi32>,
    %broadcast_in_dim3A_260 = arith.constant 0x7F800000 : f32
    %broadcast_in_dim3A_261 = vector.broadcast %broadcast_in_dim3A_260 : f32 to vector<1x256xf32>
    %broadcast_in_dim3A_262 = arith.constant 1073741824 : i32
    %broadcast_in_dim3A_263 = vector.broadcast %broadcast_in_dim3A_262 : i32 to vector<1x256xi32>
    %while3A_264 = arith.constant 0x7F800000 : f32
    %while3A_265 = arith.constant 1073741824 : i32
    %while3A_266 = arith.subi %get3A_2, %get3A_0 : i32
    %while3A_267 = arith.addi %get3A_0, %while3A_266 : i32
    %while3A_268 = arith.constant 1 : i32
    %while3A_269 = arith.divsi %while3A_266, %while3A_268 : i32
    %while3A_270 = arith.muli %while3A_269, %while3A_268 : i32
    %while3A_271 = arith.addi %get3A_0, %while3A_270 : i32
    %while3A_272 = arith.constant 1 : i32
    %while3A_273:2 = scf.for %while3A_317 = %get3A_0 to %while3A_271 step %while3A_272 iter_args(%while3A_318 = %broadcast_in_dim3A_261, %while3A_319 = %broadcast_in_dim3A_263) -> (vector<1x256xf32>, vector<1x256xi32>)  : i32 {
      %mul3A_320 = arith.constant 256 : i32
      %mul3A_321 = arith.muli %while3A_317, %mul3A_320 : i32
      %iota3A = tpu.iota {dimensions = array<i32: 0>} : vector<256x256xi32>
      %mul3A_322 = arith.constant 256 : i32
      %mul3A_323 = arith.muli %while3A_317, %mul3A_322 : i32
      %add3A_324 = vector.broadcast %mul3A_323 : i32 to vector<256x256xi32>
      %add3A_325 = arith.addi %iota3A, %add3A_324 : vector<256x256xi32>
      %eq3A = vector.broadcast %while3A_256#1 : vector<1x256xi32> to vector<256x256xi32>
      %eq3A_326 = arith.cmpi eq, %add3A_325, %eq3A : vector<256x256xi32>
      %get3A_327 = arith.index_cast %mul3A_321 : i32 to index
      %get3A_328 = arith.constant 0 : index
      %get3A_329 = vector.load %arg8[%get3A_327, %get3A_328] : memref<8192x256xf32, #tpu.memory_space<vmem>>, vector<256x256xf32>
      %broadcast_in_dim3A_330 = vector.broadcast %while3A_264 : f32 to vector<256x256xf32>
      %select_n3A = arith.select %eq3A_326, %broadcast_in_dim3A_330, %get3A_329 : vector<256x256xi1>, vector<256x256xf32>
      %swap3A_331 = arith.index_cast %mul3A_321 : i32 to index
      %swap3A_332 = arith.constant 0 : index
      %swap3A_333 = vector.load %arg8[%swap3A_331, %swap3A_332] : memref<8192x256xf32, #tpu.memory_space<vmem>>, vector<256x256xf32>
      tpu.vector_store %arg8[%swap3A_331, %swap3A_332], %select_n3A {strides = array<i32>} : memref<8192x256xf32, #tpu.memory_space<vmem>>, vector<256x256xf32>,
      %reduce_min3A = arith.constant dense<0x7F800000> : vector<256xf32>
      %reduce_min3A_334 = vector.multi_reduction <minimumf>, %select_n3A, %reduce_min3A [0] : vector<256x256xf32> to vector<256xf32>
      %broadcast_in_dim3A_335 = vector.shape_cast %reduce_min3A_334 : vector<256xf32> to vector<1x256xf32>
      %le3A = vector.broadcast %broadcast_in_dim3A_335 : vector<1x256xf32> to vector<256x256xf32>
      %le3A_336 = arith.cmpf ole, %select_n3A, %le3A : vector<256x256xf32>
      %broadcast_in_dim3A_337 = vector.broadcast %while3A_265 : i32 to vector<256x256xi32>
      %select_n3A_338 = arith.select %le3A_336, %add3A_325, %broadcast_in_dim3A_337 : vector<256x256xi1>, vector<256x256xi32>
      %reduce_min3A_339 = arith.constant dense<2147483647> : vector<256xi32>
      %reduce_min3A_340 = vector.multi_reduction <minsi>, %select_n3A_338, %reduce_min3A_339 [0] : vector<256x256xi32> to vector<256xi32>
      %broadcast_in_dim3A_341 = vector.shape_cast %reduce_min3A_340 : vector<256xi32> to vector<1x256xi32>
      %lt3A = arith.cmpf olt, %broadcast_in_dim3A_335, %while3A_318 : vector<1x256xf32>
      %select_n3A_342 = arith.select %lt3A, %broadcast_in_dim3A_335, %while3A_318 : vector<1x256xi1>, vector<1x256xf32>
      %select_n3A_343 = arith.select %lt3A, %broadcast_in_dim3A_341, %while3A_319 : vector<1x256xi1>, vector<1x256xi32>
      scf.yield %select_n3A_342, %select_n3A_343 : vector<1x256xf32>, vector<1x256xi32>
    }
    %while3A_274 = arith.constant 1 : i32
    %while3A_275:2 = scf.for %while3A_317 = %while3A_271 to %while3A_267 step %while3A_274 iter_args(%while3A_318 = %while3A_273#0, %while3A_319 = %while3A_273#1) -> (vector<1x256xf32>, vector<1x256xi32>)  : i32 {
      %mul3A_320 = arith.constant 256 : i32
      %mul3A_321 = arith.muli %while3A_317, %mul3A_320 : i32
      %iota3A = tpu.iota {dimensions = array<i32: 0>} : vector<256x256xi32>
      %mul3A_322 = arith.constant 256 : i32
      %mul3A_323 = arith.muli %while3A_317, %mul3A_322 : i32
      %add3A_324 = vector.broadcast %mul3A_323 : i32 to vector<256x256xi32>
      %add3A_325 = arith.addi %iota3A, %add3A_324 : vector<256x256xi32>
      %eq3A = vector.broadcast %while3A_256#1 : vector<1x256xi32> to vector<256x256xi32>
      %eq3A_326 = arith.cmpi eq, %add3A_325, %eq3A : vector<256x256xi32>
      %get3A_327 = arith.index_cast %mul3A_321 : i32 to index
      %get3A_328 = arith.constant 0 : index
      %get3A_329 = vector.load %arg8[%get3A_327, %get3A_328] : memref<8192x256xf32, #tpu.memory_space<vmem>>, vector<256x256xf32>
      %broadcast_in_dim3A_330 = vector.broadcast %while3A_264 : f32 to vector<256x256xf32>
      %select_n3A = arith.select %eq3A_326, %broadcast_in_dim3A_330, %get3A_329 : vector<256x256xi1>, vector<256x256xf32>
      %swap3A_331 = arith.index_cast %mul3A_321 : i32 to index
      %swap3A_332 = arith.constant 0 : index
      %swap3A_333 = vector.load %arg8[%swap3A_331, %swap3A_332] : memref<8192x256xf32, #tpu.memory_space<vmem>>, vector<256x256xf32>
      tpu.vector_store %arg8[%swap3A_331, %swap3A_332], %select_n3A {strides = array<i32>} : memref<8192x256xf32, #tpu.memory_space<vmem>>, vector<256x256xf32>,
      %reduce_min3A = arith.constant dense<0x7F800000> : vector<256xf32>
      %reduce_min3A_334 = vector.multi_reduction <minimumf>, %select_n3A, %reduce_min3A [0] : vector<256x256xf32> to vector<256xf32>
      %broadcast_in_dim3A_335 = vector.shape_cast %reduce_min3A_334 : vector<256xf32> to vector<1x256xf32>
      %le3A = vector.broadcast %broadcast_in_dim3A_335 : vector<1x256xf32> to vector<256x256xf32>
      %le3A_336 = arith.cmpf ole, %select_n3A, %le3A : vector<256x256xf32>
      %broadcast_in_dim3A_337 = vector.broadcast %while3A_265 : i32 to vector<256x256xi32>
      %select_n3A_338 = arith.select %le3A_336, %add3A_325, %broadcast_in_dim3A_337 : vector<256x256xi1>, vector<256x256xi32>
      %reduce_min3A_339 = arith.constant dense<2147483647> : vector<256xi32>
      %reduce_min3A_340 = vector.multi_reduction <minsi>, %select_n3A_338, %reduce_min3A_339 [0] : vector<256x256xi32> to vector<256xi32>
      %broadcast_in_dim3A_341 = vector.shape_cast %reduce_min3A_340 : vector<256xi32> to vector<1x256xi32>
      %lt3A = arith.cmpf olt, %broadcast_in_dim3A_335, %while3A_318 : vector<1x256xf32>
      %select_n3A_342 = arith.select %lt3A, %broadcast_in_dim3A_335, %while3A_318 : vector<1x256xi1>, vector<1x256xf32>
      %select_n3A_343 = arith.select %lt3A, %broadcast_in_dim3A_341, %while3A_319 : vector<1x256xi1>, vector<1x256xi32>
      scf.yield %select_n3A_342, %select_n3A_343 : vector<1x256xf32>, vector<1x256xi32>
    }
    %swap3A_276 = arith.constant 13 : index
    %swap3A_277 = arith.constant 0 : index
    %swap3A_278 = vector.load %arg7[%swap3A_276, %swap3A_277] : memref<16x256xi32, #tpu.memory_space<vmem>>, vector<1x256xi32>
    tpu.vector_store %arg7[%swap3A_276, %swap3A_277], %while3A_275#1 {strides = array<i32>} : memref<16x256xi32, #tpu.memory_space<vmem>>, vector<1x256xi32>,
    %broadcast_in_dim3A_279 = arith.constant 0x7F800000 : f32
    %broadcast_in_dim3A_280 = vector.broadcast %broadcast_in_dim3A_279 : f32 to vector<1x256xf32>
    %broadcast_in_dim3A_281 = arith.constant 1073741824 : i32
    %broadcast_in_dim3A_282 = vector.broadcast %broadcast_in_dim3A_281 : i32 to vector<1x256xi32>
    %while3A_283 = arith.constant 0x7F800000 : f32
    %while3A_284 = arith.constant 1073741824 : i32
    %while3A_285 = arith.subi %get3A_2, %get3A_0 : i32
    %while3A_286 = arith.addi %get3A_0, %while3A_285 : i32
    %while3A_287 = arith.constant 1 : i32
    %while3A_288 = arith.divsi %while3A_285, %while3A_287 : i32
    %while3A_289 = arith.muli %while3A_288, %while3A_287 : i32
    %while3A_290 = arith.addi %get3A_0, %while3A_289 : i32
    %while3A_291 = arith.constant 1 : i32
    %while3A_292:2 = scf.for %while3A_317 = %get3A_0 to %while3A_290 step %while3A_291 iter_args(%while3A_318 = %broadcast_in_dim3A_280, %while3A_319 = %broadcast_in_dim3A_282) -> (vector<1x256xf32>, vector<1x256xi32>)  : i32 {
      %mul3A_320 = arith.constant 256 : i32
      %mul3A_321 = arith.muli %while3A_317, %mul3A_320 : i32
      %iota3A = tpu.iota {dimensions = array<i32: 0>} : vector<256x256xi32>
      %mul3A_322 = arith.constant 256 : i32
      %mul3A_323 = arith.muli %while3A_317, %mul3A_322 : i32
      %add3A_324 = vector.broadcast %mul3A_323 : i32 to vector<256x256xi32>
      %add3A_325 = arith.addi %iota3A, %add3A_324 : vector<256x256xi32>
      %eq3A = vector.broadcast %while3A_275#1 : vector<1x256xi32> to vector<256x256xi32>
      %eq3A_326 = arith.cmpi eq, %add3A_325, %eq3A : vector<256x256xi32>
      %get3A_327 = arith.index_cast %mul3A_321 : i32 to index
      %get3A_328 = arith.constant 0 : index
      %get3A_329 = vector.load %arg8[%get3A_327, %get3A_328] : memref<8192x256xf32, #tpu.memory_space<vmem>>, vector<256x256xf32>
      %broadcast_in_dim3A_330 = vector.broadcast %while3A_283 : f32 to vector<256x256xf32>
      %select_n3A = arith.select %eq3A_326, %broadcast_in_dim3A_330, %get3A_329 : vector<256x256xi1>, vector<256x256xf32>
      %swap3A_331 = arith.index_cast %mul3A_321 : i32 to index
      %swap3A_332 = arith.constant 0 : index
      %swap3A_333 = vector.load %arg8[%swap3A_331, %swap3A_332] : memref<8192x256xf32, #tpu.memory_space<vmem>>, vector<256x256xf32>
      tpu.vector_store %arg8[%swap3A_331, %swap3A_332], %select_n3A {strides = array<i32>} : memref<8192x256xf32, #tpu.memory_space<vmem>>, vector<256x256xf32>,
      %reduce_min3A = arith.constant dense<0x7F800000> : vector<256xf32>
      %reduce_min3A_334 = vector.multi_reduction <minimumf>, %select_n3A, %reduce_min3A [0] : vector<256x256xf32> to vector<256xf32>
      %broadcast_in_dim3A_335 = vector.shape_cast %reduce_min3A_334 : vector<256xf32> to vector<1x256xf32>
      %le3A = vector.broadcast %broadcast_in_dim3A_335 : vector<1x256xf32> to vector<256x256xf32>
      %le3A_336 = arith.cmpf ole, %select_n3A, %le3A : vector<256x256xf32>
      %broadcast_in_dim3A_337 = vector.broadcast %while3A_284 : i32 to vector<256x256xi32>
      %select_n3A_338 = arith.select %le3A_336, %add3A_325, %broadcast_in_dim3A_337 : vector<256x256xi1>, vector<256x256xi32>
      %reduce_min3A_339 = arith.constant dense<2147483647> : vector<256xi32>
      %reduce_min3A_340 = vector.multi_reduction <minsi>, %select_n3A_338, %reduce_min3A_339 [0] : vector<256x256xi32> to vector<256xi32>
      %broadcast_in_dim3A_341 = vector.shape_cast %reduce_min3A_340 : vector<256xi32> to vector<1x256xi32>
      %lt3A = arith.cmpf olt, %broadcast_in_dim3A_335, %while3A_318 : vector<1x256xf32>
      %select_n3A_342 = arith.select %lt3A, %broadcast_in_dim3A_335, %while3A_318 : vector<1x256xi1>, vector<1x256xf32>
      %select_n3A_343 = arith.select %lt3A, %broadcast_in_dim3A_341, %while3A_319 : vector<1x256xi1>, vector<1x256xi32>
      scf.yield %select_n3A_342, %select_n3A_343 : vector<1x256xf32>, vector<1x256xi32>
    }
    %while3A_293 = arith.constant 1 : i32
    %while3A_294:2 = scf.for %while3A_317 = %while3A_290 to %while3A_286 step %while3A_293 iter_args(%while3A_318 = %while3A_292#0, %while3A_319 = %while3A_292#1) -> (vector<1x256xf32>, vector<1x256xi32>)  : i32 {
      %mul3A_320 = arith.constant 256 : i32
      %mul3A_321 = arith.muli %while3A_317, %mul3A_320 : i32
      %iota3A = tpu.iota {dimensions = array<i32: 0>} : vector<256x256xi32>
      %mul3A_322 = arith.constant 256 : i32
      %mul3A_323 = arith.muli %while3A_317, %mul3A_322 : i32
      %add3A_324 = vector.broadcast %mul3A_323 : i32 to vector<256x256xi32>
      %add3A_325 = arith.addi %iota3A, %add3A_324 : vector<256x256xi32>
      %eq3A = vector.broadcast %while3A_275#1 : vector<1x256xi32> to vector<256x256xi32>
      %eq3A_326 = arith.cmpi eq, %add3A_325, %eq3A : vector<256x256xi32>
      %get3A_327 = arith.index_cast %mul3A_321 : i32 to index
      %get3A_328 = arith.constant 0 : index
      %get3A_329 = vector.load %arg8[%get3A_327, %get3A_328] : memref<8192x256xf32, #tpu.memory_space<vmem>>, vector<256x256xf32>
      %broadcast_in_dim3A_330 = vector.broadcast %while3A_283 : f32 to vector<256x256xf32>
      %select_n3A = arith.select %eq3A_326, %broadcast_in_dim3A_330, %get3A_329 : vector<256x256xi1>, vector<256x256xf32>
      %swap3A_331 = arith.index_cast %mul3A_321 : i32 to index
      %swap3A_332 = arith.constant 0 : index
      %swap3A_333 = vector.load %arg8[%swap3A_331, %swap3A_332] : memref<8192x256xf32, #tpu.memory_space<vmem>>, vector<256x256xf32>
      tpu.vector_store %arg8[%swap3A_331, %swap3A_332], %select_n3A {strides = array<i32>} : memref<8192x256xf32, #tpu.memory_space<vmem>>, vector<256x256xf32>,
      %reduce_min3A = arith.constant dense<0x7F800000> : vector<256xf32>
      %reduce_min3A_334 = vector.multi_reduction <minimumf>, %select_n3A, %reduce_min3A [0] : vector<256x256xf32> to vector<256xf32>
      %broadcast_in_dim3A_335 = vector.shape_cast %reduce_min3A_334 : vector<256xf32> to vector<1x256xf32>
      %le3A = vector.broadcast %broadcast_in_dim3A_335 : vector<1x256xf32> to vector<256x256xf32>
      %le3A_336 = arith.cmpf ole, %select_n3A, %le3A : vector<256x256xf32>
      %broadcast_in_dim3A_337 = vector.broadcast %while3A_284 : i32 to vector<256x256xi32>
      %select_n3A_338 = arith.select %le3A_336, %add3A_325, %broadcast_in_dim3A_337 : vector<256x256xi1>, vector<256x256xi32>
      %reduce_min3A_339 = arith.constant dense<2147483647> : vector<256xi32>
      %reduce_min3A_340 = vector.multi_reduction <minsi>, %select_n3A_338, %reduce_min3A_339 [0] : vector<256x256xi32> to vector<256xi32>
      %broadcast_in_dim3A_341 = vector.shape_cast %reduce_min3A_340 : vector<256xi32> to vector<1x256xi32>
      %lt3A = arith.cmpf olt, %broadcast_in_dim3A_335, %while3A_318 : vector<1x256xf32>
      %select_n3A_342 = arith.select %lt3A, %broadcast_in_dim3A_335, %while3A_318 : vector<1x256xi1>, vector<1x256xf32>
      %select_n3A_343 = arith.select %lt3A, %broadcast_in_dim3A_341, %while3A_319 : vector<1x256xi1>, vector<1x256xi32>
      scf.yield %select_n3A_342, %select_n3A_343 : vector<1x256xf32>, vector<1x256xi32>
    }
    %swap3A_295 = arith.constant 14 : index
    %swap3A_296 = arith.constant 0 : index
    %swap3A_297 = vector.load %arg7[%swap3A_295, %swap3A_296] : memref<16x256xi32, #tpu.memory_space<vmem>>, vector<1x256xi32>
    tpu.vector_store %arg7[%swap3A_295, %swap3A_296], %while3A_294#1 {strides = array<i32>} : memref<16x256xi32, #tpu.memory_space<vmem>>, vector<1x256xi32>,
    %broadcast_in_dim3A_298 = arith.constant 0x7F800000 : f32
    %broadcast_in_dim3A_299 = vector.broadcast %broadcast_in_dim3A_298 : f32 to vector<1x256xf32>
    %broadcast_in_dim3A_300 = arith.constant 1073741824 : i32
    %broadcast_in_dim3A_301 = vector.broadcast %broadcast_in_dim3A_300 : i32 to vector<1x256xi32>
    %while3A_302 = arith.constant 0x7F800000 : f32
    %while3A_303 = arith.constant 1073741824 : i32
    %while3A_304 = arith.subi %get3A_2, %get3A_0 : i32
    %while3A_305 = arith.addi %get3A_0, %while3A_304 : i32
    %while3A_306 = arith.constant 1 : i32
    %while3A_307 = arith.divsi %while3A_304, %while3A_306 : i32
    %while3A_308 = arith.muli %while3A_307, %while3A_306 : i32
    %while3A_309 = arith.addi %get3A_0, %while3A_308 : i32
    %while3A_310 = arith.constant 1 : i32
    %while3A_311:2 = scf.for %while3A_317 = %get3A_0 to %while3A_309 step %while3A_310 iter_args(%while3A_318 = %broadcast_in_dim3A_299, %while3A_319 = %broadcast_in_dim3A_301) -> (vector<1x256xf32>, vector<1x256xi32>)  : i32 {
      %mul3A_320 = arith.constant 256 : i32
      %mul3A_321 = arith.muli %while3A_317, %mul3A_320 : i32
      %iota3A = tpu.iota {dimensions = array<i32: 0>} : vector<256x256xi32>
      %mul3A_322 = arith.constant 256 : i32
      %mul3A_323 = arith.muli %while3A_317, %mul3A_322 : i32
      %add3A_324 = vector.broadcast %mul3A_323 : i32 to vector<256x256xi32>
      %add3A_325 = arith.addi %iota3A, %add3A_324 : vector<256x256xi32>
      %eq3A = vector.broadcast %while3A_294#1 : vector<1x256xi32> to vector<256x256xi32>
      %eq3A_326 = arith.cmpi eq, %add3A_325, %eq3A : vector<256x256xi32>
      %get3A_327 = arith.index_cast %mul3A_321 : i32 to index
      %get3A_328 = arith.constant 0 : index
      %get3A_329 = vector.load %arg8[%get3A_327, %get3A_328] : memref<8192x256xf32, #tpu.memory_space<vmem>>, vector<256x256xf32>
      %broadcast_in_dim3A_330 = vector.broadcast %while3A_302 : f32 to vector<256x256xf32>
      %select_n3A = arith.select %eq3A_326, %broadcast_in_dim3A_330, %get3A_329 : vector<256x256xi1>, vector<256x256xf32>
      %reduce_min3A = arith.constant dense<0x7F800000> : vector<256xf32>
      %reduce_min3A_331 = vector.multi_reduction <minimumf>, %select_n3A, %reduce_min3A [0] : vector<256x256xf32> to vector<256xf32>
      %broadcast_in_dim3A_332 = vector.shape_cast %reduce_min3A_331 : vector<256xf32> to vector<1x256xf32>
      %le3A = vector.broadcast %broadcast_in_dim3A_332 : vector<1x256xf32> to vector<256x256xf32>
      %le3A_333 = arith.cmpf ole, %select_n3A, %le3A : vector<256x256xf32>
      %broadcast_in_dim3A_334 = vector.broadcast %while3A_303 : i32 to vector<256x256xi32>
      %select_n3A_335 = arith.select %le3A_333, %add3A_325, %broadcast_in_dim3A_334 : vector<256x256xi1>, vector<256x256xi32>
      %reduce_min3A_336 = arith.constant dense<2147483647> : vector<256xi32>
      %reduce_min3A_337 = vector.multi_reduction <minsi>, %select_n3A_335, %reduce_min3A_336 [0] : vector<256x256xi32> to vector<256xi32>
      %broadcast_in_dim3A_338 = vector.shape_cast %reduce_min3A_337 : vector<256xi32> to vector<1x256xi32>
      %lt3A = arith.cmpf olt, %broadcast_in_dim3A_332, %while3A_318 : vector<1x256xf32>
      %select_n3A_339 = arith.select %lt3A, %broadcast_in_dim3A_332, %while3A_318 : vector<1x256xi1>, vector<1x256xf32>
      %select_n3A_340 = arith.select %lt3A, %broadcast_in_dim3A_338, %while3A_319 : vector<1x256xi1>, vector<1x256xi32>
      scf.yield %select_n3A_339, %select_n3A_340 : vector<1x256xf32>, vector<1x256xi32>
    }
    %while3A_312 = arith.constant 1 : i32
    %while3A_313:2 = scf.for %while3A_317 = %while3A_309 to %while3A_305 step %while3A_312 iter_args(%while3A_318 = %while3A_311#0, %while3A_319 = %while3A_311#1) -> (vector<1x256xf32>, vector<1x256xi32>)  : i32 {
      %mul3A_320 = arith.constant 256 : i32
      %mul3A_321 = arith.muli %while3A_317, %mul3A_320 : i32
      %iota3A = tpu.iota {dimensions = array<i32: 0>} : vector<256x256xi32>
      %mul3A_322 = arith.constant 256 : i32
      %mul3A_323 = arith.muli %while3A_317, %mul3A_322 : i32
      %add3A_324 = vector.broadcast %mul3A_323 : i32 to vector<256x256xi32>
      %add3A_325 = arith.addi %iota3A, %add3A_324 : vector<256x256xi32>
      %eq3A = vector.broadcast %while3A_294#1 : vector<1x256xi32> to vector<256x256xi32>
      %eq3A_326 = arith.cmpi eq, %add3A_325, %eq3A : vector<256x256xi32>
      %get3A_327 = arith.index_cast %mul3A_321 : i32 to index
      %get3A_328 = arith.constant 0 : index
      %get3A_329 = vector.load %arg8[%get3A_327, %get3A_328] : memref<8192x256xf32, #tpu.memory_space<vmem>>, vector<256x256xf32>
      %broadcast_in_dim3A_330 = vector.broadcast %while3A_302 : f32 to vector<256x256xf32>
      %select_n3A = arith.select %eq3A_326, %broadcast_in_dim3A_330, %get3A_329 : vector<256x256xi1>, vector<256x256xf32>
      %reduce_min3A = arith.constant dense<0x7F800000> : vector<256xf32>
      %reduce_min3A_331 = vector.multi_reduction <minimumf>, %select_n3A, %reduce_min3A [0] : vector<256x256xf32> to vector<256xf32>
      %broadcast_in_dim3A_332 = vector.shape_cast %reduce_min3A_331 : vector<256xf32> to vector<1x256xf32>
      %le3A = vector.broadcast %broadcast_in_dim3A_332 : vector<1x256xf32> to vector<256x256xf32>
      %le3A_333 = arith.cmpf ole, %select_n3A, %le3A : vector<256x256xf32>
      %broadcast_in_dim3A_334 = vector.broadcast %while3A_303 : i32 to vector<256x256xi32>
      %select_n3A_335 = arith.select %le3A_333, %add3A_325, %broadcast_in_dim3A_334 : vector<256x256xi1>, vector<256x256xi32>
      %reduce_min3A_336 = arith.constant dense<2147483647> : vector<256xi32>
      %reduce_min3A_337 = vector.multi_reduction <minsi>, %select_n3A_335, %reduce_min3A_336 [0] : vector<256x256xi32> to vector<256xi32>
      %broadcast_in_dim3A_338 = vector.shape_cast %reduce_min3A_337 : vector<256xi32> to vector<1x256xi32>
      %lt3A = arith.cmpf olt, %broadcast_in_dim3A_332, %while3A_318 : vector<1x256xf32>
      %select_n3A_339 = arith.select %lt3A, %broadcast_in_dim3A_332, %while3A_318 : vector<1x256xi1>, vector<1x256xf32>
      %select_n3A_340 = arith.select %lt3A, %broadcast_in_dim3A_338, %while3A_319 : vector<1x256xi1>, vector<1x256xi32>
      scf.yield %select_n3A_339, %select_n3A_340 : vector<1x256xf32>, vector<1x256xi32>
    }
    %swap3A_314 = arith.constant 15 : index
    %swap3A_315 = arith.constant 0 : index
    %swap3A_316 = vector.load %arg7[%swap3A_314, %swap3A_315] : memref<16x256xi32, #tpu.memory_space<vmem>>, vector<1x256xi32>
    tpu.vector_store %arg7[%swap3A_314, %swap3A_315], %while3A_313#1 {strides = array<i32>} : memref<16x256xi32, #tpu.memory_space<vmem>>, vector<1x256xi32>,
    return
  }
  func.func @transform_0(%arg0: i32, %arg1: memref<32xi32, #tpu.memory_space<smem>>, %arg2: memref<32xi32, #tpu.memory_space<smem>>) -> (i32, i32) {
    %c0_i32 = arith.constant 0 : i32
    %c0_i32_0 = arith.constant 0 : i32
    return %c0_i32, %arg0 : i32, i32
  }
  func.func @transform_1(%arg0: i32, %arg1: memref<32xi32, #tpu.memory_space<smem>>, %arg2: memref<32xi32, #tpu.memory_space<smem>>) -> (i32, i32) {
    %c0_i32 = arith.constant 0 : i32
    %c0_i32_0 = arith.constant 0 : i32
    return %c0_i32, %arg0 : i32, i32
  }
  func.func @transform_2(%arg0: i32, %arg1: memref<32xi32, #tpu.memory_space<smem>>, %arg2: memref<32xi32, #tpu.memory_space<smem>>) -> (i32, i32) {
    %c0_i32 = arith.constant 0 : i32
    %c0_i32_0 = arith.constant 0 : i32
    %c0_i32_1 = arith.constant 0 : i32
    return %c0_i32, %c0_i32_0 : i32, i32
  }
  func.func @transform_3(%arg0: i32, %arg1: memref<32xi32, #tpu.memory_space<smem>>, %arg2: memref<32xi32, #tpu.memory_space<smem>>) -> (i32, i32) {
    %c0_i32 = arith.constant 0 : i32
    %c0_i32_0 = arith.constant 0 : i32
    %c0_i32_1 = arith.constant 0 : i32
    return %c0_i32, %c0_i32_0 : i32, i32
  }
  func.func @transform_4(%arg0: i32, %arg1: memref<32xi32, #tpu.memory_space<smem>>, %arg2: memref<32xi32, #tpu.memory_space<smem>>) -> (i32, i32) {
    %c0_i32 = arith.constant 0 : i32
    %c0_i32_0 = arith.constant 0 : i32
    return %c0_i32, %arg0 : i32, i32
  }
}

module attributes {stable_mosaic.version = 14 : i64} {
  func.func @_proj_body(%arg0: i32, %arg1: memref<256x256xf32, #tpu.memory_space<vmem>>, %arg2: memref<256x256xf32, #tpu.memory_space<vmem>>, %arg3: memref<256x256xf32, #tpu.memory_space<vmem>>, %arg4: memref<1x256xf32, #tpu.memory_space<vmem>>, %arg5: memref<256x256xf32, #tpu.memory_space<vmem>>, %arg6: memref<1x256xf32, #tpu.memory_space<vmem>>, %arg7: memref<256x256xf32, #tpu.memory_space<vmem>>, %arg8: memref<1x256xf32, #tpu.memory_space<vmem>>, %arg9: memref<256x256xf32, #tpu.memory_space<vmem>>, %arg10: memref<256x256xf32, #tpu.memory_space<vmem>>) attributes {dimension_semantics = [#tpu.dimension_semantics<arbitrary>], iteration_bounds = array<i64: 32>, scalar_prefetch = 0 : i64, scratch_operands = 0 : i64, tpu.core_type = #tpu.core_type<tc>, window_params = [{transform_indices = @transform_0, window_bounds = array<i64: 256, 256>}, {transform_indices = @transform_1, window_bounds = array<i64: 256, 256>}, {pipeline_mode = #tpu.pipeline_mode<synchronous>, transform_indices = @transform_2, window_bounds = array<i64: 256, 256>}, {pipeline_mode = #tpu.pipeline_mode<synchronous>, transform_indices = @transform_3, window_bounds = array<i64: 1, 256>}, {pipeline_mode = #tpu.pipeline_mode<synchronous>, transform_indices = @transform_4, window_bounds = array<i64: 256, 256>}, {pipeline_mode = #tpu.pipeline_mode<synchronous>, transform_indices = @transform_5, window_bounds = array<i64: 1, 256>}, {pipeline_mode = #tpu.pipeline_mode<synchronous>, transform_indices = @transform_6, window_bounds = array<i64: 256, 256>}, {pipeline_mode = #tpu.pipeline_mode<synchronous>, transform_indices = @transform_7, window_bounds = array<i64: 1, 256>}, {transform_indices = @transform_8, window_bounds = array<i64: 256, 256>}, {transform_indices = @transform_9, window_bounds = array<i64: 256, 256>}]} {
    %get3A = arith.constant 0 : index
    %get3A_0 = arith.constant 0 : index
    %get3A_1 = vector.load %arg1[%get3A, %get3A_0] : memref<256x256xf32, #tpu.memory_space<vmem>>, vector<256x256xf32>
    %convert_element_type3A = arith.truncf %get3A_1 : vector<256x256xf32> to vector<256x256xbf16>
    %get3A_2 = arith.constant 0 : index
    %get3A_3 = arith.constant 0 : index
    %get3A_4 = vector.load %arg2[%get3A_2, %get3A_3] : memref<256x256xf32, #tpu.memory_space<vmem>>, vector<256x256xf32>
    %convert_element_type3A_5 = arith.truncf %get3A_4 : vector<256x256xf32> to vector<256x256xbf16>
    %get3A_6 = arith.constant 0 : index
    %get3A_7 = arith.constant 0 : index
    %get3A_8 = vector.load %arg3[%get3A_6, %get3A_7] : memref<256x256xf32, #tpu.memory_space<vmem>>, vector<256x256xf32>
    %convert_element_type3A_9 = arith.truncf %get3A_8 : vector<256x256xf32> to vector<256x256xbf16>
    %dot_general3A = arith.constant dense<0.000000e+00> : vector<256x256xf32>
    %dot_general3A_10 = tpu.matmul %convert_element_type3A, %convert_element_type3A_9, %dot_general3A {dimension_numbers = #tpu.dot_dimension_numbers<[1], [0], [0], [1], [0, 0, 1, 1], [], []>, transpose_lhs_hint = false} : vector<256x256xbf16>, vector<256x256xbf16>, vector<256x256xf32> -> vector<256x256xf32>
    %get3A_11 = arith.constant 0 : index
    %get3A_12 = arith.constant 0 : index
    %get3A_13 = vector.load %arg4[%get3A_11, %get3A_12] : memref<1x256xf32, #tpu.memory_space<vmem>>, vector<1x256xf32>
    %add3A = vector.broadcast %get3A_13 : vector<1x256xf32> to vector<256x256xf32>
    %add3A_14 = arith.addf %dot_general3A_10, %add3A : vector<256x256xf32>
    %swap3A = arith.constant 0 : index
    %swap3A_15 = arith.constant 0 : index
    %swap3A_16 = vector.load %arg9[%swap3A, %swap3A_15] : memref<256x256xf32, #tpu.memory_space<vmem>>, vector<256x256xf32>
    tpu.vector_store %arg9[%swap3A, %swap3A_15], %add3A_14 {strides = array<i32>} : memref<256x256xf32, #tpu.memory_space<vmem>>, vector<256x256xf32>,
    %get3A_17 = arith.constant 0 : index
    %get3A_18 = arith.constant 0 : index
    %get3A_19 = vector.load %arg5[%get3A_17, %get3A_18] : memref<256x256xf32, #tpu.memory_space<vmem>>, vector<256x256xf32>
    %convert_element_type3A_20 = arith.truncf %get3A_19 : vector<256x256xf32> to vector<256x256xbf16>
    %dot_general3A_21 = arith.constant dense<0.000000e+00> : vector<256x256xf32>
    %dot_general3A_22 = tpu.matmul %convert_element_type3A_5, %convert_element_type3A_20, %dot_general3A_21 {dimension_numbers = #tpu.dot_dimension_numbers<[1], [0], [0], [1], [0, 0, 1, 1], [], []>, transpose_lhs_hint = false} : vector<256x256xbf16>, vector<256x256xbf16>, vector<256x256xf32> -> vector<256x256xf32>
    %get3A_23 = arith.constant 0 : index
    %get3A_24 = arith.constant 0 : index
    %get3A_25 = vector.load %arg6[%get3A_23, %get3A_24] : memref<1x256xf32, #tpu.memory_space<vmem>>, vector<1x256xf32>
    %add3A_26 = vector.broadcast %get3A_25 : vector<1x256xf32> to vector<256x256xf32>
    %add3A_27 = arith.addf %dot_general3A_22, %add3A_26 : vector<256x256xf32>
    %get3A_28 = arith.constant 0 : index
    %get3A_29 = arith.constant 0 : index
    %get3A_30 = vector.load %arg7[%get3A_28, %get3A_29] : memref<256x256xf32, #tpu.memory_space<vmem>>, vector<256x256xf32>
    %convert_element_type3A_31 = arith.truncf %get3A_30 : vector<256x256xf32> to vector<256x256xbf16>
    %dot_general3A_32 = arith.constant dense<0.000000e+00> : vector<256x256xf32>
    %dot_general3A_33 = tpu.matmul %convert_element_type3A_5, %convert_element_type3A_31, %dot_general3A_32 {dimension_numbers = #tpu.dot_dimension_numbers<[1], [0], [0], [1], [0, 0, 1, 1], [], []>, transpose_lhs_hint = false} : vector<256x256xbf16>, vector<256x256xbf16>, vector<256x256xf32> -> vector<256x256xf32>
    %get3A_34 = arith.constant 0 : index
    %get3A_35 = arith.constant 0 : index
    %get3A_36 = vector.load %arg8[%get3A_34, %get3A_35] : memref<1x256xf32, #tpu.memory_space<vmem>>, vector<1x256xf32>
    %add3A_37 = vector.broadcast %get3A_36 : vector<1x256xf32> to vector<256x256xf32>
    %add3A_38 = arith.addf %dot_general3A_33, %add3A_37 : vector<256x256xf32>
    %bitcast_convert_type3A = tpu.bitcast %add3A_27 : vector<256x256xf32> -> vector<256x256xi32>
    %shift_right_logical3A = arith.constant 16 : i32
    %shift_right_logical3A_39 = vector.broadcast %shift_right_logical3A : i32 to vector<256x256xi32>
    %shift_right_logical3A_40 = arith.shrui %bitcast_convert_type3A, %shift_right_logical3A_39 : vector<256x256xi32>
    %and3A = arith.constant 1 : i32
    %and3A_41 = vector.broadcast %and3A : i32 to vector<256x256xi32>
    %and3A_42 = arith.andi %shift_right_logical3A_40, %and3A_41 : vector<256x256xi32>
    %add3A_43 = arith.constant 32767 : i32
    %add3A_44 = vector.broadcast %add3A_43 : i32 to vector<256x256xi32>
    %add3A_45 = arith.addi %add3A_44, %and3A_42 : vector<256x256xi32>
    %add3A_46 = arith.addi %bitcast_convert_type3A, %add3A_45 : vector<256x256xi32>
    %and3A_47 = arith.constant -65536 : i32
    %and3A_48 = vector.broadcast %and3A_47 : i32 to vector<256x256xi32>
    %and3A_49 = arith.andi %add3A_46, %and3A_48 : vector<256x256xi32>
    %bitcast_convert_type3A_50 = tpu.bitcast %add3A_38 : vector<256x256xf32> -> vector<256x256xi32>
    %shift_right_logical3A_51 = arith.constant 16 : i32
    %shift_right_logical3A_52 = vector.broadcast %shift_right_logical3A_51 : i32 to vector<256x256xi32>
    %shift_right_logical3A_53 = arith.shrui %bitcast_convert_type3A_50, %shift_right_logical3A_52 : vector<256x256xi32>
    %and3A_54 = arith.constant 1 : i32
    %and3A_55 = vector.broadcast %and3A_54 : i32 to vector<256x256xi32>
    %and3A_56 = arith.andi %shift_right_logical3A_53, %and3A_55 : vector<256x256xi32>
    %add3A_57 = arith.constant 32767 : i32
    %add3A_58 = vector.broadcast %add3A_57 : i32 to vector<256x256xi32>
    %add3A_59 = arith.addi %add3A_58, %and3A_56 : vector<256x256xi32>
    %add3A_60 = arith.addi %bitcast_convert_type3A_50, %add3A_59 : vector<256x256xi32>
    %and3A_61 = arith.constant -65536 : i32
    %and3A_62 = vector.broadcast %and3A_61 : i32 to vector<256x256xi32>
    %and3A_63 = arith.andi %add3A_60, %and3A_62 : vector<256x256xi32>
    %shift_right_logical3A_64 = arith.constant 16 : i32
    %shift_right_logical3A_65 = vector.broadcast %shift_right_logical3A_64 : i32 to vector<256x256xi32>
    %shift_right_logical3A_66 = arith.shrui %and3A_63, %shift_right_logical3A_65 : vector<256x256xi32>
    %or3A = arith.ori %and3A_49, %shift_right_logical3A_66 : vector<256x256xi32>
    %bitcast_convert_type3A_67 = tpu.bitcast %or3A : vector<256x256xi32> -> vector<256x256xf32>
    %swap3A_68 = arith.constant 0 : index
    %swap3A_69 = arith.constant 0 : index
    %swap3A_70 = vector.load %arg10[%swap3A_68, %swap3A_69] : memref<256x256xf32, #tpu.memory_space<vmem>>, vector<256x256xf32>
    tpu.vector_store %arg10[%swap3A_68, %swap3A_69], %bitcast_convert_type3A_67 {strides = array<i32>} : memref<256x256xf32, #tpu.memory_space<vmem>>, vector<256x256xf32>,
    return
  }
  func.func @transform_0(%arg0: i32) -> (i32, i32) {
    %c0_i32 = arith.constant 0 : i32
    %c0_i32_0 = arith.constant 0 : i32
    return %arg0, %c0_i32 : i32, i32
  }
  func.func @transform_1(%arg0: i32) -> (i32, i32) {
    %c0_i32 = arith.constant 0 : i32
    %c0_i32_0 = arith.constant 0 : i32
    return %arg0, %c0_i32 : i32, i32
  }
  func.func @transform_2(%arg0: i32) -> (i32, i32) {
    %c0_i32 = arith.constant 0 : i32
    %c0_i32_0 = arith.constant 0 : i32
    %c0_i32_1 = arith.constant 0 : i32
    return %c0_i32, %c0_i32_0 : i32, i32
  }
  func.func @transform_3(%arg0: i32) -> (i32, i32) {
    %c0_i32 = arith.constant 0 : i32
    %c0_i32_0 = arith.constant 0 : i32
    %c0_i32_1 = arith.constant 0 : i32
    return %c0_i32, %c0_i32_0 : i32, i32
  }
  func.func @transform_4(%arg0: i32) -> (i32, i32) {
    %c0_i32 = arith.constant 0 : i32
    %c0_i32_0 = arith.constant 0 : i32
    %c0_i32_1 = arith.constant 0 : i32
    return %c0_i32, %c0_i32_0 : i32, i32
  }
  func.func @transform_5(%arg0: i32) -> (i32, i32) {
    %c0_i32 = arith.constant 0 : i32
    %c0_i32_0 = arith.constant 0 : i32
    %c0_i32_1 = arith.constant 0 : i32
    return %c0_i32, %c0_i32_0 : i32, i32
  }
  func.func @transform_6(%arg0: i32) -> (i32, i32) {
    %c0_i32 = arith.constant 0 : i32
    %c0_i32_0 = arith.constant 0 : i32
    %c0_i32_1 = arith.constant 0 : i32
    return %c0_i32, %c0_i32_0 : i32, i32
  }
  func.func @transform_7(%arg0: i32) -> (i32, i32) {
    %c0_i32 = arith.constant 0 : i32
    %c0_i32_0 = arith.constant 0 : i32
    %c0_i32_1 = arith.constant 0 : i32
    return %c0_i32, %c0_i32_0 : i32, i32
  }
  func.func @transform_8(%arg0: i32) -> (i32, i32) {
    %c0_i32 = arith.constant 0 : i32
    %c0_i32_0 = arith.constant 0 : i32
    return %arg0, %c0_i32 : i32, i32
  }
  func.func @transform_9(%arg0: i32) -> (i32, i32) {
    %c0_i32 = arith.constant 0 : i32
    %c0_i32_0 = arith.constant 0 : i32
    return %arg0, %c0_i32 : i32, i32
  }
}

module attributes {stable_mosaic.version = 14 : i64} {
  func.func @_pe1stat_body(%arg0: i32, %arg1: memref<2048x128xf32, #tpu.memory_space<vmem>>, %arg2: memref<128x8xf32, #tpu.memory_space<vmem>>, %arg3: memref<8x64xf32, #tpu.memory_space<vmem>>, %arg4: memref<1x64xf32, #tpu.memory_space<vmem>>, %arg5: memref<1x1x128xf32, #tpu.memory_space<vmem>>) attributes {dimension_semantics = [#tpu.dimension_semantics<arbitrary>], iteration_bounds = array<i64: 64>, scalar_prefetch = 0 : i64, scratch_operands = 0 : i64, tpu.core_type = #tpu.core_type<tc>, window_params = [{transform_indices = @transform_0, window_bounds = array<i64: 2048, 128>}, {transform_indices = @transform_1, window_bounds = array<i64: 128, 8>}, {pipeline_mode = #tpu.pipeline_mode<synchronous>, transform_indices = @transform_2, window_bounds = array<i64: 8, 64>}, {pipeline_mode = #tpu.pipeline_mode<synchronous>, transform_indices = @transform_3, window_bounds = array<i64: 1, 64>}, {transform_indices = @transform_4, window_bounds = array<i64: 1, 1, 128>}]} {
    %iota3A = tpu.iota {dimensions = array<i32: 0>} : vector<2048x128xi32>
    %jit3A = arith.constant 16 : i32
    %div3A = vector.broadcast %jit3A : i32 to vector<2048x128xi32>
    %div3A_0 = arith.divsi %iota3A, %div3A : vector<2048x128xi32>
    %sign3A = arith.constant 0 : i32
    %sign3A_1 = vector.broadcast %sign3A : i32 to vector<2048x128xi32>
    %sign3A_2 = arith.cmpi sgt, %iota3A, %sign3A_1 : vector<2048x128xi32>
    %sign3A_3 = arith.extui %sign3A_2 : vector<2048x128xi1> to vector<2048x128xi32>
    %sign3A_4 = arith.constant 0 : i32
    %sign3A_5 = vector.broadcast %sign3A_4 : i32 to vector<2048x128xi32>
    %sign3A_6 = arith.cmpi slt, %iota3A, %sign3A_5 : vector<2048x128xi32>
    %sign3A_7 = arith.extui %sign3A_6 : vector<2048x128xi1> to vector<2048x128xi32>
    %sign3A_8 = arith.subi %sign3A_3, %sign3A_7 : vector<2048x128xi32>
    %sign3A_9 = arith.constant 0 : i32
    %sign3A_10 = arith.cmpi sgt, %jit3A, %sign3A_9 : i32
    %sign3A_11 = arith.extui %sign3A_10 : i1 to i32
    %sign3A_12 = arith.constant 0 : i32
    %sign3A_13 = arith.cmpi slt, %jit3A, %sign3A_12 : i32
    %sign3A_14 = arith.extui %sign3A_13 : i1 to i32
    %sign3A_15 = arith.subi %sign3A_11, %sign3A_14 : i32
    %ne3A = vector.broadcast %sign3A_15 : i32 to vector<2048x128xi32>
    %ne3A_16 = arith.cmpi ne, %sign3A_8, %ne3A : vector<2048x128xi32>
    %rem3A = vector.broadcast %jit3A : i32 to vector<2048x128xi32>
    %rem3A_17 = arith.remsi %iota3A, %rem3A : vector<2048x128xi32>
    %ne3A_18 = arith.constant 0 : i32
    %ne3A_19 = vector.broadcast %ne3A_18 : i32 to vector<2048x128xi32>
    %ne3A_20 = arith.cmpi ne, %rem3A_17, %ne3A_19 : vector<2048x128xi32>
    %and3A = arith.andi %ne3A_16, %ne3A_20 : vector<2048x128xi1>
    %sub3A = arith.constant 1 : i32
    %sub3A_21 = vector.broadcast %sub3A : i32 to vector<2048x128xi32>
    %sub3A_22 = arith.subi %div3A_0, %sub3A_21 : vector<2048x128xi32>
    %select_n3A = arith.select %and3A, %sub3A_22, %div3A_0 : vector<2048x128xi1>, vector<2048x128xi32>
    %iota3A_23 = tpu.iota {dimensions = array<i32: 1>} : vector<2048x128xi32>
    %eq3A = arith.cmpi eq, %select_n3A, %iota3A_23 : vector<2048x128xi32>
    %convert_element_type3A = arith.extui %eq3A : vector<2048x128xi1> to vector<2048x128xi32>
    %convert_element_type3A_24 = arith.sitofp %convert_element_type3A : vector<2048x128xi32> to vector<2048x128xf32>
    %get3A = arith.constant 0 : index
    %get3A_25 = arith.constant 0 : index
    %get3A_26 = vector.load %arg1[%get3A, %get3A_25] : memref<2048x128xf32, #tpu.memory_space<vmem>>, vector<2048x8xf32>
    %get3A_27 = arith.constant 0 : index
    %get3A_28 = arith.constant 0 : index
    %get3A_29 = vector.load %arg2[%get3A_27, %get3A_28] : memref<128x8xf32, #tpu.memory_space<vmem>>, vector<128x8xf32>
    %dot_general3A = arith.constant dense<0.000000e+00> : vector<2048x8xf32>
    %dot_general3A_30 = tpu.matmul %convert_element_type3A_24, %get3A_29, %dot_general3A {dimension_numbers = #tpu.dot_dimension_numbers<[1], [0], [0], [1], [0, 0, 1, 1], [], []>, transpose_lhs_hint = false} : vector<2048x128xf32>, vector<128x8xf32>, vector<2048x8xf32> -> vector<2048x8xf32>
    %sub3A_31 = arith.subf %get3A_26, %dot_general3A_30 : vector<2048x8xf32>
    %get3A_32 = arith.constant 0 : index
    %get3A_33 = arith.constant 0 : index
    %get3A_34 = vector.load %arg3[%get3A_32, %get3A_33] : memref<8x64xf32, #tpu.memory_space<vmem>>, vector<8x64xf32>
    %dot_general3A_35 = arith.constant dense<0.000000e+00> : vector<2048x64xf32>
    %dot_general3A_36 = tpu.matmul %sub3A_31, %get3A_34, %dot_general3A_35 {dimension_numbers = #tpu.dot_dimension_numbers<[1], [0], [0], [1], [0, 0, 1, 1], [], []>, transpose_lhs_hint = false} : vector<2048x8xf32>, vector<8x64xf32>, vector<2048x64xf32> -> vector<2048x64xf32>
    %get3A_37 = arith.constant 0 : index
    %get3A_38 = arith.constant 0 : index
    %get3A_39 = vector.load %arg4[%get3A_37, %get3A_38] : memref<1x64xf32, #tpu.memory_space<vmem>>, vector<1x64xf32>
    %add3A = vector.broadcast %get3A_39 : vector<1x64xf32> to vector<2048x64xf32>
    %add3A_40 = arith.addf %dot_general3A_36, %add3A : vector<2048x64xf32>
    %reduce_sum3A = arith.constant dense<0.000000e+00> : vector<64xf32>
    %reduce_sum3A_41 = vector.multi_reduction <add>, %add3A_40, %reduce_sum3A [0] : vector<2048x64xf32> to vector<64xf32>
    %broadcast_in_dim3A = vector.shape_cast %reduce_sum3A_41 : vector<64xf32> to vector<1x64xf32>
    %reshape3A = vector.shape_cast %broadcast_in_dim3A : vector<1x64xf32> to vector<1x1x64xf32>
    %swap3A = arith.constant 0 : index
    %swap3A_42 = arith.constant 0 : index
    %swap3A_43 = arith.constant 0 : index
    %swap3A_44 = vector.load %arg5[%swap3A, %swap3A_42, %swap3A_43] : memref<1x1x128xf32, #tpu.memory_space<vmem>>, vector<1x1x64xf32>
    tpu.vector_store %arg5[%swap3A, %swap3A_42, %swap3A_43], %reshape3A {strides = array<i32>} : memref<1x1x128xf32, #tpu.memory_space<vmem>>, vector<1x1x64xf32>,
    %mul3A = arith.mulf %add3A_40, %add3A_40 : vector<2048x64xf32>
    %reduce_sum3A_45 = arith.constant dense<0.000000e+00> : vector<64xf32>
    %reduce_sum3A_46 = vector.multi_reduction <add>, %mul3A, %reduce_sum3A_45 [0] : vector<2048x64xf32> to vector<64xf32>
    %broadcast_in_dim3A_47 = vector.shape_cast %reduce_sum3A_46 : vector<64xf32> to vector<1x64xf32>
    %reshape3A_48 = vector.shape_cast %broadcast_in_dim3A_47 : vector<1x64xf32> to vector<1x1x64xf32>
    %swap3A_49 = arith.constant 0 : index
    %swap3A_50 = arith.constant 0 : index
    %swap3A_51 = arith.constant 64 : index
    %swap3A_52 = vector.load %arg5[%swap3A_49, %swap3A_50, %swap3A_51] : memref<1x1x128xf32, #tpu.memory_space<vmem>>, vector<1x1x64xf32>
    tpu.vector_store %arg5[%swap3A_49, %swap3A_50, %swap3A_51], %reshape3A_48 {strides = array<i32>} : memref<1x1x128xf32, #tpu.memory_space<vmem>>, vector<1x1x64xf32>,
    return
  }
  func.func @transform_0(%arg0: i32) -> (i32, i32) {
    %c2_i32 = arith.constant 2 : i32
    %c0_i32 = arith.constant 0 : i32
    return %arg0, %c2_i32 : i32, i32
  }
  func.func @transform_1(%arg0: i32) -> (i32, i32) {
    %c0_i32 = arith.constant 0 : i32
    %c0_i32_0 = arith.constant 0 : i32
    return %arg0, %c0_i32 : i32, i32
  }
  func.func @transform_2(%arg0: i32) -> (i32, i32) {
    %c0_i32 = arith.constant 0 : i32
    %c0_i32_0 = arith.constant 0 : i32
    %c0_i32_1 = arith.constant 0 : i32
    return %c0_i32, %c0_i32_0 : i32, i32
  }
  func.func @transform_3(%arg0: i32) -> (i32, i32) {
    %c0_i32 = arith.constant 0 : i32
    %c0_i32_0 = arith.constant 0 : i32
    %c0_i32_1 = arith.constant 0 : i32
    return %c0_i32, %c0_i32_0 : i32, i32
  }
  func.func @transform_4(%arg0: i32) -> (i32, i32, i32) {
    %c0_i32 = arith.constant 0 : i32
    %c0_i32_0 = arith.constant 0 : i32
    %c0_i32_1 = arith.constant 0 : i32
    return %arg0, %c0_i32, %c0_i32_0 : i32, i32, i32
  }
}

module attributes {stable_mosaic.version = 14 : i64} {
  func.func @_passB_body(%arg0: i32, %arg1: memref<512x128xf32, #tpu.memory_space<vmem>>, %arg2: memref<512x256xf32, #tpu.memory_space<vmem>>, %arg3: memref<32x256xf32, #tpu.memory_space<vmem>>, %arg4: memref<32x8xf32, #tpu.memory_space<vmem>>, %arg5: memref<8x64xf32, #tpu.memory_space<vmem>>, %arg6: memref<1x64xf32, #tpu.memory_space<vmem>>, %arg7: memref<1x64xf32, #tpu.memory_space<vmem>>, %arg8: memref<1x64xf32, #tpu.memory_space<vmem>>, %arg9: memref<64x256xf32, #tpu.memory_space<vmem>>, %arg10: memref<1x256xf32, #tpu.memory_space<vmem>>, %arg11: memref<512x256xbf16, #tpu.memory_space<vmem>>, %arg12: memref<512x256xbf16, #tpu.memory_space<vmem>>, %arg13: memref<1x1x512xf32, #tpu.memory_space<vmem>>) attributes {dimension_semantics = [#tpu.dimension_semantics<arbitrary>], iteration_bounds = array<i64: 256>, scalar_prefetch = 0 : i64, scratch_operands = 0 : i64, tpu.core_type = #tpu.core_type<tc>, window_params = [{transform_indices = @transform_0, window_bounds = array<i64: 512, 128>}, {transform_indices = @transform_1, window_bounds = array<i64: 512, 256>}, {transform_indices = @transform_2, window_bounds = array<i64: 32, 256>}, {transform_indices = @transform_3, window_bounds = array<i64: 32, 8>}, {pipeline_mode = #tpu.pipeline_mode<synchronous>, transform_indices = @transform_4, window_bounds = array<i64: 8, 64>}, {pipeline_mode = #tpu.pipeline_mode<synchronous>, transform_indices = @transform_5, window_bounds = array<i64: 1, 64>}, {pipeline_mode = #tpu.pipeline_mode<synchronous>, transform_indices = @transform_6, window_bounds = array<i64: 1, 64>}, {pipeline_mode = #tpu.pipeline_mode<synchronous>, transform_indices = @transform_7, window_bounds = array<i64: 1, 64>}, {pipeline_mode = #tpu.pipeline_mode<synchronous>, transform_indices = @transform_8, window_bounds = array<i64: 64, 256>}, {pipeline_mode = #tpu.pipeline_mode<synchronous>, transform_indices = @transform_9, window_bounds = array<i64: 1, 256>}, {transform_indices = @transform_10, window_bounds = array<i64: 512, 256>}, {transform_indices = @transform_11, window_bounds = array<i64: 512, 256>}, {transform_indices = @transform_12, window_bounds = array<i64: 1, 1, 512>}]} {
    %get3A = arith.constant 0 : index
    %get3A_0 = arith.constant 0 : index
    %get3A_1 = vector.load %arg2[%get3A, %get3A_0] : memref<512x256xf32, #tpu.memory_space<vmem>>, vector<512x256xf32>
    %bitcast_convert_type3A = tpu.bitcast %get3A_1 : vector<512x256xf32> -> vector<512x256xi32>
    %and3A = arith.constant -65536 : i32
    %and3A_2 = vector.broadcast %and3A : i32 to vector<512x256xi32>
    %and3A_3 = arith.andi %bitcast_convert_type3A, %and3A_2 : vector<512x256xi32>
    %bitcast_convert_type3A_4 = tpu.bitcast %and3A_3 : vector<512x256xi32> -> vector<512x256xf32>
    %shift_left3A = arith.constant 16 : i32
    %shift_left3A_5 = vector.broadcast %shift_left3A : i32 to vector<512x256xi32>
    %shift_left3A_6 = arith.shli %bitcast_convert_type3A, %shift_left3A_5 : vector<512x256xi32>
    %bitcast_convert_type3A_7 = tpu.bitcast %shift_left3A_6 : vector<512x256xi32> -> vector<512x256xf32>
    %iota3A = tpu.iota {dimensions = array<i32: 0>} : vector<512x32xi32>
    %jit3A = arith.constant 16 : i32
    %div3A = vector.broadcast %jit3A : i32 to vector<512x32xi32>
    %div3A_8 = arith.divsi %iota3A, %div3A : vector<512x32xi32>
    %sign3A = arith.constant 0 : i32
    %sign3A_9 = vector.broadcast %sign3A : i32 to vector<512x32xi32>
    %sign3A_10 = arith.cmpi sgt, %iota3A, %sign3A_9 : vector<512x32xi32>
    %sign3A_11 = arith.extui %sign3A_10 : vector<512x32xi1> to vector<512x32xi32>
    %sign3A_12 = arith.constant 0 : i32
    %sign3A_13 = vector.broadcast %sign3A_12 : i32 to vector<512x32xi32>
    %sign3A_14 = arith.cmpi slt, %iota3A, %sign3A_13 : vector<512x32xi32>
    %sign3A_15 = arith.extui %sign3A_14 : vector<512x32xi1> to vector<512x32xi32>
    %sign3A_16 = arith.subi %sign3A_11, %sign3A_15 : vector<512x32xi32>
    %sign3A_17 = arith.constant 0 : i32
    %sign3A_18 = arith.cmpi sgt, %jit3A, %sign3A_17 : i32
    %sign3A_19 = arith.extui %sign3A_18 : i1 to i32
    %sign3A_20 = arith.constant 0 : i32
    %sign3A_21 = arith.cmpi slt, %jit3A, %sign3A_20 : i32
    %sign3A_22 = arith.extui %sign3A_21 : i1 to i32
    %sign3A_23 = arith.subi %sign3A_19, %sign3A_22 : i32
    %ne3A = vector.broadcast %sign3A_23 : i32 to vector<512x32xi32>
    %ne3A_24 = arith.cmpi ne, %sign3A_16, %ne3A : vector<512x32xi32>
    %rem3A = vector.broadcast %jit3A : i32 to vector<512x32xi32>
    %rem3A_25 = arith.remsi %iota3A, %rem3A : vector<512x32xi32>
    %ne3A_26 = arith.constant 0 : i32
    %ne3A_27 = vector.broadcast %ne3A_26 : i32 to vector<512x32xi32>
    %ne3A_28 = arith.cmpi ne, %rem3A_25, %ne3A_27 : vector<512x32xi32>
    %and3A_29 = arith.andi %ne3A_24, %ne3A_28 : vector<512x32xi1>
    %sub3A = arith.constant 1 : i32
    %sub3A_30 = vector.broadcast %sub3A : i32 to vector<512x32xi32>
    %sub3A_31 = arith.subi %div3A_8, %sub3A_30 : vector<512x32xi32>
    %select_n3A = arith.select %and3A_29, %sub3A_31, %div3A_8 : vector<512x32xi1>, vector<512x32xi32>
    %iota3A_32 = tpu.iota {dimensions = array<i32: 1>} : vector<512x32xi32>
    %eq3A = arith.cmpi eq, %select_n3A, %iota3A_32 : vector<512x32xi32>
    %convert_element_type3A = arith.extui %eq3A : vector<512x32xi1> to vector<512x32xi32>
    %convert_element_type3A_33 = arith.sitofp %convert_element_type3A : vector<512x32xi32> to vector<512x32xf32>
    %get3A_34 = arith.constant 0 : index
    %get3A_35 = arith.constant 0 : index
    %get3A_36 = vector.load %arg1[%get3A_34, %get3A_35] : memref<512x128xf32, #tpu.memory_space<vmem>>, vector<512x8xf32>
    %get3A_37 = arith.constant 0 : index
    %get3A_38 = arith.constant 0 : index
    %get3A_39 = vector.load %arg4[%get3A_37, %get3A_38] : memref<32x8xf32, #tpu.memory_space<vmem>>, vector<32x8xf32>
    %dot_general3A = arith.constant dense<0.000000e+00> : vector<512x8xf32>
    %dot_general3A_40 = tpu.matmul %convert_element_type3A_33, %get3A_39, %dot_general3A {dimension_numbers = #tpu.dot_dimension_numbers<[1], [0], [0], [1], [0, 0, 1, 1], [], []>, transpose_lhs_hint = false} : vector<512x32xf32>, vector<32x8xf32>, vector<512x8xf32> -> vector<512x8xf32>
    %sub3A_41 = arith.subf %get3A_36, %dot_general3A_40 : vector<512x8xf32>
    %get3A_42 = arith.constant 0 : index
    %get3A_43 = arith.constant 0 : index
    %get3A_44 = vector.load %arg5[%get3A_42, %get3A_43] : memref<8x64xf32, #tpu.memory_space<vmem>>, vector<8x64xf32>
    %dot_general3A_45 = arith.constant dense<0.000000e+00> : vector<512x64xf32>
    %dot_general3A_46 = tpu.matmul %sub3A_41, %get3A_44, %dot_general3A_45 {dimension_numbers = #tpu.dot_dimension_numbers<[1], [0], [0], [1], [0, 0, 1, 1], [], []>, transpose_lhs_hint = false} : vector<512x8xf32>, vector<8x64xf32>, vector<512x64xf32> -> vector<512x64xf32>
    %get3A_47 = arith.constant 0 : index
    %get3A_48 = arith.constant 0 : index
    %get3A_49 = vector.load %arg6[%get3A_47, %get3A_48] : memref<1x64xf32, #tpu.memory_space<vmem>>, vector<1x64xf32>
    %add3A = vector.broadcast %get3A_49 : vector<1x64xf32> to vector<512x64xf32>
    %add3A_50 = arith.addf %dot_general3A_46, %add3A : vector<512x64xf32>
    %get3A_51 = arith.constant 0 : index
    %get3A_52 = arith.constant 0 : index
    %get3A_53 = vector.load %arg7[%get3A_51, %get3A_52] : memref<1x64xf32, #tpu.memory_space<vmem>>, vector<1x64xf32>
    %mul3A = vector.broadcast %get3A_53 : vector<1x64xf32> to vector<512x64xf32>
    %mul3A_54 = arith.mulf %add3A_50, %mul3A : vector<512x64xf32>
    %get3A_55 = arith.constant 0 : index
    %get3A_56 = arith.constant 0 : index
    %get3A_57 = vector.load %arg8[%get3A_55, %get3A_56] : memref<1x64xf32, #tpu.memory_space<vmem>>, vector<1x64xf32>
    %add3A_58 = vector.broadcast %get3A_57 : vector<1x64xf32> to vector<512x64xf32>
    %add3A_59 = arith.addf %mul3A_54, %add3A_58 : vector<512x64xf32>
    %ge3A = arith.constant 0.000000e+00 : f32
    %ge3A_60 = vector.broadcast %ge3A : f32 to vector<512x64xf32>
    %ge3A_61 = arith.cmpf oge, %add3A_59, %ge3A_60 : vector<512x64xf32>
    %mul3A_62 = arith.constant 0.00999999977 : f32
    %mul3A_63 = vector.broadcast %mul3A_62 : f32 to vector<512x64xf32>
    %mul3A_64 = arith.mulf %mul3A_63, %add3A_59 : vector<512x64xf32>
    %select_n3A_65 = arith.select %ge3A_61, %add3A_59, %mul3A_64 : vector<512x64xi1>, vector<512x64xf32>
    %convert_element_type3A_66 = arith.truncf %select_n3A_65 : vector<512x64xf32> to vector<512x64xbf16>
    %get3A_67 = arith.constant 0 : index
    %get3A_68 = arith.constant 0 : index
    %get3A_69 = vector.load %arg9[%get3A_67, %get3A_68] : memref<64x256xf32, #tpu.memory_space<vmem>>, vector<64x256xf32>
    %convert_element_type3A_70 = arith.truncf %get3A_69 : vector<64x256xf32> to vector<64x256xbf16>
    %dot_general3A_71 = arith.constant dense<0.000000e+00> : vector<512x256xf32>
    %dot_general3A_72 = tpu.matmul %convert_element_type3A_66, %convert_element_type3A_70, %dot_general3A_71 {dimension_numbers = #tpu.dot_dimension_numbers<[1], [0], [0], [1], [0, 0, 1, 1], [], []>, transpose_lhs_hint = false} : vector<512x64xbf16>, vector<64x256xbf16>, vector<512x256xf32> -> vector<512x256xf32>
    %get3A_73 = arith.constant 0 : index
    %get3A_74 = arith.constant 0 : index
    %get3A_75 = vector.load %arg10[%get3A_73, %get3A_74] : memref<1x256xf32, #tpu.memory_space<vmem>>, vector<1x256xf32>
    %add3A_76 = vector.broadcast %get3A_75 : vector<1x256xf32> to vector<512x256xf32>
    %add3A_77 = arith.addf %dot_general3A_72, %add3A_76 : vector<512x256xf32>
    %get3A_78 = arith.constant 0 : index
    %get3A_79 = arith.constant 0 : index
    %get3A_80 = vector.load %arg3[%get3A_78, %get3A_79] : memref<32x256xf32, #tpu.memory_space<vmem>>, vector<32x256xf32>
    %dot_general3A_81 = arith.constant dense<0.000000e+00> : vector<512x256xf32>
    %dot_general3A_82 = tpu.matmul %convert_element_type3A_33, %get3A_80, %dot_general3A_81 {dimension_numbers = #tpu.dot_dimension_numbers<[1], [0], [0], [1], [0, 0, 1, 1], [], []>, transpose_lhs_hint = false} : vector<512x32xf32>, vector<32x256xf32>, vector<512x256xf32> -> vector<512x256xf32>
    %sub3A_83 = arith.subf %dot_general3A_82, %bitcast_convert_type3A_4 : vector<512x256xf32>
    %add3A_84 = arith.addf %sub3A_83, %add3A_77 : vector<512x256xf32>
    %convert_element_type3A_85 = arith.truncf %add3A_84 : vector<512x256xf32> to vector<512x256xbf16>
    %swap3A = arith.constant 0 : index
    %swap3A_86 = arith.constant 0 : index
    %swap3A_87 = vector.load %arg11[%swap3A, %swap3A_86] : memref<512x256xbf16, #tpu.memory_space<vmem>>, vector<512x256xbf16>
    tpu.vector_store %arg11[%swap3A, %swap3A_86], %convert_element_type3A_85 {strides = array<i32>} : memref<512x256xbf16, #tpu.memory_space<vmem>>, vector<512x256xbf16>,
    %add3A_88 = arith.addf %bitcast_convert_type3A_7, %add3A_77 : vector<512x256xf32>
    %convert_element_type3A_89 = arith.truncf %add3A_88 : vector<512x256xf32> to vector<512x256xbf16>
    %swap3A_90 = arith.constant 0 : index
    %swap3A_91 = arith.constant 0 : index
    %swap3A_92 = vector.load %arg12[%swap3A_90, %swap3A_91] : memref<512x256xbf16, #tpu.memory_space<vmem>>, vector<512x256xbf16>
    tpu.vector_store %arg12[%swap3A_90, %swap3A_91], %convert_element_type3A_89 {strides = array<i32>} : memref<512x256xbf16, #tpu.memory_space<vmem>>, vector<512x256xbf16>,
    %reduce_sum3A = arith.constant dense<0.000000e+00> : vector<256xf32>
    %reduce_sum3A_93 = vector.multi_reduction <add>, %add3A_84, %reduce_sum3A [0] : vector<512x256xf32> to vector<256xf32>
    %broadcast_in_dim3A = vector.shape_cast %reduce_sum3A_93 : vector<256xf32> to vector<1x256xf32>
    %reshape3A = vector.shape_cast %broadcast_in_dim3A : vector<1x256xf32> to vector<1x1x256xf32>
    %swap3A_94 = arith.constant 0 : index
    %swap3A_95 = arith.constant 0 : index
    %swap3A_96 = arith.constant 0 : index
    %swap3A_97 = vector.load %arg13[%swap3A_94, %swap3A_95, %swap3A_96] : memref<1x1x512xf32, #tpu.memory_space<vmem>>, vector<1x1x256xf32>
    tpu.vector_store %arg13[%swap3A_94, %swap3A_95, %swap3A_96], %reshape3A {strides = array<i32>} : memref<1x1x512xf32, #tpu.memory_space<vmem>>, vector<1x1x256xf32>,
    %mul3A_98 = arith.mulf %add3A_84, %add3A_84 : vector<512x256xf32>
    %reduce_sum3A_99 = arith.constant dense<0.000000e+00> : vector<256xf32>
    %reduce_sum3A_100 = vector.multi_reduction <add>, %mul3A_98, %reduce_sum3A_99 [0] : vector<512x256xf32> to vector<256xf32>
    %broadcast_in_dim3A_101 = vector.shape_cast %reduce_sum3A_100 : vector<256xf32> to vector<1x256xf32>
    %reshape3A_102 = vector.shape_cast %broadcast_in_dim3A_101 : vector<1x256xf32> to vector<1x1x256xf32>
    %swap3A_103 = arith.constant 0 : index
    %swap3A_104 = arith.constant 0 : index
    %swap3A_105 = arith.constant 256 : index
    %swap3A_106 = vector.load %arg13[%swap3A_103, %swap3A_104, %swap3A_105] : memref<1x1x512xf32, #tpu.memory_space<vmem>>, vector<1x1x256xf32>
    tpu.vector_store %arg13[%swap3A_103, %swap3A_104, %swap3A_105], %reshape3A_102 {strides = array<i32>} : memref<1x1x512xf32, #tpu.memory_space<vmem>>, vector<1x1x256xf32>,
    return
  }
  func.func @transform_0(%arg0: i32) -> (i32, i32) {
    %c2_i32 = arith.constant 2 : i32
    %c0_i32 = arith.constant 0 : i32
    return %arg0, %c2_i32 : i32, i32
  }
  func.func @transform_1(%arg0: i32) -> (i32, i32) {
    %c0_i32 = arith.constant 0 : i32
    %c0_i32_0 = arith.constant 0 : i32
    return %arg0, %c0_i32 : i32, i32
  }
  func.func @transform_2(%arg0: i32) -> (i32, i32) {
    %c0_i32 = arith.constant 0 : i32
    %c0_i32_0 = arith.constant 0 : i32
    return %arg0, %c0_i32 : i32, i32
  }
  func.func @transform_3(%arg0: i32) -> (i32, i32) {
    %c0_i32 = arith.constant 0 : i32
    %c0_i32_0 = arith.constant 0 : i32
    return %arg0, %c0_i32 : i32, i32
  }
  func.func @transform_4(%arg0: i32) -> (i32, i32) {
    %c0_i32 = arith.constant 0 : i32
    %c0_i32_0 = arith.constant 0 : i32
    %c0_i32_1 = arith.constant 0 : i32
    return %c0_i32, %c0_i32_0 : i32, i32
  }
  func.func @transform_5(%arg0: i32) -> (i32, i32) {
    %c0_i32 = arith.constant 0 : i32
    %c0_i32_0 = arith.constant 0 : i32
    %c0_i32_1 = arith.constant 0 : i32
    return %c0_i32, %c0_i32_0 : i32, i32
  }
  func.func @transform_6(%arg0: i32) -> (i32, i32) {
    %c0_i32 = arith.constant 0 : i32
    %c0_i32_0 = arith.constant 0 : i32
    %c0_i32_1 = arith.constant 0 : i32
    return %c0_i32, %c0_i32_0 : i32, i32
  }
  func.func @transform_7(%arg0: i32) -> (i32, i32) {
    %c0_i32 = arith.constant 0 : i32
    %c0_i32_0 = arith.constant 0 : i32
    %c0_i32_1 = arith.constant 0 : i32
    return %c0_i32, %c0_i32_0 : i32, i32
  }
  func.func @transform_8(%arg0: i32) -> (i32, i32) {
    %c0_i32 = arith.constant 0 : i32
    %c0_i32_0 = arith.constant 0 : i32
    %c0_i32_1 = arith.constant 0 : i32
    return %c0_i32, %c0_i32_0 : i32, i32
  }
  func.func @transform_9(%arg0: i32) -> (i32, i32) {
    %c0_i32 = arith.constant 0 : i32
    %c0_i32_0 = arith.constant 0 : i32
    %c0_i32_1 = arith.constant 0 : i32
    return %c0_i32, %c0_i32_0 : i32, i32
  }
  func.func @transform_10(%arg0: i32) -> (i32, i32) {
    %c0_i32 = arith.constant 0 : i32
    %c0_i32_0 = arith.constant 0 : i32
    return %arg0, %c0_i32 : i32, i32
  }
  func.func @transform_11(%arg0: i32) -> (i32, i32) {
    %c0_i32 = arith.constant 0 : i32
    %c0_i32_0 = arith.constant 0 : i32
    return %arg0, %c0_i32 : i32, i32
  }
  func.func @transform_12(%arg0: i32) -> (i32, i32, i32) {
    %c0_i32 = arith.constant 0 : i32
    %c0_i32_0 = arith.constant 0 : i32
    %c0_i32_1 = arith.constant 0 : i32
    return %arg0, %c0_i32, %c0_i32_0 : i32, i32, i32
  }
}

module attributes {stable_mosaic.version = 14 : i64} {
  func.func @_passC_body(%arg0: i32, %arg1: memref<512x256xbf16, #tpu.memory_space<vmem>>, %arg2: memref<1x256xf32, #tpu.memory_space<vmem>>, %arg3: memref<1x256xf32, #tpu.memory_space<vmem>>, %arg4: memref<256x256xf32, #tpu.memory_space<vmem>>, %arg5: memref<1x256xf32, #tpu.memory_space<vmem>>, %arg6: memref<512x256xbf16, #tpu.memory_space<vmem>>, %arg7: memref<1x1x512xf32, #tpu.memory_space<vmem>>) attributes {dimension_semantics = [#tpu.dimension_semantics<arbitrary>], iteration_bounds = array<i64: 256>, scalar_prefetch = 0 : i64, scratch_operands = 0 : i64, tpu.core_type = #tpu.core_type<tc>, window_params = [{transform_indices = @transform_0, window_bounds = array<i64: 512, 256>}, {pipeline_mode = #tpu.pipeline_mode<synchronous>, transform_indices = @transform_1, window_bounds = array<i64: 1, 256>}, {pipeline_mode = #tpu.pipeline_mode<synchronous>, transform_indices = @transform_2, window_bounds = array<i64: 1, 256>}, {pipeline_mode = #tpu.pipeline_mode<synchronous>, transform_indices = @transform_3, window_bounds = array<i64: 256, 256>}, {pipeline_mode = #tpu.pipeline_mode<synchronous>, transform_indices = @transform_4, window_bounds = array<i64: 1, 256>}, {transform_indices = @transform_5, window_bounds = array<i64: 512, 256>}, {transform_indices = @transform_6, window_bounds = array<i64: 1, 1, 512>}]} {
    %get3A = arith.constant 0 : index
    %get3A_0 = arith.constant 0 : index
    %get3A_1 = vector.load %arg1[%get3A, %get3A_0] : memref<512x256xbf16, #tpu.memory_space<vmem>>, vector<512x256xbf16>
    %convert_element_type3A = arith.extf %get3A_1 : vector<512x256xbf16> to vector<512x256xf32>
    %get3A_2 = arith.constant 0 : index
    %get3A_3 = arith.constant 0 : index
    %get3A_4 = vector.load %arg2[%get3A_2, %get3A_3] : memref<1x256xf32, #tpu.memory_space<vmem>>, vector<1x256xf32>
    %mul3A = vector.broadcast %get3A_4 : vector<1x256xf32> to vector<512x256xf32>
    %mul3A_5 = arith.mulf %convert_element_type3A, %mul3A : vector<512x256xf32>
    %get3A_6 = arith.constant 0 : index
    %get3A_7 = arith.constant 0 : index
    %get3A_8 = vector.load %arg3[%get3A_6, %get3A_7] : memref<1x256xf32, #tpu.memory_space<vmem>>, vector<1x256xf32>
    %add3A = vector.broadcast %get3A_8 : vector<1x256xf32> to vector<512x256xf32>
    %add3A_9 = arith.addf %mul3A_5, %add3A : vector<512x256xf32>
    %ge3A = arith.constant 0.000000e+00 : f32
    %ge3A_10 = vector.broadcast %ge3A : f32 to vector<512x256xf32>
    %ge3A_11 = arith.cmpf oge, %add3A_9, %ge3A_10 : vector<512x256xf32>
    %mul3A_12 = arith.constant 0.00999999977 : f32
    %mul3A_13 = vector.broadcast %mul3A_12 : f32 to vector<512x256xf32>
    %mul3A_14 = arith.mulf %mul3A_13, %add3A_9 : vector<512x256xf32>
    %select_n3A = arith.select %ge3A_11, %add3A_9, %mul3A_14 : vector<512x256xi1>, vector<512x256xf32>
    %convert_element_type3A_15 = arith.truncf %select_n3A : vector<512x256xf32> to vector<512x256xbf16>
    %get3A_16 = arith.constant 0 : index
    %get3A_17 = arith.constant 0 : index
    %get3A_18 = vector.load %arg4[%get3A_16, %get3A_17] : memref<256x256xf32, #tpu.memory_space<vmem>>, vector<256x256xf32>
    %convert_element_type3A_19 = arith.truncf %get3A_18 : vector<256x256xf32> to vector<256x256xbf16>
    %dot_general3A = arith.constant dense<0.000000e+00> : vector<512x256xf32>
    %dot_general3A_20 = tpu.matmul %convert_element_type3A_15, %convert_element_type3A_19, %dot_general3A {dimension_numbers = #tpu.dot_dimension_numbers<[1], [0], [0], [1], [0, 0, 1, 1], [], []>, transpose_lhs_hint = false} : vector<512x256xbf16>, vector<256x256xbf16>, vector<512x256xf32> -> vector<512x256xf32>
    %get3A_21 = arith.constant 0 : index
    %get3A_22 = arith.constant 0 : index
    %get3A_23 = vector.load %arg5[%get3A_21, %get3A_22] : memref<1x256xf32, #tpu.memory_space<vmem>>, vector<1x256xf32>
    %add3A_24 = vector.broadcast %get3A_23 : vector<1x256xf32> to vector<512x256xf32>
    %add3A_25 = arith.addf %dot_general3A_20, %add3A_24 : vector<512x256xf32>
    %convert_element_type3A_26 = arith.truncf %add3A_25 : vector<512x256xf32> to vector<512x256xbf16>
    %swap3A = arith.constant 0 : index
    %swap3A_27 = arith.constant 0 : index
    %swap3A_28 = vector.load %arg6[%swap3A, %swap3A_27] : memref<512x256xbf16, #tpu.memory_space<vmem>>, vector<512x256xbf16>
    tpu.vector_store %arg6[%swap3A, %swap3A_27], %convert_element_type3A_26 {strides = array<i32>} : memref<512x256xbf16, #tpu.memory_space<vmem>>, vector<512x256xbf16>,
    %reduce_sum3A = arith.constant dense<0.000000e+00> : vector<256xf32>
    %reduce_sum3A_29 = vector.multi_reduction <add>, %add3A_25, %reduce_sum3A [0] : vector<512x256xf32> to vector<256xf32>
    %broadcast_in_dim3A = vector.shape_cast %reduce_sum3A_29 : vector<256xf32> to vector<1x256xf32>
    %reshape3A = vector.shape_cast %broadcast_in_dim3A : vector<1x256xf32> to vector<1x1x256xf32>
    %swap3A_30 = arith.constant 0 : index
    %swap3A_31 = arith.constant 0 : index
    %swap3A_32 = arith.constant 0 : index
    %swap3A_33 = vector.load %arg7[%swap3A_30, %swap3A_31, %swap3A_32] : memref<1x1x512xf32, #tpu.memory_space<vmem>>, vector<1x1x256xf32>
    tpu.vector_store %arg7[%swap3A_30, %swap3A_31, %swap3A_32], %reshape3A {strides = array<i32>} : memref<1x1x512xf32, #tpu.memory_space<vmem>>, vector<1x1x256xf32>,
    %mul3A_34 = arith.mulf %add3A_25, %add3A_25 : vector<512x256xf32>
    %reduce_sum3A_35 = arith.constant dense<0.000000e+00> : vector<256xf32>
    %reduce_sum3A_36 = vector.multi_reduction <add>, %mul3A_34, %reduce_sum3A_35 [0] : vector<512x256xf32> to vector<256xf32>
    %broadcast_in_dim3A_37 = vector.shape_cast %reduce_sum3A_36 : vector<256xf32> to vector<1x256xf32>
    %reshape3A_38 = vector.shape_cast %broadcast_in_dim3A_37 : vector<1x256xf32> to vector<1x1x256xf32>
    %swap3A_39 = arith.constant 0 : index
    %swap3A_40 = arith.constant 0 : index
    %swap3A_41 = arith.constant 256 : index
    %swap3A_42 = vector.load %arg7[%swap3A_39, %swap3A_40, %swap3A_41] : memref<1x1x512xf32, #tpu.memory_space<vmem>>, vector<1x1x256xf32>
    tpu.vector_store %arg7[%swap3A_39, %swap3A_40, %swap3A_41], %reshape3A_38 {strides = array<i32>} : memref<1x1x512xf32, #tpu.memory_space<vmem>>, vector<1x1x256xf32>,
    return
  }
  func.func @transform_0(%arg0: i32) -> (i32, i32) {
    %c0_i32 = arith.constant 0 : i32
    %c0_i32_0 = arith.constant 0 : i32
    return %arg0, %c0_i32 : i32, i32
  }
  func.func @transform_1(%arg0: i32) -> (i32, i32) {
    %c0_i32 = arith.constant 0 : i32
    %c0_i32_0 = arith.constant 0 : i32
    %c0_i32_1 = arith.constant 0 : i32
    return %c0_i32, %c0_i32_0 : i32, i32
  }
  func.func @transform_2(%arg0: i32) -> (i32, i32) {
    %c0_i32 = arith.constant 0 : i32
    %c0_i32_0 = arith.constant 0 : i32
    %c0_i32_1 = arith.constant 0 : i32
    return %c0_i32, %c0_i32_0 : i32, i32
  }
  func.func @transform_3(%arg0: i32) -> (i32, i32) {
    %c0_i32 = arith.constant 0 : i32
    %c0_i32_0 = arith.constant 0 : i32
    %c0_i32_1 = arith.constant 0 : i32
    return %c0_i32, %c0_i32_0 : i32, i32
  }
  func.func @transform_4(%arg0: i32) -> (i32, i32) {
    %c0_i32 = arith.constant 0 : i32
    %c0_i32_0 = arith.constant 0 : i32
    %c0_i32_1 = arith.constant 0 : i32
    return %c0_i32, %c0_i32_0 : i32, i32
  }
  func.func @transform_5(%arg0: i32) -> (i32, i32) {
    %c0_i32 = arith.constant 0 : i32
    %c0_i32_0 = arith.constant 0 : i32
    return %arg0, %c0_i32 : i32, i32
  }
  func.func @transform_6(%arg0: i32) -> (i32, i32, i32) {
    %c0_i32 = arith.constant 0 : i32
    %c0_i32_0 = arith.constant 0 : i32
    %c0_i32_1 = arith.constant 0 : i32
    return %arg0, %c0_i32, %c0_i32_0 : i32, i32, i32
  }
}

module attributes {stable_mosaic.version = 14 : i64} {
  func.func @_passD_body(%arg0: i32, %arg1: memref<64x16x256xbf16, #tpu.memory_space<vmem>>, %arg2: memref<64x16x256xbf16, #tpu.memory_space<vmem>>, %arg3: memref<1x1x256xf32, #tpu.memory_space<vmem>>, %arg4: memref<1x1x256xf32, #tpu.memory_space<vmem>>, %arg5: memref<64x1x256xf32, #tpu.memory_space<vmem>>) attributes {dimension_semantics = [#tpu.dimension_semantics<arbitrary>], iteration_bounds = array<i64: 128>, scalar_prefetch = 0 : i64, scratch_operands = 0 : i64, tpu.core_type = #tpu.core_type<tc>, window_params = [{transform_indices = @transform_0, window_bounds = array<i64: 64, 16, 256>}, {transform_indices = @transform_1, window_bounds = array<i64: 64, 16, 256>}, {pipeline_mode = #tpu.pipeline_mode<synchronous>, transform_indices = @transform_2, window_bounds = array<i64: 1, 1, 256>}, {pipeline_mode = #tpu.pipeline_mode<synchronous>, transform_indices = @transform_3, window_bounds = array<i64: 1, 1, 256>}, {transform_indices = @transform_4, window_bounds = array<i64: 64, 1, 256>}]} {
    %get3A = arith.constant 0 : index
    %get3A_0 = arith.constant 0 : index
    %get3A_1 = arith.constant 0 : index
    %get3A_2 = vector.load %arg1[%get3A, %get3A_0, %get3A_1] : memref<64x16x256xbf16, #tpu.memory_space<vmem>>, vector<64x16x256xbf16>
    %convert_element_type3A = arith.extf %get3A_2 : vector<64x16x256xbf16> to vector<64x16x256xf32>
    %get3A_3 = arith.constant 0 : index
    %get3A_4 = arith.constant 0 : index
    %get3A_5 = arith.constant 0 : index
    %get3A_6 = vector.load %arg3[%get3A_3, %get3A_4, %get3A_5] : memref<1x1x256xf32, #tpu.memory_space<vmem>>, vector<1x1x256xf32>
    %mul3A = vector.broadcast %get3A_6 : vector<1x1x256xf32> to vector<64x16x256xf32>
    %mul3A_7 = arith.mulf %convert_element_type3A, %mul3A : vector<64x16x256xf32>
    %get3A_8 = arith.constant 0 : index
    %get3A_9 = arith.constant 0 : index
    %get3A_10 = arith.constant 0 : index
    %get3A_11 = vector.load %arg4[%get3A_8, %get3A_9, %get3A_10] : memref<1x1x256xf32, #tpu.memory_space<vmem>>, vector<1x1x256xf32>
    %add3A = vector.broadcast %get3A_11 : vector<1x1x256xf32> to vector<64x16x256xf32>
    %add3A_12 = arith.addf %mul3A_7, %add3A : vector<64x16x256xf32>
    %ge3A = arith.constant 0.000000e+00 : f32
    %ge3A_13 = vector.broadcast %ge3A : f32 to vector<64x16x256xf32>
    %ge3A_14 = arith.cmpf oge, %add3A_12, %ge3A_13 : vector<64x16x256xf32>
    %mul3A_15 = arith.constant 0.00999999977 : f32
    %mul3A_16 = vector.broadcast %mul3A_15 : f32 to vector<64x16x256xf32>
    %mul3A_17 = arith.mulf %mul3A_16, %add3A_12 : vector<64x16x256xf32>
    %select_n3A = arith.select %ge3A_14, %add3A_12, %mul3A_17 : vector<64x16x256xi1>, vector<64x16x256xf32>
    %slice3A = vector.extract_strided_slice %select_n3A {offsets = [0, 0, 0], sizes = [64, 8, 256], strides = [1, 1, 1]} : vector<64x16x256xf32> to vector<64x8x256xf32>
    %slice3A_18 = vector.extract_strided_slice %select_n3A {offsets = [0, 8, 0], sizes = [64, 8, 256], strides = [1, 1, 1]} : vector<64x16x256xf32> to vector<64x8x256xf32>
    %max3A = arith.maximumf %slice3A, %slice3A_18 : vector<64x8x256xf32>
    %slice3A_19 = vector.extract_strided_slice %max3A {offsets = [0, 0, 0], sizes = [64, 4, 256], strides = [1, 1, 1]} : vector<64x8x256xf32> to vector<64x4x256xf32>
    %slice3A_20 = vector.extract_strided_slice %max3A {offsets = [0, 4, 0], sizes = [64, 4, 256], strides = [1, 1, 1]} : vector<64x8x256xf32> to vector<64x4x256xf32>
    %max3A_21 = arith.maximumf %slice3A_19, %slice3A_20 : vector<64x4x256xf32>
    %slice3A_22 = vector.extract_strided_slice %max3A_21 {offsets = [0, 0, 0], sizes = [64, 2, 256], strides = [1, 1, 1]} : vector<64x4x256xf32> to vector<64x2x256xf32>
    %slice3A_23 = vector.extract_strided_slice %max3A_21 {offsets = [0, 2, 0], sizes = [64, 2, 256], strides = [1, 1, 1]} : vector<64x4x256xf32> to vector<64x2x256xf32>
    %max3A_24 = arith.maximumf %slice3A_22, %slice3A_23 : vector<64x2x256xf32>
    %slice3A_25 = vector.extract_strided_slice %max3A_24 {offsets = [0, 0, 0], sizes = [64, 1, 256], strides = [1, 1, 1]} : vector<64x2x256xf32> to vector<64x1x256xf32>
    %slice3A_26 = vector.extract_strided_slice %max3A_24 {offsets = [0, 1, 0], sizes = [64, 1, 256], strides = [1, 1, 1]} : vector<64x2x256xf32> to vector<64x1x256xf32>
    %max3A_27 = arith.maximumf %slice3A_25, %slice3A_26 : vector<64x1x256xf32>
    %sub3A = vector.broadcast %max3A_27 : vector<64x1x256xf32> to vector<64x16x256xf32>
    %sub3A_28 = arith.subf %select_n3A, %sub3A : vector<64x16x256xf32>
    %exp3A = math.exp %sub3A_28 : vector<64x16x256xf32>
    %slice3A_29 = vector.extract_strided_slice %exp3A {offsets = [0, 0, 0], sizes = [64, 8, 256], strides = [1, 1, 1]} : vector<64x16x256xf32> to vector<64x8x256xf32>
    %slice3A_30 = vector.extract_strided_slice %exp3A {offsets = [0, 8, 0], sizes = [64, 8, 256], strides = [1, 1, 1]} : vector<64x16x256xf32> to vector<64x8x256xf32>
    %add3A_31 = arith.addf %slice3A_29, %slice3A_30 : vector<64x8x256xf32>
    %slice3A_32 = vector.extract_strided_slice %add3A_31 {offsets = [0, 0, 0], sizes = [64, 4, 256], strides = [1, 1, 1]} : vector<64x8x256xf32> to vector<64x4x256xf32>
    %slice3A_33 = vector.extract_strided_slice %add3A_31 {offsets = [0, 4, 0], sizes = [64, 4, 256], strides = [1, 1, 1]} : vector<64x8x256xf32> to vector<64x4x256xf32>
    %add3A_34 = arith.addf %slice3A_32, %slice3A_33 : vector<64x4x256xf32>
    %slice3A_35 = vector.extract_strided_slice %add3A_34 {offsets = [0, 0, 0], sizes = [64, 2, 256], strides = [1, 1, 1]} : vector<64x4x256xf32> to vector<64x2x256xf32>
    %slice3A_36 = vector.extract_strided_slice %add3A_34 {offsets = [0, 2, 0], sizes = [64, 2, 256], strides = [1, 1, 1]} : vector<64x4x256xf32> to vector<64x2x256xf32>
    %add3A_37 = arith.addf %slice3A_35, %slice3A_36 : vector<64x2x256xf32>
    %slice3A_38 = vector.extract_strided_slice %add3A_37 {offsets = [0, 0, 0], sizes = [64, 1, 256], strides = [1, 1, 1]} : vector<64x2x256xf32> to vector<64x1x256xf32>
    %slice3A_39 = vector.extract_strided_slice %add3A_37 {offsets = [0, 1, 0], sizes = [64, 1, 256], strides = [1, 1, 1]} : vector<64x2x256xf32> to vector<64x1x256xf32>
    %add3A_40 = arith.addf %slice3A_38, %slice3A_39 : vector<64x1x256xf32>
    %div3A = vector.broadcast %add3A_40 : vector<64x1x256xf32> to vector<64x16x256xf32>
    %div3A_41 = arith.divf %exp3A, %div3A : vector<64x16x256xf32>
    %get3A_42 = arith.constant 0 : index
    %get3A_43 = arith.constant 0 : index
    %get3A_44 = arith.constant 0 : index
    %get3A_45 = vector.load %arg2[%get3A_42, %get3A_43, %get3A_44] : memref<64x16x256xbf16, #tpu.memory_space<vmem>>, vector<64x16x256xbf16>
    %convert_element_type3A_46 = arith.extf %get3A_45 : vector<64x16x256xbf16> to vector<64x16x256xf32>
    %mul3A_47 = arith.mulf %div3A_41, %convert_element_type3A_46 : vector<64x16x256xf32>
    %slice3A_48 = vector.extract_strided_slice %mul3A_47 {offsets = [0, 0, 0], sizes = [64, 8, 256], strides = [1, 1, 1]} : vector<64x16x256xf32> to vector<64x8x256xf32>
    %slice3A_49 = vector.extract_strided_slice %mul3A_47 {offsets = [0, 8, 0], sizes = [64, 8, 256], strides = [1, 1, 1]} : vector<64x16x256xf32> to vector<64x8x256xf32>
    %add3A_50 = arith.addf %slice3A_48, %slice3A_49 : vector<64x8x256xf32>
    %slice3A_51 = vector.extract_strided_slice %add3A_50 {offsets = [0, 0, 0], sizes = [64, 4, 256], strides = [1, 1, 1]} : vector<64x8x256xf32> to vector<64x4x256xf32>
    %slice3A_52 = vector.extract_strided_slice %add3A_50 {offsets = [0, 4, 0], sizes = [64, 4, 256], strides = [1, 1, 1]} : vector<64x8x256xf32> to vector<64x4x256xf32>
    %add3A_53 = arith.addf %slice3A_51, %slice3A_52 : vector<64x4x256xf32>
    %slice3A_54 = vector.extract_strided_slice %add3A_53 {offsets = [0, 0, 0], sizes = [64, 2, 256], strides = [1, 1, 1]} : vector<64x4x256xf32> to vector<64x2x256xf32>
    %slice3A_55 = vector.extract_strided_slice %add3A_53 {offsets = [0, 2, 0], sizes = [64, 2, 256], strides = [1, 1, 1]} : vector<64x4x256xf32> to vector<64x2x256xf32>
    %add3A_56 = arith.addf %slice3A_54, %slice3A_55 : vector<64x2x256xf32>
    %slice3A_57 = vector.extract_strided_slice %add3A_56 {offsets = [0, 0, 0], sizes = [64, 1, 256], strides = [1, 1, 1]} : vector<64x2x256xf32> to vector<64x1x256xf32>
    %slice3A_58 = vector.extract_strided_slice %add3A_56 {offsets = [0, 1, 0], sizes = [64, 1, 256], strides = [1, 1, 1]} : vector<64x2x256xf32> to vector<64x1x256xf32>
    %add3A_59 = arith.addf %slice3A_57, %slice3A_58 : vector<64x1x256xf32>
    %swap3A = arith.constant 0 : index
    %swap3A_60 = arith.constant 0 : index
    %swap3A_61 = arith.constant 0 : index
    %swap3A_62 = vector.load %arg5[%swap3A, %swap3A_60, %swap3A_61] : memref<64x1x256xf32, #tpu.memory_space<vmem>>, vector<64x1x256xf32>
    tpu.vector_store %arg5[%swap3A, %swap3A_60, %swap3A_61], %add3A_59 {strides = array<i32>} : memref<64x1x256xf32, #tpu.memory_space<vmem>>, vector<64x1x256xf32>,
    return
  }
  func.func @transform_0(%arg0: i32) -> (i32, i32, i32) {
    %c0_i32 = arith.constant 0 : i32
    %c0_i32_0 = arith.constant 0 : i32
    %c0_i32_1 = arith.constant 0 : i32
    return %arg0, %c0_i32, %c0_i32_0 : i32, i32, i32
  }
  func.func @transform_1(%arg0: i32) -> (i32, i32, i32) {
    %c0_i32 = arith.constant 0 : i32
    %c0_i32_0 = arith.constant 0 : i32
    %c0_i32_1 = arith.constant 0 : i32
    return %arg0, %c0_i32, %c0_i32_0 : i32, i32, i32
  }
  func.func @transform_2(%arg0: i32) -> (i32, i32, i32) {
    %c0_i32 = arith.constant 0 : i32
    %c0_i32_0 = arith.constant 0 : i32
    %c0_i32_1 = arith.constant 0 : i32
    %c0_i32_2 = arith.constant 0 : i32
    return %c0_i32, %c0_i32_0, %c0_i32_1 : i32, i32, i32
  }
  func.func @transform_3(%arg0: i32) -> (i32, i32, i32) {
    %c0_i32 = arith.constant 0 : i32
    %c0_i32_0 = arith.constant 0 : i32
    %c0_i32_1 = arith.constant 0 : i32
    %c0_i32_2 = arith.constant 0 : i32
    return %c0_i32, %c0_i32_0, %c0_i32_1 : i32, i32, i32
  }
  func.func @transform_4(%arg0: i32) -> (i32, i32, i32) {
    %c0_i32 = arith.constant 0 : i32
    %c0_i32_0 = arith.constant 0 : i32
    %c0_i32_1 = arith.constant 0 : i32
    return %arg0, %c0_i32, %c0_i32_0 : i32, i32, i32
  }
}

</mosaic_0001>

<sc_bundles>
// kernel: kernel.9.cloned.1.call-start
scs
__scs_entry_jumppad:
0x0: {  	(pc) =	sbr.rel $0x88, $3  }
0x1: {  	(tag) =	ssettag $0x0;
	lr =	simm.s32 $0x1  }
0x2: {  	[smem:$0x3F89] =	sst lr;
	_ =	strace $0xD0000000  }
0x3: {  	_ = 	snop  }
0x4: {  	_ = 	snop  }
0x5: {  	_ = 	snop  }
0x6: {  	_ = 	snop  }
0x7: {  	_ = 	snop  }
__scs_overlays_trampoline_lowered:
0x8: {  	[smem:$0x3F98] =	sst s0  }
0x9: {  	[smem:$0x3F99] =	sst s1  }
0xa: {  	[smem:$0x3F9A] =	sst s2  }
0xb: {  	[smem:$0x3F9B] =	sst s3  }
0xc: {  	[smem:$0x3F9C] =	sst s4  }
0xd: {  	[smem:$0x3F9D] =	sst s5  }
0xe: {  	[smem:$0x3F9E] =	sst s6  }
0xf: {  	[smem:$0x3F9F] =	sst s7  }
0x10: {  	[smem:$0x3FA0] =	sst s8  }
0x11: {  	[smem:$0x3FA1] =	sst s9;
	s0 =	simm.s32 @!p0 $0x0  }
0x12: {  	s1 =	sld [smem:$0x3F87];
	s0 =	simm.s32 @p0 $0x1  }
0x13: {  	[smem:$0x3FA2] =	sst s0;
	s0 =	simm.s32 @!p1 $0x0  }
0x14: {  	s2 =	sld [smem:$0x3F86];
	s0 =	simm.s32 @p1 $0x1  }
0x15: {  	[smem:$0x3FA3] =	sst s0;
	s0 =	simm.s32 @!p2 $0x0  }
0x16: {  	s3 =	sld [smem:$0x3FDB];
	s0 =	simm.s32 @p2 $0x1  }
0x17: {  	s4 =	simm.s32 $0x1BF5;
	[smem:$0x3FA5] =	sst s0  }
0x18: {  	s0 =	sld [smem:$0x3F88];
	_ =	swait.ge [sflag:s4], $0x0  }
0x19: {  	s7 =	sld [smem:$0x3F89]  }
0x1a: {  	s8 =	sadd.s32 $0xFFFFE003, lr  }
0x1b: {  	s9 =	sadd.s32 $0xFFFFFEF7, lr;
	s5 =	simm.s32 $0xFFFFFFFF;
	p2 =	slt.u32 s8, $0xFFFFF086  }
0x1c: {  	p1 =	slt.u32 s9, $0xF7A;
	s5 =	simm.s32 @!p2 $0x0  }
0x1d: {  	s5 =	simm.s32 @p1 $0x1;
	p0 =	seq.s32 s7, s2  }
0x1e: {  	s7 =	smul.u32 @!p0 $0xF7A, s2;
	p2 =	seq.s32 @!p0 s5, $0x0  }
0x1f: {  	s9 =	smul.u32 $0xF7A, s1;
	s8 =	simm.s32 @!p0 $0x1BF5;
	p2 =	por !p2, p0  }
0x20: {  	[sflag:s8] =	ssyncset.s32 @!p0 $0xFFFFF086;
	s6 =	sadd.s32 @!p0 s3, s7;
	s7 =	simm.s32 @!p0 $0x108  }
0x21: {  	s3 =	sadd.s32 s3, s9;
	s6 =	sadd.s32 @!p0 $0x88, s6;
	s7 =	simm.s32 @p2 $0x1082  }
0x22: {  	[simem:s7], [sflag:s8] =	dma.local @!p0 [hbm:s6], $0xF7A  }
0x23: {  	s9 =	sor.u32 $0xD0000000, s2;
	s6 =	simm.s32 $0x108;
	_ =	swait.ge @!p0 [sflag:s8], $0x0  }
0x24: {  	s3 =	sadd.s32 $0x88, s3;
	s6 =	simm.s32 @!p1 $0x1082;
	[sflag:s4] =	ssyncset.s32 $0xFFFFF086  }
0x25: {  	[simem:s6], [sflag:s4] =	dma.local [hbm:s3], $0xF7A  }
0x26: {  	[smem:$0x3F89] =	sst s1;
	(tag) =	ssettag s2;
	_ =	strace s9  }
0x27: {  	s1 =	sld [smem:$0x3F99]  }
0x28: {  	s2 =	sld [smem:$0x3F9A]  }
0x29: {  	s4 =	sld [smem:$0x3F9C]  }
0x2a: {  	p0 =	seq.s32 s5, $0x0;
	s5 =	sld [smem:$0x3F9D]  }
0x2b: {  	s6 =	sld [smem:$0x3F9E]  }
0x2c: {  	s7 =	sld [smem:$0x3F9F]  }
0x2d: {  	s3 =	simm.s32 $0x108;
	s8 =	sld [smem:$0x3FA0]  }
0x2e: {  	s3 =	simm.s32 @!p0 $0x1082;
	s9 =	sld [smem:$0x3FA1]  }
0x2f: {  	lr =	sadd.s32 s0, s3;
	s0 =	sld [smem:$0x3F98]  }
0x30: {  	s3 =	sld [smem:$0x3F9B]  }
0x31: {  	[smem:$0x3FA4] =	sst s10  }
0x32: {  	s10 =	sld [smem:$0x3FA2];
	_ =	sdelay $0x3  }
0x33: {  	p0 =	seq.s32 s10, $0x1;
	s10 =	sld [smem:$0x3FA4];
	_ =	sdelay $0x3  }
0x34: {  	[smem:$0x3FA4] =	sst s10  }
0x35: {  	s10 =	sld [smem:$0x3FA3];
	_ =	sdelay $0x3  }
0x36: {  	p1 =	seq.s32 s10, $0x1;
	s10 =	sld [smem:$0x3FA4];
	_ =	sdelay $0x3  }
0x37: {  	[smem:$0x3FA4] =	sst s10  }
0x38: {  	s10 =	sld [smem:$0x3FA5]  }
0x39: {  	_ = 	snop;
	(pc) =	sbr.ind lr, $3  }
0x3a: {  	_ = 	snop  }
0x3b: {  	_ = 	snop  }
0x3c: {  	p2 =	seq.s32 s10, $0x1;
	s10 =	sld [smem:$0x3FA4]  }
0x3d: {  	_ =	shalt  }
0x3e: {  	_ =	shalt  }
0x3f: {  	_ =	shalt  }
0x40: {  	_ =	shalt  }
0x41: {  	_ =	shalt  }
0x42: {  	_ =	shalt  }
0x43: {  	_ =	shalt  }
0x44: {  	_ =	shalt  }
0x45: {  	_ =	shalt  }
0x46: {  	_ =	shalt  }
0x47: {  	_ =	shalt  }
0x48: {  	_ =	shalt  }
0x49: {  	_ =	shalt  }
0x4a: {  	_ =	shalt  }
0x4b: {  	_ =	shalt  }
0x4c: {  	_ =	shalt  }
0x4d: {  	_ =	shalt  }
0x4e: {  	_ =	shalt  }
0x4f: {  	_ =	shalt  }
0x50: {  	_ =	shalt  }
0x51: {  	_ =	shalt  }
0x52: {  	_ =	shalt  }
0x53: {  	_ =	shalt  }
0x54: {  	_ =	shalt  }
0x55: {  	_ =	shalt  }
0x56: {  	_ =	shalt  }
0x57: {  	_ =	shalt  }
0x58: {  	_ =	shalt  }
0x59: {  	_ =	shalt  }
0x5a: {  	_ =	shalt  }
0x5b: {  	_ =	shalt  }
0x5c: {  	_ =	shalt  }
0x5d: {  	_ =	shalt  }
0x5e: {  	_ =	shalt  }
0x5f: {  	_ =	shalt  }
0x60: {  	_ =	shalt  }
0x61: {  	_ =	shalt  }
0x62: {  	_ =	shalt  }
0x63: {  	_ =	shalt  }
0x64: {  	_ =	shalt  }
0x65: {  	_ =	shalt  }
0x66: {  	_ =	shalt  }
0x67: {  	_ =	shalt  }
0x68: {  	_ =	shalt  }
0x69: {  	_ =	shalt  }
0x6a: {  	_ =	shalt  }
0x6b: {  	_ =	shalt  }
0x6c: {  	_ =	shalt  }
0x6d: {  	_ =	shalt  }
0x6e: {  	_ =	shalt  }
0x6f: {  	_ =	shalt  }
0x70: {  	_ =	shalt  }
0x71: {  	_ =	shalt  }
0x72: {  	_ =	shalt  }
0x73: {  	_ =	shalt  }
0x74: {  	_ =	shalt  }
0x75: {  	_ =	shalt  }
0x76: {  	_ =	shalt  }
0x77: {  	_ =	shalt  }
0x78: {  	_ =	shalt  }
0x79: {  	_ =	shalt  }
0x7a: {  	_ =	shalt  }
0x7b: {  	_ =	shalt  }
0x7c: {  	_ =	shalt  }
0x7d: {  	_ =	shalt  }
0x7e: {  	_ =	shalt  }
0x7f: {  	_ =	shalt  }
0x80: {  	_ =	shalt  }
0x81: {  	_ =	shalt  }
0x82: {  	_ =	shalt  }
0x83: {  	_ =	shalt  }
0x84: {  	_ =	shalt  }
0x85: {  	_ =	shalt  }
0x86: {  	_ =	shalt  }
0x87: {  	_ =	shalt  }
.Lfunc_end0:
.L_simem_size_0:
called_computation_lowered:
.L_overlay_start_0:
0x88: {  	s2 =	sld [smem:$0x3FD9]  }
0x89: {  	s3 =	sld [smem:$0x3FFE];
	_ =	sdelay $0x1  }
0x8a: {  	s1 =	srdreg.scid  }
0x8b: {  	s0 =	sand.u32 $0x1, s1  }
0x8c: {  	s16 =	sshll.u32 s0, $0xA;
	s2 =	sadd.s32 s3, s2  }
0x8d: {  	s2 =	sadd.s32 s2, s16  }
0x8e: {  	[smem:$0x3FB0] =	sst s2  }
0x8f: {  	_ = 	snop  }
0x90: {  	(tm) =	ssettm $0x1  }
0x91: {  	s17 =	sld [smem:$0x3FFB];
	_ =	sdelay $0x3  }
0x92: {  	_ =	strace s17  }
0x93: {  	s2 =	sld [smem:$0x3FFC];
	_ =	sdelay $0x3  }
0x94: {  	_ =	strace s2  }
0x95: {  	s2 =	sld [smem:$0x3FFD];
	_ =	sdelay $0x3  }
0x96: {  	_ =	strace s2  }
0x97: {  	_ =	strace $0x8FFFFFFF  }
0x98: {  	s18 =	sld [smem:$0x3FDB];
	_ =	sdelay $0x1  }
0x99: {  	s19 =	simm.s32 $_scs_section_size  }
0x9a: {  	s4 =	simm.s32 $_size__tile_overlayer_lowered;
	s5 =	simm.s32 $_tile_overlayer_lowered  }
0x9b: {  	s22 =	simm.s32 $0x1BFF;
	s21 =	sshll.u32 s5, $0x1;
	s2 =	sadd.s32 s19, s18  }
0x9c: {  	s6 =	simm.s32 $0x0;
	s20 =	sshll.u32 s4, $0x1;
	s4 =	sadd.s32 s21, s2  }
0x9d: {  	[timem:s6], [sflag:s22] =	dma.local [hbm:s4], s20  }
0x9e: {  	_ =	swait.ge [sflag:s22], s20  }
0x9f: {  	s3 =	ssub.s32 $0x0, s20;
	[sflag:s22] =	ssyncset.done $0x0  }
0xa0: {  	[sflag:s22] =	ssyncadd.s32 s3;
	_ =	sdelay $0x1  }
0xa1: {  	s23 =	simm.s32 $0x1B8B  }
0xa2: {  	_ =	swait.ge [sflag:s23], $0x1  }
0xa3: {  	[sflag:s23] =	ssyncset.done $0x0  }
0xa4: {  	s25 =	simm.s32 $0x1B8E;
	s24 =	sld [smem:$0x3FFE];
	[sflag:s23] =	ssyncadd.s32 $0xFFFFFFFF  }
0xa5: {  	s26 =	simm.s32 $execute0_lowered;
	[smem:$0x3FD2] =	sst s25  }
0xa6: {  	s4 =	sshll.u32 s26, $0x1;
	_ =	strace $0x80000046;
	[dreg:$0x1] =	wrdreg $0xFFFFFFFF  }
0xa7: {  	s28 =	simm.s32 $_size_execute0_lowered;
	s2 =	sadd.s32 s2, s4;
	[dreg:$0x0] =	wrdreg $0x0  }
0xa8: {  	s4 =	sshll.u32 s28, $0x1;
	[dreg:$0x2] =	wrdreg s2  }
0xa9: {  	[dreg:$0x3] =	wrdreg s4  }
0xaa: {  	[dreg:$0x4] =	wrdreg $0xC0  }
0xab: {  	_ =	task [dreg:s6], $0x5FFFF  }
0xac: {  	[dreg:$0x1] =	wrdreg $0xFFFFFFFF  }
0xad: {  	[dreg:$0x0] =	wrdreg $0x60  }
0xae: {  	[dreg:$0x2] =	wrdreg s24  }
0xaf: {  	[dreg:$0x3] =	wrdreg $0x9  }
0xb0: {  	_ =	task.clear_ibuf [dreg:s6], $0x4FFFF;
	_ =	strace $0x90000046  }
0xb1: {  	s29 =	simm.s32 $0x9;
	_ =	strace $0x80000048  }
0xb2: {  	_ =	swait.ge [sflag:s29], $0x1  }
0xb3: {  	[sflag:s29] =	ssyncadd.s32 $0xFFFFFFFF  }
0xb4: {  	_ =	strace $0x90000048  }
0xb5: {  	_ =	sfence  }
0xb6: {  	s30 =	sld [smem:$0x0];
	_ =	sdelay $0x2  }
0xb7: {  	s31 =	sshll.u32 s1, $0xD;
	s1 =	sshrl.u32 s1, $0x2  }
0xb8: {  	s3 =	sand.u32 $0x4000, s31;
	s1 =	sadd.s32 s1, s30  }
0xb9: {  	s0 =	sor.u32 s3, s0;
	s1 =	sshll.u32 s1, $0x11  }
0xba: {  	s0 =	sor.u32 s1, s0  }
0xbb: {  	s0 =	sadd.s32 $0x8F2B, s0  }
0xbc: {  	[sflag:s0] =	ssyncadd.remote.s32 $0x1  }
0xbd: {  	_ =	sfence.sel $0xFFFF  }
0xbe: {  	[dreg:$0x0] =	wrdreg $0xFFFFFFFF;
	(pc) =	sbr.abs _section_cstart, $3  }
0xbf: {  	[dreg:$0x1] =	wrdreg $0xFFFFFFFF  }
0xc0: {  	_ =	task.clear_ibuf [dreg:s6], $0x2FFFF;
	_ =	strace $0x9FFFFFFF  }
0xc1: {  	(tm) =	ssettm $0x7FFFFFFF  }
tec
execute0_lowered:
.L_overlay_start_1:
0x0: {  	(tag) =	ssettag $0x1  }
0x1: {  	s0 =	srdreg.scid  }
0x2: {  	s1 =	stileid.u32;
	s4 =	rddreg [dreg:$0x0];
	s11 =	simm.s32 $0x3  }
0x3: {  	s12 =	simm.s32 $0x100;
	s28 =	simm.s32 $0x5D00;
	s29 =	simm.s32 $0x80  }
0x4: {  	s30 =	simm.s32 $0x6100;
	s31 =	simm.s32 $0x6900;
	s10 =	simm.s32 $0x8D00  }
0x5: {  	s13 =	simm.s32 $0x9100;
	s14 =	simm.s32 $0x9900;
	s15 =	simm.s32 $0x9D00  }
0x6: {  	s16 =	simm.s32 $0xA500;
	s17 =	simm.s32 $0xA900;
	s18 =	simm.s32 $0xB100  }
0x7: {  	s19 =	simm.s32 $0xB500;
	s20 =	simm.s32 $0xBD00;
	s21 =	simm.s32 $0x1  }
0x8: {  	s22 =	simm.s32 $0x2;
	s0 =	sand.u32 $0x1, s0;
	s1 =	sshll.u32 s1, $0xD  }
0x9: {  	s3 =	sadd.s32 $0x7000, s4;
	s9 =	sadd.s32 $0x3000, s4;
	s2 =	sshll.u32 s0, $0xC  }
0xa: {  	s0 =	ssub.s32 $0x2, s0;
	s1 =	sor.u32 s2, s1;
	s2 =	simm.s32 $0x0  }
0xb: {  	s7 =	sshrl.u32 s0, $0x1;
	s5 =	sshrl.u32 s1, $0x3;
	[smem:$0x7FF] =	sst s2  }
0xc: {  	s0 =	ssub.s32 s0, s7;
	s24 =	sor.u32 $0xC0, s1;
	s1 =	sor.u32 $0x80, s1  }
0xd: {  	s6 =	smul.u32 $0x180, s5;
	_ =	strace $0x80000047;
	s23 =	sadd.s32 s9, s5  }
0xe: {  	s5 =	sadd.s32 $0x7100, s4;
	s0 =	smax.u32 s0, $0x1;
	s25 =	sshrl.u32 s1, $0x3  }
0xf: {  	s1 =	simm.s32 $0x6D00;
	[dreg:$0x2] =	wrdreg s23;
	s7 =	sadd.s32 $0x8, s23  }
.Ltmp0:
0x10: {  	[dreg:$0x4] =	wrdreg s0;
	s0 =	simm.s32 $0x7500;
	(pc) =	sbr.rel .LBB2_1-.Ltmp0, $4  }
0x11: {  	s6 =	sadd.s32 s6, s4;
	[dreg:$0x3] =	wrdreg s7;
	s4 =	sshrl.u32 s24, $0x3  }
0x12: {  	v2 =	vlaneseq.u32;
	s7 =	simm.s32 $0x8100;
	s24 =	simm.s32 $0x0;
	s8 =	sadd.s32 s4, s9  }
0x13: {  	vm0 =	vmmov $0xffff;
	vm1 =	vmmov $0xff;
	v1 =	vshrl.u32 v2, $0x3;
	s9 =	sadd.s32 s25, s9;
	s26 =	sadd.s32 $0x67C00, s6;
	s6 =	simm.s32 $0x7900  }
0x14: {  	v0 =	vand.u32 $0x7, v2;
	v2 =	vor.u32 $0x8, v2;
	v1 =	vmul.u32 $0x8, v1;
	s4 =	simm.s32 $0x8500;
	[dreg:$0x5] =	wrdreg s26;
	s26 =	simm.s32 $0x5500  }
.LBB2_6:
0x15: {  	s24 =	rddreg [dreg:$0x6]  }
0x16: {  	s23 =	rddreg [dreg:$0x4];
	s24 =	sadd.s32 $0x1, s24  }
0x17: {  	p0 =	sne.s32 s24, s23  }
.Ltmp1:
0x18: {  	_ = 	snop;
	(pc) =	sbr.rel @!p0 .LBB2_7-.Ltmp1, $1  }
0x19: {  	_ =	sdelay $0x3  }
.LBB2_1:
0x1a: {  	[dreg:$0x6] =	wrdreg s24  }
0x1b: {  	s23 =	rddreg [dreg:$0x2]  }
0x1c: {  	[tilespmem:s2], [sflag:$0x3] =	stream.linear.gather [hbm4b:s23+s2], $0x40, $0x38;
	[tilespmem:$0xC100] =	vst v63  }
0x1d: {  	_ =	swait.ge [sflag:s11], $0x40  }
0x1e: {  	[sflag:s11] =	ssyncset.done $0x0  }
0x1f: {  	[sflag:s11] =	ssyncadd.s32 $0xFFFFFFC0  }
0x20: {  	v3 =	vld [tilespmem:$0x0];
	_ =	sdelay $0x4  }
0x21: {  	v4 =	vshrl.u32 v3, $0x3  }
0x22: {  	v4 =	vmul.u32 $0x18, v4  }
0x23: {  	v3 =	vand.u32 $0x7, v3  }
0x24: {  	v3 =	vor.u32 v3, v4  }
0x25: {  	v4 =	vperm.xlane v3, v0;
	_ =	sdelay $0x1  }
0x26: {  	v4 =	vadd.s32 v1, v4;
	_ =	sdelay $0x1  }
0x27: {  	v3 =	vperm.xlane v3, v2;
	_ =	sdelay $0x1  }
0x28: {  	v3 =	vadd.s32 v1, v3  }
0x29: {  	[tilespmem:s12], [sflag:$0x1] =	stream.indirect_vreg.gather [hbm4b:s3+s2], $0x80, v4, vm0, $0xb8;
	[tilespmem:$0xC100] =	vst v63  }
0x2a: {  	s24 =	simm.s32 $0x900  }
0x2b: {  	[tilespmem:s24], [sflag:$0x1] =	stream.indirect_vreg.gather [hbm4b:s5+s2], $0x80, v4, vm1, $0xb8;
	[tilespmem:$0xC100] =	vst v63  }
0x2c: {  	s25 =	simm.s32 $0xD00  }
0x2d: {  	[tilespmem:s25], [sflag:$0x1] =	stream.indirect_vreg.gather [hbm4b:s3+s2], $0x80, v3, vm0, $0xb8;
	[tilespmem:$0xC100] =	vst v63  }
0x2e: {  	s24 =	simm.s32 $0x1500  }
0x2f: {  	[tilespmem:s24], [sflag:$0x1] =	stream.indirect_vreg.gather [hbm4b:s5+s2], $0x80, v3, vm1, $0xb8;
	[tilespmem:$0xC100] =	vst v63  }
0x30: {  	v3 =	vld [tilespmem:$0x10];
	_ =	sdelay $0x4  }
0x31: {  	v57 =	vshrl.u32 v3, $0x3  }
0x32: {  	v4 =	vmul.u32 $0x18, v57  }
0x33: {  	v3 =	vand.u32 $0x7, v3  }
0x34: {  	v3 =	vor.u32 v3, v4  }
0x35: {  	v4 =	vperm.xlane v3, v0;
	_ =	sdelay $0x1  }
0x36: {  	v4 =	vadd.s32 v1, v4;
	_ =	sdelay $0x1  }
0x37: {  	v3 =	vperm.xlane v3, v2;
	_ =	sdelay $0x1  }
0x38: {  	s25 =	simm.s32 $0x1900;
	v3 =	vadd.s32 v1, v3  }
0x39: {  	[tilespmem:s25], [sflag:$0x1] =	stream.indirect_vreg.gather [hbm4b:s3+s2], $0x80, v4, vm0, $0xb8;
	[tilespmem:$0xC100] =	vst v63  }
0x3a: {  	s24 =	simm.s32 $0x2100  }
0x3b: {  	[tilespmem:s24], [sflag:$0x1] =	stream.indirect_vreg.gather [hbm4b:s5+s2], $0x80, v4, vm1, $0xb8;
	[tilespmem:$0xC100] =	vst v63  }
0x3c: {  	s25 =	simm.s32 $0x2500  }
0x3d: {  	[tilespmem:s25], [sflag:$0x1] =	stream.indirect_vreg.gather [hbm4b:s3+s2], $0x80, v3, vm0, $0xb8;
	[tilespmem:$0xC100] =	vst v63  }
0x3e: {  	s24 =	simm.s32 $0x2D00  }
0x3f: {  	[tilespmem:s24], [sflag:$0x1] =	stream.indirect_vreg.gather [hbm4b:s5+s2], $0x80, v3, vm1, $0xb8;
	[tilespmem:$0xC100] =	vst v63  }
0x40: {  	v3 =	vld [tilespmem:$0x20];
	_ =	sdelay $0x4  }
0x41: {  	v58 =	vshrl.u32 v3, $0x3  }
0x42: {  	v4 =	vmul.u32 $0x18, v58  }
0x43: {  	v3 =	vand.u32 $0x7, v3  }
0x44: {  	v3 =	vor.u32 v3, v4  }
0x45: {  	v4 =	vperm.xlane v3, v0;
	_ =	sdelay $0x1  }
0x46: {  	v4 =	vadd.s32 v1, v4;
	_ =	sdelay $0x1  }
0x47: {  	v3 =	vperm.xlane v3, v2;
	_ =	sdelay $0x1  }
0x48: {  	s25 =	simm.s32 $0x3100;
	v3 =	vadd.s32 v1, v3  }
0x49: {  	[tilespmem:s25], [sflag:$0x1] =	stream.indirect_vreg.gather [hbm4b:s3+s2], $0x80, v4, vm0, $0xb8;
	[tilespmem:$0xC100] =	vst v63  }
0x4a: {  	s24 =	simm.s32 $0x3900  }
0x4b: {  	[tilespmem:s24], [sflag:$0x1] =	stream.indirect_vreg.gather [hbm4b:s5+s2], $0x80, v4, vm1, $0xb8;
	[tilespmem:$0xC100] =	vst v63  }
0x4c: {  	s25 =	simm.s32 $0x3D00  }
0x4d: {  	[tilespmem:s25], [sflag:$0x1] =	stream.indirect_vreg.gather [hbm4b:s3+s2], $0x80, v3, vm0, $0xb8;
	[tilespmem:$0xC100] =	vst v63  }
0x4e: {  	s24 =	simm.s32 $0x4500  }
0x4f: {  	[tilespmem:s24], [sflag:$0x1] =	stream.indirect_vreg.gather [hbm4b:s5+s2], $0x80, v3, vm1, $0xb8;
	[tilespmem:$0xC100] =	vst v63  }
0x50: {  	v3 =	vld [tilespmem:$0x30];
	_ =	sdelay $0x4  }
0x51: {  	v59 =	vshrl.u32 v3, $0x3  }
0x52: {  	v4 =	vmul.u32 $0x18, v59  }
0x53: {  	v3 =	vand.u32 $0x7, v3  }
0x54: {  	v3 =	vor.u32 v3, v4  }
0x55: {  	v4 =	vperm.xlane v3, v0;
	_ =	sdelay $0x1  }
0x56: {  	v4 =	vadd.s32 v1, v4;
	_ =	sdelay $0x1  }
0x57: {  	v3 =	vperm.xlane v3, v2;
	_ =	sdelay $0x1  }
0x58: {  	s25 =	simm.s32 $0x4900;
	v3 =	vadd.s32 v1, v3  }
0x59: {  	[tilespmem:s25], [sflag:$0x1] =	stream.indirect_vreg.gather [hbm4b:s3+s2], $0x80, v4, vm0, $0xb8;
	[tilespmem:$0xC100] =	vst v63  }
0x5a: {  	s24 =	simm.s32 $0x5100  }
0x5b: {  	[tilespmem:s24], [sflag:$0x1] =	stream.indirect_vreg.gather [hbm4b:s5+s2], $0x80, v4, vm1, $0xb8;
	[tilespmem:$0xC100] =	vst v63  }
0x5c: {  	_ = 	snop  }
0x5d: {  	[tilespmem:s26], [sflag:$0x1] =	stream.indirect_vreg.gather [hbm4b:s3+s2], $0x80, v3, vm0, $0xb8;
	[tilespmem:$0xC100] =	vst v63  }
0x5e: {  	_ = 	snop  }
0x5f: {  	[tilespmem:s28], [sflag:$0x1] =	stream.indirect_vreg.gather [hbm4b:s5+s2], $0x80, v3, vm1, $0xb8;
	[tilespmem:$0xC100] =	vst v63  }
0x60: {  	s25 =	rddreg [dreg:$0x3]  }
0x61: {  	[tilespmem:s29], [sflag:$0x3] =	stream.linear.gather [hbm4b:s25+s2], $0x40, $0x38;
	[tilespmem:$0xC100] =	vst v63  }
0x62: {  	_ =	swait.ge [sflag:s11], $0x40  }
0x63: {  	[sflag:s11] =	ssyncset.done $0x0  }
0x64: {  	[sflag:s11] =	ssyncadd.s32 $0xFFFFFFC0  }
0x65: {  	v3 =	vld [tilespmem:$0x80];
	_ =	sdelay $0x4  }
0x66: {  	v60 =	vshrl.u32 v3, $0x3  }
0x67: {  	v4 =	vmul.u32 $0x18, v60  }
0x68: {  	v3 =	vand.u32 $0x7, v3  }
0x69: {  	v3 =	vor.u32 v3, v4  }
0x6a: {  	v4 =	vperm.xlane v3, v0;
	_ =	sdelay $0x1  }
0x6b: {  	v4 =	vadd.s32 v1, v4;
	_ =	sdelay $0x1  }
0x6c: {  	v3 =	vperm.xlane v3, v2;
	_ =	sdelay $0x1  }
0x6d: {  	v3 =	vadd.s32 v1, v3  }
0x6e: {  	[tilespmem:s30], [sflag:$0x2] =	stream.indirect_vreg.gather [hbm4b:s3+s2], $0x80, v4, vm0, $0xb8;
	[tilespmem:$0xC100] =	vst v63  }
0x6f: {  	_ = 	snop  }
0x70: {  	[tilespmem:s31], [sflag:$0x2] =	stream.indirect_vreg.gather [hbm4b:s5+s2], $0x80, v4, vm1, $0xb8;
	[tilespmem:$0xC100] =	vst v63  }
0x71: {  	_ = 	snop  }
0x72: {  	[tilespmem:s1], [sflag:$0x2] =	stream.indirect_vreg.gather [hbm4b:s3+s2], $0x80, v3, vm0, $0xb8;
	[tilespmem:$0xC100] =	vst v63  }
0x73: {  	_ = 	snop  }
0x74: {  	[tilespmem:s0], [sflag:$0x2] =	stream.indirect_vreg.gather [hbm4b:s5+s2], $0x80, v3, vm1, $0xb8;
	[tilespmem:$0xC100] =	vst v63  }
0x75: {  	v3 =	vld [tilespmem:$0x90];
	_ =	sdelay $0x4  }
0x76: {  	v61 =	vshrl.u32 v3, $0x3  }
0x77: {  	v4 =	vmul.u32 $0x18, v61  }
0x78: {  	v3 =	vand.u32 $0x7, v3  }
0x79: {  	v3 =	vor.u32 v3, v4  }
0x7a: {  	v4 =	vperm.xlane v3, v0;
	_ =	sdelay $0x1  }
0x7b: {  	v4 =	vadd.s32 v1, v4;
	_ =	sdelay $0x1  }
0x7c: {  	v3 =	vperm.xlane v3, v2;
	_ =	sdelay $0x1  }
0x7d: {  	v3 =	vadd.s32 v1, v3  }
0x7e: {  	[tilespmem:s6], [sflag:$0x2] =	stream.indirect_vreg.gather [hbm4b:s3+s2], $0x80, v4, vm0, $0xb8;
	[tilespmem:$0xC100] =	vst v63  }
0x7f: {  	_ = 	snop  }
0x80: {  	[tilespmem:s7], [sflag:$0x2] =	stream.indirect_vreg.gather [hbm4b:s5+s2], $0x80, v4, vm1, $0xb8;
	[tilespmem:$0xC100] =	vst v63  }
0x81: {  	_ = 	snop  }
0x82: {  	[tilespmem:s4], [sflag:$0x2] =	stream.indirect_vreg.gather [hbm4b:s3+s2], $0x80, v3, vm0, $0xb8;
	[tilespmem:$0xC100] =	vst v63  }
0x83: {  	_ = 	snop  }
0x84: {  	[tilespmem:s10], [sflag:$0x2] =	stream.indirect_vreg.gather [hbm4b:s5+s2], $0x80, v3, vm1, $0xb8;
	[tilespmem:$0xC100] =	vst v63  }
0x85: {  	v3 =	vld [tilespmem:$0xA0];
	_ =	sdelay $0x4  }
0x86: {  	v62 =	vshrl.u32 v3, $0x3  }
0x87: {  	v4 =	vmul.u32 $0x18, v62  }
0x88: {  	v3 =	vand.u32 $0x7, v3  }
0x89: {  	v3 =	vor.u32 v3, v4  }
0x8a: {  	v4 =	vperm.xlane v3, v0;
	_ =	sdelay $0x1  }
0x8b: {  	v4 =	vadd.s32 v1, v4;
	_ =	sdelay $0x1  }
0x8c: {  	v3 =	vperm.xlane v3, v2;
	_ =	sdelay $0x1  }
0x8d: {  	v3 =	vadd.s32 v1, v3  }
0x8e: {  	[tilespmem:s13], [sflag:$0x2] =	stream.indirect_vreg.gather [hbm4b:s3+s2], $0x80, v4, vm0, $0xb8;
	[tilespmem:$0xC100] =	vst v63  }
0x8f: {  	_ = 	snop  }
0x90: {  	[tilespmem:s14], [sflag:$0x2] =	stream.indirect_vreg.gather [hbm4b:s5+s2], $0x80, v4, vm1, $0xb8;
	[tilespmem:$0xC100] =	vst v63  }
0x91: {  	_ = 	snop  }
0x92: {  	[tilespmem:s15], [sflag:$0x2] =	stream.indirect_vreg.gather [hbm4b:s3+s2], $0x80, v3, vm0, $0xb8;
	[tilespmem:$0xC100] =	vst v63  }
0x93: {  	_ = 	snop  }
0x94: {  	[tilespmem:s16], [sflag:$0x2] =	stream.indirect_vreg.gather [hbm4b:s5+s2], $0x80, v3, vm1, $0xb8;
	[tilespmem:$0xC100] =	vst v63  }
0x95: {  	v3 =	vld [tilespmem:$0xB0];
	_ =	sdelay $0x4  }
0x96: {  	v63 =	vshrl.u32 v3, $0x3  }
0x97: {  	v4 =	vmul.u32 $0x18, v63  }
0x98: {  	v3 =	vand.u32 $0x7, v3  }
0x99: {  	v3 =	vor.u32 v3, v4  }
0x9a: {  	v4 =	vperm.xlane v3, v0;
	_ =	sdelay $0x1  }
0x9b: {  	v4 =	vadd.s32 v1, v4;
	_ =	sdelay $0x1  }
0x9c: {  	v3 =	vperm.xlane v3, v2;
	_ =	sdelay $0x1  }
0x9d: {  	v3 =	vadd.s32 v1, v3  }
0x9e: {  	[tilespmem:s17], [sflag:$0x2] =	stream.indirect_vreg.gather [hbm4b:s3+s2], $0x80, v4, vm0, $0xb8;
	[tilespmem:$0xC100] =	vst v63  }
0x9f: {  	_ = 	snop  }
0xa0: {  	[tilespmem:s18], [sflag:$0x2] =	stream.indirect_vreg.gather [hbm4b:s5+s2], $0x80, v4, vm1, $0xb8;
	[tilespmem:$0xC100] =	vst v63  }
0xa1: {  	_ = 	snop  }
0xa2: {  	[tilespmem:s19], [sflag:$0x2] =	stream.indirect_vreg.gather [hbm4b:s3+s2], $0x80, v3, vm0, $0xb8;
	[tilespmem:$0xC100] =	vst v63  }
0xa3: {  	s24 =	simm.s32 $0x0;
	s23 =	rddreg [dreg:$0x5]  }
0xa4: {  	[tilespmem:s20], [sflag:$0x2] =	stream.indirect_vreg.gather [hbm4b:s5+s2], $0x80, v3, vm1, $0xb8;
	[tilespmem:$0xC100] =	vst v63  }
.LBB2_2:
0xa5: {  	_ =	swait.ge [sflag:s21], $0x6000  }
0xa6: {  	p0 =	seq.s32 s24, $0x1F0;
	[sflag:s21] =	ssyncset.done $0x0  }
.Ltmp2:
0xa7: {  	s25 =	sadd.s32 $0xFFFFF400, s23;
	[sflag:s21] =	ssyncadd.s32 $0xFFFFA000;
	(pc) =	sbr.rel @p0 .LBB2_4-.Ltmp2, $4  }
0xa8: {  	[hbm4b:s25+s2] =	stream.linear.scatter [tilespmem:s12], [sflag:$0x3], $0x6000, $0x38;
	[tilespmem:$0xC100] =	vst v63  }
0xa9: {  	_ =	swait.ge [sflag:s11], $0x6000  }
0xaa: {  	[sflag:s11] =	ssyncset.done $0x0  }
0xab: {  	[sflag:s11] =	ssyncadd.s32 $0xFFFFA000  }
0xac: {  	s25 =	sadd.s32 s24, s9  }
0xad: {  	[tilespmem:s2], [sflag:$0x3] =	stream.linear.gather [hbm4b:s25+s2], $0x40, $0x38;
	[tilespmem:$0xC100] =	vst v63  }
0xae: {  	_ =	swait.ge [sflag:s11], $0x40  }
0xaf: {  	[sflag:s11] =	ssyncset.done $0x0  }
0xb0: {  	[sflag:s11] =	ssyncadd.s32 $0xFFFFFFC0  }
0xb1: {  	v3 =	vld [tilespmem:$0x0];
	_ =	sdelay $0x4  }
0xb2: {  	v4 =	vshrl.u32 v3, $0x3  }
0xb3: {  	v4 =	vmul.u32 $0x18, v4  }
0xb4: {  	v3 =	vand.u32 $0x7, v3  }
0xb5: {  	v3 =	vor.u32 v3, v4  }
0xb6: {  	v4 =	vperm.xlane v3, v0;
	_ =	sdelay $0x1  }
0xb7: {  	v4 =	vadd.s32 v1, v4;
	_ =	sdelay $0x1  }
0xb8: {  	v3 =	vperm.xlane v3, v2;
	_ =	sdelay $0x1  }
0xb9: {  	v3 =	vadd.s32 v1, v3  }
0xba: {  	[tilespmem:s12], [sflag:$0x1] =	stream.indirect_vreg.gather [hbm4b:s3+s2], $0x80, v4, vm0, $0xb8;
	[tilespmem:$0xC100] =	vst v63  }
0xbb: {  	s25 =	simm.s32 $0x900  }
0xbc: {  	[tilespmem:s25], [sflag:$0x1] =	stream.indirect_vreg.gather [hbm4b:s5+s2], $0x80, v4, vm1, $0xb8;
	[tilespmem:$0xC100] =	vst v63  }
0xbd: {  	s25 =	simm.s32 $0xD00  }
0xbe: {  	[tilespmem:s25], [sflag:$0x1] =	stream.indirect_vreg.gather [hbm4b:s3+s2], $0x80, v3, vm0, $0xb8;
	[tilespmem:$0xC100] =	vst v63  }
0xbf: {  	s25 =	simm.s32 $0x1500  }
0xc0: {  	[tilespmem:s25], [sflag:$0x1] =	stream.indirect_vreg.gather [hbm4b:s5+s2], $0x80, v3, vm1, $0xb8;
	[tilespmem:$0xC100] =	vst v63  }
0xc1: {  	v3 =	vld [tilespmem:$0x10];
	_ =	sdelay $0x4  }
0xc2: {  	v61 =	vshrl.u32 v3, $0x3  }
0xc3: {  	v4 =	vmul.u32 $0x18, v61  }
0xc4: {  	v3 =	vand.u32 $0x7, v3  }
0xc5: {  	v3 =	vor.u32 v3, v4  }
0xc6: {  	v4 =	vperm.xlane v3, v0;
	_ =	sdelay $0x1  }
0xc7: {  	v4 =	vadd.s32 v1, v4;
	_ =	sdelay $0x1  }
0xc8: {  	v3 =	vperm.xlane v3, v2;
	_ =	sdelay $0x1  }
0xc9: {  	s25 =	simm.s32 $0x1900;
	v3 =	vadd.s32 v1, v3  }
0xca: {  	[tilespmem:s25], [sflag:$0x1] =	stream.indirect_vreg.gather [hbm4b:s3+s2], $0x80, v4, vm0, $0xb8;
	[tilespmem:$0xC100] =	vst v63  }
0xcb: {  	s25 =	simm.s32 $0x2100  }
0xcc: {  	[tilespmem:s25], [sflag:$0x1] =	stream.indirect_vreg.gather [hbm4b:s5+s2], $0x80, v4, vm1, $0xb8;
	[tilespmem:$0xC100] =	vst v63  }
0xcd: {  	s25 =	simm.s32 $0x2500  }
0xce: {  	[tilespmem:s25], [sflag:$0x1] =	stream.indirect_vreg.gather [hbm4b:s3+s2], $0x80, v3, vm0, $0xb8;
	[tilespmem:$0xC100] =	vst v63  }
0xcf: {  	s25 =	simm.s32 $0x2D00  }
0xd0: {  	[tilespmem:s25], [sflag:$0x1] =	stream.indirect_vreg.gather [hbm4b:s5+s2], $0x80, v3, vm1, $0xb8;
	[tilespmem:$0xC100] =	vst v63  }
0xd1: {  	v3 =	vld [tilespmem:$0x20];
	_ =	sdelay $0x4  }
0xd2: {  	v62 =	vshrl.u32 v3, $0x3  }
0xd3: {  	v4 =	vmul.u32 $0x18, v62  }
0xd4: {  	v3 =	vand.u32 $0x7, v3  }
0xd5: {  	v3 =	vor.u32 v3, v4  }
0xd6: {  	v4 =	vperm.xlane v3, v0;
	_ =	sdelay $0x1  }
0xd7: {  	v4 =	vadd.s32 v1, v4;
	_ =	sdelay $0x1  }
0xd8: {  	v3 =	vperm.xlane v3, v2;
	_ =	sdelay $0x1  }
0xd9: {  	s25 =	simm.s32 $0x3100;
	v3 =	vadd.s32 v1, v3  }
0xda: {  	[tilespmem:s25], [sflag:$0x1] =	stream.indirect_vreg.gather [hbm4b:s3+s2], $0x80, v4, vm0, $0xb8;
	[tilespmem:$0xC100] =	vst v63  }
0xdb: {  	s25 =	simm.s32 $0x3900  }
0xdc: {  	[tilespmem:s25], [sflag:$0x1] =	stream.indirect_vreg.gather [hbm4b:s5+s2], $0x80, v4, vm1, $0xb8;
	[tilespmem:$0xC100] =	vst v63  }
0xdd: {  	s25 =	simm.s32 $0x3D00  }
0xde: {  	[tilespmem:s25], [sflag:$0x1] =	stream.indirect_vreg.gather [hbm4b:s3+s2], $0x80, v3, vm0, $0xb8;
	[tilespmem:$0xC100] =	vst v63  }
0xdf: {  	s25 =	simm.s32 $0x4500  }
0xe0: {  	[tilespmem:s25], [sflag:$0x1] =	stream.indirect_vreg.gather [hbm4b:s5+s2], $0x80, v3, vm1, $0xb8;
	[tilespmem:$0xC100] =	vst v63  }
0xe1: {  	v3 =	vld [tilespmem:$0x30];
	_ =	sdelay $0x4  }
0xe2: {  	v63 =	vshrl.u32 v3, $0x3  }
0xe3: {  	v4 =	vmul.u32 $0x18, v63  }
0xe4: {  	v3 =	vand.u32 $0x7, v3  }
0xe5: {  	v3 =	vor.u32 v3, v4  }
0xe6: {  	v4 =	vperm.xlane v3, v0;
	_ =	sdelay $0x1  }
0xe7: {  	v4 =	vadd.s32 v1, v4;
	_ =	sdelay $0x1  }
0xe8: {  	v3 =	vperm.xlane v3, v2;
	_ =	sdelay $0x1  }
0xe9: {  	s25 =	simm.s32 $0x4900;
	v3 =	vadd.s32 v1, v3  }
0xea: {  	[tilespmem:s25], [sflag:$0x1] =	stream.indirect_vreg.gather [hbm4b:s3+s2], $0x80, v4, vm0, $0xb8;
	[tilespmem:$0xC100] =	vst v63  }
0xeb: {  	s25 =	simm.s32 $0x5100  }
0xec: {  	[tilespmem:s25], [sflag:$0x1] =	stream.indirect_vreg.gather [hbm4b:s5+s2], $0x80, v4, vm1, $0xb8;
	[tilespmem:$0xC100] =	vst v63  }
0xed: {  	_ = 	snop  }
0xee: {  	[tilespmem:s26], [sflag:$0x1] =	stream.indirect_vreg.gather [hbm4b:s3+s2], $0x80, v3, vm0, $0xb8;
	[tilespmem:$0xC100] =	vst v63  }
0xef: {  	_ = 	snop  }
0xf0: {  	[tilespmem:s28], [sflag:$0x1] =	stream.indirect_vreg.gather [hbm4b:s5+s2], $0x80, v3, vm1, $0xb8;
	[tilespmem:$0xC100] =	vst v63  }
.LBB2_4:
0xf1: {  	_ =	swait.ge [sflag:s22], $0x6000  }
0xf2: {  	[sflag:s22] =	ssyncset.done $0x0  }
.Ltmp3:
0xf3: {  	[sflag:s22] =	ssyncadd.s32 $0xFFFFA000;
	(pc) =	sbr.rel @p0 .LBB2_6-.Ltmp3, $4  }
0xf4: {  	[hbm4b:s23+s2] =	stream.linear.scatter [tilespmem:s30], [sflag:$0x3], $0x6000, $0x38;
	[tilespmem:$0xC100] =	vst v63  }
0xf5: {  	_ =	swait.ge [sflag:s11], $0x6000  }
0xf6: {  	[sflag:s11] =	ssyncset.done $0x0  }
0xf7: {  	[sflag:s11] =	ssyncadd.s32 $0xFFFFA000  }
0xf8: {  	s25 =	sadd.s32 s24, s8  }
0xf9: {  	[tilespmem:s29], [sflag:$0x3] =	stream.linear.gather [hbm4b:s25+s2], $0x40, $0x38;
	[tilespmem:$0xC100] =	vst v63  }
0xfa: {  	_ =	swait.ge [sflag:s11], $0x40  }
0xfb: {  	[sflag:s11] =	ssyncset.done $0x0  }
0xfc: {  	[sflag:s11] =	ssyncadd.s32 $0xFFFFFFC0  }
0xfd: {  	v3 =	vld [tilespmem:$0x80];
	_ =	sdelay $0x4  }
0xfe: {  	v4 =	vshrl.u32 v3, $0x3  }
0xff: {  	v4 =	vmul.u32 $0x18, v4  }
0x100: {  	v3 =	vand.u32 $0x7, v3  }
0x101: {  	v3 =	vor.u32 v3, v4  }
0x102: {  	v4 =	vperm.xlane v3, v0;
	_ =	sdelay $0x1  }
0x103: {  	v4 =	vadd.s32 v1, v4;
	_ =	sdelay $0x1  }
0x104: {  	v3 =	vperm.xlane v3, v2;
	_ =	sdelay $0x1  }
0x105: {  	v3 =	vadd.s32 v1, v3  }
0x106: {  	[tilespmem:s30], [sflag:$0x2] =	stream.indirect_vreg.gather [hbm4b:s3+s2], $0x80, v4, vm0, $0xb8;
	[tilespmem:$0xC100] =	vst v63  }
0x107: {  	_ = 	snop  }
0x108: {  	[tilespmem:s31], [sflag:$0x2] =	stream.indirect_vreg.gather [hbm4b:s5+s2], $0x80, v4, vm1, $0xb8;
	[tilespmem:$0xC100] =	vst v63  }
0x109: {  	_ = 	snop  }
0x10a: {  	[tilespmem:s1], [sflag:$0x2] =	stream.indirect_vreg.gather [hbm4b:s3+s2], $0x80, v3, vm0, $0xb8;
	[tilespmem:$0xC100] =	vst v63  }
0x10b: {  	_ = 	snop  }
0x10c: {  	[tilespmem:s0], [sflag:$0x2] =	stream.indirect_vreg.gather [hbm4b:s5+s2], $0x80, v3, vm1, $0xb8;
	[tilespmem:$0xC100] =	vst v63  }
0x10d: {  	v3 =	vld [tilespmem:$0x90];
	_ =	sdelay $0x4  }
0x10e: {  	v61 =	vshrl.u32 v3, $0x3  }
0x10f: {  	v4 =	vmul.u32 $0x18, v61  }
0x110: {  	v3 =	vand.u32 $0x7, v3  }
0x111: {  	v3 =	vor.u32 v3, v4  }
0x112: {  	v4 =	vperm.xlane v3, v0;
	_ =	sdelay $0x1  }
0x113: {  	v4 =	vadd.s32 v1, v4;
	_ =	sdelay $0x1  }
0x114: {  	v3 =	vperm.xlane v3, v2;
	_ =	sdelay $0x1  }
0x115: {  	v3 =	vadd.s32 v1, v3  }
0x116: {  	[tilespmem:s6], [sflag:$0x2] =	stream.indirect_vreg.gather [hbm4b:s3+s2], $0x80, v4, vm0, $0xb8;
	[tilespmem:$0xC100] =	vst v63  }
0x117: {  	_ = 	snop  }
0x118: {  	[tilespmem:s7], [sflag:$0x2] =	stream.indirect_vreg.gather [hbm4b:s5+s2], $0x80, v4, vm1, $0xb8;
	[tilespmem:$0xC100] =	vst v63  }
0x119: {  	_ = 	snop  }
0x11a: {  	[tilespmem:s4], [sflag:$0x2] =	stream.indirect_vreg.gather [hbm4b:s3+s2], $0x80, v3, vm0, $0xb8;
	[tilespmem:$0xC100] =	vst v63  }
0x11b: {  	_ = 	snop  }
0x11c: {  	[tilespmem:s10], [sflag:$0x2] =	stream.indirect_vreg.gather [hbm4b:s5+s2], $0x80, v3, vm1, $0xb8;
	[tilespmem:$0xC100] =	vst v63  }
0x11d: {  	v3 =	vld [tilespmem:$0xA0];
	_ =	sdelay $0x4  }
0x11e: {  	v62 =	vshrl.u32 v3, $0x3  }
0x11f: {  	v4 =	vmul.u32 $0x18, v62  }
0x120: {  	v3 =	vand.u32 $0x7, v3  }
0x121: {  	v3 =	vor.u32 v3, v4  }
0x122: {  	v4 =	vperm.xlane v3, v0;
	_ =	sdelay $0x1  }
0x123: {  	v4 =	vadd.s32 v1, v4;
	_ =	sdelay $0x1  }
0x124: {  	v3 =	vperm.xlane v3, v2;
	_ =	sdelay $0x1  }
0x125: {  	v3 =	vadd.s32 v1, v3  }
0x126: {  	[tilespmem:s13], [sflag:$0x2] =	stream.indirect_vreg.gather [hbm4b:s3+s2], $0x80, v4, vm0, $0xb8;
	[tilespmem:$0xC100] =	vst v63  }
0x127: {  	_ = 	snop  }
0x128: {  	[tilespmem:s14], [sflag:$0x2] =	stream.indirect_vreg.gather [hbm4b:s5+s2], $0x80, v4, vm1, $0xb8;
	[tilespmem:$0xC100] =	vst v63  }
0x129: {  	_ = 	snop  }
0x12a: {  	[tilespmem:s15], [sflag:$0x2] =	stream.indirect_vreg.gather [hbm4b:s3+s2], $0x80, v3, vm0, $0xb8;
	[tilespmem:$0xC100] =	vst v63  }
0x12b: {  	_ = 	snop  }
0x12c: {  	[tilespmem:s16], [sflag:$0x2] =	stream.indirect_vreg.gather [hbm4b:s5+s2], $0x80, v3, vm1, $0xb8;
	[tilespmem:$0xC100] =	vst v63  }
0x12d: {  	v3 =	vld [tilespmem:$0xB0];
	_ =	sdelay $0x4  }
0x12e: {  	v63 =	vshrl.u32 v3, $0x3  }
0x12f: {  	v4 =	vmul.u32 $0x18, v63  }
0x130: {  	v3 =	vand.u32 $0x7, v3  }
0x131: {  	v3 =	vor.u32 v3, v4  }
0x132: {  	v4 =	vperm.xlane v3, v0;
	_ =	sdelay $0x1  }
0x133: {  	v4 =	vadd.s32 v1, v4;
	_ =	sdelay $0x2  }
0x134: {  	v3 =	vperm.xlane v3, v2;
	_ =	sdelay $0x1  }
0x135: {  	v3 =	vadd.s32 v1, v3;
	[tilespmem:s17], [sflag:$0x2] =	stream.indirect_vreg.gather [hbm4b:s3+s2], $0x80, v4, vm0, $0xb8;
	[tilespmem:$0xC100] =	vst v63  }
0x136: {  	_ = 	snop  }
0x137: {  	[tilespmem:s18], [sflag:$0x2] =	stream.indirect_vreg.gather [hbm4b:s5+s2], $0x80, v4, vm1, $0xb8;
	[tilespmem:$0xC100] =	vst v63  }
.Ltmp4:
0x138: {  	_ = 	snop;
	(pc) =	sbr.rel .LBB2_2-.Ltmp4, $4  }
0x139: {  	_ = 	snop  }
0x13a: {  	[tilespmem:s19], [sflag:$0x2] =	stream.indirect_vreg.gather [hbm4b:s3+s2], $0x80, v3, vm0, $0xb8;
	[tilespmem:$0xC100] =	vst v63  }
0x13b: {  	s24 =	sadd.s32 $0x10, s24;
	s23 =	sadd.s32 $0x1800, s23  }
0x13c: {  	[tilespmem:s20], [sflag:$0x2] =	stream.indirect_vreg.gather [hbm4b:s5+s2], $0x80, v3, vm1, $0xb8;
	[tilespmem:$0xC100] =	vst v63  }
.LBB2_7:
0x13d: {  	_ =	sfence.sel $0x180000  }
0x13e: {  	[bflag:$0x0] =	sbarrier.arrive $0xFFFF  }
0x13f: {  	_ =	strace $0x90000047  }
0x140: {  	s0 =	stileid.u32;
	[bflag:$0x2] =	sbarrier.arrive $0xFFFF  }
0x141: {  	p0 =	sne.s32 s0, $0x0;
	s0 =	rddreg [dreg:$0x1]  }
0x142: {  	s0 =	sadd.s32 @!p0 $0x100000, s0  }
0x143: {  	[sflag:s0] =	ssyncadd.tile.s32 @!p0 $0x1;
	_ =	shalt  }
.Lfunc_end2:
_tile_overlayer_lowered:
.L_overlay_start_2:
0x144: {  	(tag) =	ssettag $0x2  }
0x145: {  	s0 =	rddreg [dreg:$0x0];
	s2 =	stileid.u32  }
0x146: {  	s1 =	rddreg [dreg:$0x1];
	p0 =	sne.s32 s2, $0x0  }
0x147: {  	s3 =	rddreg [dreg:$0x2];
	[bflag:$0x3] =	sbarrier.arrive $0xFFFF;
	s2 =	simm.s32 @!p0 $0x1C03  }
0x148: {  	[timem:s3], [sflag:s2] =	dma.local @!p0 [hbm:s0], s1  }
0x149: {  	s0 =	simm.s32 @!p0 $0x3  }
0x14a: {  	_ =	swait.ge @!p0 [sflag:s0], s1  }
0x14b: {  	s1 =	ssub.s32 @!p0 $0x0, s1;
	[sflag:s0] =	ssyncset.done @!p0 $0x0  }
0x14c: {  	[sflag:s0] =	ssyncadd.s32 @!p0 s1  }
0x14d: {  	[bflag:$0x3] =	sbarrier.arrive $0xFFFF  }
0x14e: {  	_ =	shalt  }

</sc_bundles>
